<compile_context>
chip_gen: v7x
topology: tpu7x:2x2x1
jax: 0.10.2.dev20260603
libtpu: 0.0.44.dev20260713+nightly
codegen_flags: <defaults>
</compile_context>

<pallas_src>
import jax
import jax.numpy as jnp
from jax import lax
from jax.experimental import pallas as pl
from jax.experimental.pallas import tpu as pltpu
from jax.experimental.pallas import tpu_sc as plsc

S = 2048
R = 128
A = 16
MEM = 64
NC, NS = 2, 16
NW = NC * NS
P_PER_W = S // NW
K_PER_W = P_PER_W * R
HIST = 2 * R
CHUNK = K_PER_W + HIST
TR = S // 8
RH = R // 2


def _sc_body(codes_hbm, t2_hbm, t3_hbm, out_hbm,
             codes_v, idx2_v, idx3_v, gbuf_v, zbuf_v, gsem, ssem):
    cid = lax.axis_index("c")
    sid = lax.axis_index("s")
    wid = sid * NC + cid
    base_k = wid * K_PER_W
    start = pl.multiple_of(jnp.maximum(base_k - HIST, 0), HIST)
    off = base_k - start

    pltpu.sync_copy(codes_hbm.at[pl.ds(start, CHUNK)], codes_v)

    lanes2 = lax.iota(jnp.int32, 16) * 2

    @pl.loop(0, P_PER_W)
    def _(p):
        for rb in range(2):
            for jjr in range(RH // 16):
                kvec = (off + p * R + rb + jjr * 32) + lanes2
                c0 = plsc.load_gather(codes_v, [kvec])
                c1 = plsc.load_gather(codes_v, [jnp.maximum(kvec - R, 0)])
                c2 = plsc.load_gather(codes_v, [jnp.maximum(kvec - 2 * R, 0)])
                rvec = (lanes2 + (jjr * 32 + rb))
                idx2_v[p, rb, pl.ds(jjr * 16, 16)] = (
                    rvec * (A * A) + c1 + c0 * A)
                idx3_v[p, rb, pl.ds(jjr * 16, 16)] = (
                    rvec * (A * A * A) + c2 + c1 * A + c0 * (A * A))

    @pl.when(wid == 0)
    def _():
        @pl.loop(0, MEM)
        def _(i):
            for c in range(2 * MEM // 16):
                zbuf_v[i, pl.ds(c * 16, 16)] = jnp.zeros((16,), jnp.float32)

    def issue_gathers(p, b):
        pltpu.async_copy(t2_hbm.at[idx2_v.at[p, 0]], gbuf_v.at[b, 0, 0], gsem)
        pltpu.async_copy(t2_hbm.at[idx2_v.at[p, 1]], gbuf_v.at[b, 0, 1], gsem)
        pltpu.async_copy(t3_hbm.at[idx3_v.at[p, 0]], gbuf_v.at[b, 1, 0], gsem)
        pltpu.async_copy(t3_hbm.at[idx3_v.at[p, 1]], gbuf_v.at[b, 1, 1], gsem)

    def drain(sem, tile_r, srem, b):
        pltpu.make_async_copy(out_hbm.at[tile_r, :, :, srem, pl.ds(0, MEM)],
                              gbuf_v.at[b, 0], sem).wait()
        pltpu.make_async_copy(out_hbm.at[tile_r, :, :, srem, pl.ds(0, MEM)],
                              gbuf_v.at[b, 1], sem).wait()

    issue_gathers(0, 0)
    issue_gathers(1, 1)

    @pl.loop(0, P_PER_W, step=4)
    def _(p):
        for b in range(4):
            q = p + b
            tile_r = wid * (P_PER_W // 8) + q // 8
            srem = q % 8
            drain(gsem, tile_r, srem, b)
            for o in range(2):
                for rb in range(2):
                    pltpu.async_copy(
                        gbuf_v.at[b, o, rb],
                        out_hbm.at[tile_r, o, :, srem, pl.ds(rb * MEM, MEM)],
                        ssem)

            @pl.when(q >= 2)
            def _():
                drain(ssem, tile_r, srem, b)

            @pl.when(q + 2 < P_PER_W)
            def _():
                issue_gathers(q + 2, (b + 2) % 4)

    tile_l = wid * (P_PER_W // 8) + 7
    drain(ssem, tile_l, 7, 0)
    drain(ssem, tile_l, 7, 1)

    @pl.when(wid == 0)
    def _():
        pltpu.sync_copy(zbuf_v, out_hbm.at[0, 0, :, 0, :])
        pltpu.sync_copy(zbuf_v, out_hbm.at[0, 1, :, 0, :])
        pltpu.sync_copy(zbuf_v, out_hbm.at[0, 1, :, 1, :])


_mesh = plsc.VectorSubcoreMesh(core_axis_name="c", subcore_axis_name="s",
                               num_cores=NC, num_subcores=NS)

_sc_call = pl.kernel(
    _sc_body,
    out_type=jax.ShapeDtypeStruct((TR, 2, MEM, 8, 2 * MEM), jnp.float32),
    mesh=_mesh,
    scratch_types=[
        pltpu.VMEM((CHUNK,), jnp.int32),
        pltpu.VMEM((P_PER_W, 2, RH), jnp.int32),
        pltpu.VMEM((P_PER_W, 2, RH), jnp.int32),
        pltpu.VMEM((4, 2, 2, RH, MEM), jnp.float32),
        pltpu.VMEM((MEM, 2 * MEM), jnp.float32),
        pltpu.SemaphoreType.DMA,
        pltpu.SemaphoreType.DMA,
    ],
    compiler_params=pltpu.CompilerParams(use_tc_tiling_on_sc=False,
                                         needs_layout_passes=False),
)


@jax.jit
def _run(codes_flat, t2, t3):
    return _sc_call(codes_flat, t2, t3)


def kernel(route_codes_btr, table_ngram_2, table_ngram_3):
    b, s, r = route_codes_btr.shape
    assert (b, s, r) == (1, S, R)
    codes_flat = route_codes_btr.astype(jnp.int32).reshape(-1)
    out5 = _run(codes_flat, table_ngram_2, table_ngram_3)
    return out5.transpose(0, 3, 1, 2, 4).reshape(1, S, 2 * R * MEM)

# --- scband reference (transcript-rebuilt; emitter-appended) ---
"""Pipeline reference for scband-route-exact-ngram-table-bank-1717986918573 (READ-ONLY COPY).

The authoritative reference and input builder live on the scoring server;
editing this copy changes nothing except your own understanding.
"""

import jax, jax.numpy as jnp
import numpy as np

B, S, R = 1, 2048, 128
A = 16  # alphabet_size = 2**bits_per_route
MEM = 64
NGRAMS = (2, 3)
INIT_STD = 0.02  # initializer_range * table_init_std_scale


def setup_inputs(seed: int = 0) -> dict:
    key = jax.random.key(seed)
    k1, k2, k3 = jax.random.split(key, 3)
    route_codes_btr = jax.random.randint(k1, (B, S, R), 0, A, dtype=jnp.int32)
    table_ngram_2 = jax.random.normal(k2, (R * A ** 2, MEM), dtype=jnp.float32) * INIT_STD
    table_ngram_3 = jax.random.normal(k3, (R * A ** 3, MEM), dtype=jnp.float32) * INIT_STD
    return {
        "route_codes_btr": route_codes_btr,
        "table_ngram_2": table_ngram_2,
        "table_ngram_3": table_ngram_3,
    }


def _lookup(route_codes_btr, tables):
    codes = route_codes_btr.astype(jnp.int32)
    b, s, r = codes.shape
    memory_list = []
    for n, table in zip(NGRAMS, tables):
        # sliding windows of size n along seq dim: [B, S-n+1, R, n]
        windows = jnp.stack([codes[:, i:s - n + 1 + i, :] for i in range(n)], axis=-1)
        strides = (A ** jnp.arange(n, dtype=jnp.int32)).reshape(1, 1, 1, n)
        addr = jnp.sum(windows * strides, axis=-1)  # [B, S-n+1, R]
        route_ids = jnp.arange(r, dtype=jnp.int32).reshape(1, 1, r)
        route_vocab = A ** n
        gidx_valid = route_ids * route_vocab + addr
        global_idx = jnp.zeros((b, s, r), dtype=jnp.int32).at[:, n - 1:, :].set(gidx_valid)
        valid = jnp.zeros((b, s, r), dtype=bool).at[:, n - 1:, :].set(True)
        emb = jnp.take(table, global_idx, axis=0)  # [B, S, R, MEM]
        emb = emb * valid[..., None].astype(emb.dtype)
        memory_list.append(emb)
    memory_cat = jnp.stack(memory_list, axis=2)  # [B, S, n_orders, R, MEM]
    return memory_cat.reshape(b, s, -1)


def reference(route_codes_btr, table_ngram_2, table_ngram_3):
    return _lookup(route_codes_btr, (table_ngram_2, table_ngram_3))

if __name__ == "__main__":
    import jax
    _d = setup_inputs()
    print(jax.jit(kernel)(*tuple(_d.values())))

</pallas_src>

<mosaic_0001>
#map = affine_map<(d0, d1) -> (0)>
#map1 = affine_map<(d0, d1) -> (0, 0)>
#map2 = affine_map<(d0, d1) -> (0, 0, 0, 0, 0)>
module attributes {stable_mosaic.version = 14 : i64} {
  func.func @_sc_body(%arg0: i32, %arg1: i32, %arg2: memref<262144xi32, #tpu.memory_space<hbm>>, %arg3: memref<32768x64xf32, #tpu.memory_space<hbm>>, %arg4: memref<524288x64xf32, #tpu.memory_space<hbm>>, %arg5: memref<256x2x64x8x128xf32, #tpu.memory_space<hbm>>, %arg6: memref<8448xi32, #tpu.memory_space<vmem>>, %arg7: memref<64x2x64xi32, #tpu.memory_space<vmem>>, %arg8: memref<64x2x64xi32, #tpu.memory_space<vmem>>, %arg9: memref<4x2x2x64x64xf32, #tpu.memory_space<vmem>>, %arg10: memref<64x128xf32, #tpu.memory_space<vmem>>, %arg11: memref<!tpu.dma_semaphore, #tpu.memory_space<semaphore_mem>>, %arg12: memref<!tpu.dma_semaphore, #tpu.memory_space<semaphore_mem>>) attributes {dimension_semantics = [#tpu.dimension_semantics<core_parallel>, #tpu.dimension_semantics<subcore_parallel>], iteration_bounds = array<i64: 2, 16>, scalar_prefetch = 0 : i64, scratch_operands = 7 : i64, tpu.core_type = #tpu.core_type<sc_vector_subcore>, window_params = [{transform_indices = #map}, {transform_indices = #map1}, {transform_indices = #map1}, {transform_indices = #map2}]} {
    %mul3A = arith.constant 2 : i32
    %mul3A_0 = arith.muli %arg1, %mul3A : i32
    %add3A = arith.addi %mul3A_0, %arg0 : i32
    %mul3A_1 = arith.constant 8192 : i32
    %mul3A_2 = arith.muli %add3A, %mul3A_1 : i32
    %sub3A = arith.constant 256 : i32
    %sub3A_3 = arith.subi %mul3A_2, %sub3A : i32
    %max3A = arith.constant 0 : i32
    %max3A_4 = arith.maxsi %sub3A_3, %max3A : i32
    %multiple_of3A = tpu.assume_multiple %max3A_4, 256 : i32
    %sub3A_5 = arith.subi %mul3A_2, %multiple_of3A : i32
    "tpu.region"() ({
      %run_scoped3A = tpu.sem_alloc : memref<!tpu.dma_semaphore, #tpu.memory_space<semaphore_mem>>
      %dma_start3A_239 = tpu.memref_slice %arg2[%multiple_of3A] : memref<262144xi32, #tpu.memory_space<hbm>> -> memref<8448xi32, #tpu.memory_space<hbm>>
      %dma_start3A_240 = tpu.memref_slice %arg2[%multiple_of3A] : memref<262144xi32, #tpu.memory_space<hbm>> -> memref<8448xi32, #tpu.memory_space<hbm>>
      tpu.enqueue_dma source(%dma_start3A_240 : memref<8448xi32, #tpu.memory_space<hbm>>) target(%arg6 : memref<8448xi32, #tpu.memory_space<vmem>>) target_semaphore(%run_scoped3A : memref<!tpu.dma_semaphore, #tpu.memory_space<semaphore_mem>>)
      %dma_wait3A_241 = tpu.memref_slice %arg2[%multiple_of3A] : memref<262144xi32, #tpu.memory_space<hbm>> -> memref<8448xi32, #tpu.memory_space<hbm>>
      %dma_wait3A_242 = tpu.memref_slice %arg2[%multiple_of3A] : memref<262144xi32, #tpu.memory_space<hbm>> -> memref<8448xi32, #tpu.memory_space<hbm>>
      tpu.wait_dma2 semaphore(%run_scoped3A : memref<!tpu.dma_semaphore, #tpu.memory_space<semaphore_mem>>) src(%dma_wait3A_242 : memref<8448xi32, #tpu.memory_space<hbm>>) dst(%arg6 : memref<8448xi32, #tpu.memory_space<vmem>>)
      tpu.yield
    }) : () -> ()
    %iota3A = tpu.iota {dimensions = array<i32: 0>} : vector<16xi32>
    %mul3A_6 = arith.constant 2 : i32
    %mul3A_7 = vector.broadcast %mul3A_6 : i32 to vector<16xi32>
    %mul3A_8 = arith.muli %iota3A, %mul3A_7 : vector<16xi32>
    %scan3A = arith.constant 0 : i32
    %scan3A_9 = arith.constant 64 : i32
    %scan3A_10 = arith.addi %scan3A, %scan3A_9 : i32
    %scan3A_11 = arith.constant 1 : i32
    scf.for %scan3A_239 = %scan3A to %scan3A_10 step %scan3A_11  : i32 {
      %mul3A_240 = arith.constant 1 : i32
      %mul3A_241 = arith.muli %scan3A_239, %mul3A_240 : i32
      %add3A_242 = arith.constant 0 : i32
      %add3A_243 = arith.addi %add3A_242, %mul3A_241 : i32
      %mul3A_244 = arith.constant 128 : i32
      %mul3A_245 = arith.muli %add3A_243, %mul3A_244 : i32
      %add3A_246 = arith.addi %sub3A_5, %mul3A_245 : i32
      %add3A_247 = arith.constant 0 : i32
      %add3A_248 = arith.addi %add3A_246, %add3A_247 : i32
      %add3A_249 = arith.constant 0 : i32
      %add3A_250 = arith.addi %add3A_248, %add3A_249 : i32
      %add3A_251 = vector.broadcast %add3A_250 : i32 to vector<16xi32>
      %add3A_252 = arith.addi %add3A_251, %mul3A_8 : vector<16xi32>
      %gather3A = tpu.vector_load_idx %arg6[%add3A_252] : memref<8448xi32, #tpu.memory_space<vmem>>[vector<16xi32>], vector<16xi32>,
      %sub3A_253 = arith.constant 128 : i32
      %sub3A_254 = vector.broadcast %sub3A_253 : i32 to vector<16xi32>
      %sub3A_255 = arith.subi %add3A_252, %sub3A_254 : vector<16xi32>
      %max3A_256 = arith.constant 0 : i32
      %max3A_257 = vector.broadcast %max3A_256 : i32 to vector<16xi32>
      %max3A_258 = arith.maxsi %sub3A_255, %max3A_257 : vector<16xi32>
      %gather3A_259 = tpu.vector_load_idx %arg6[%max3A_258] : memref<8448xi32, #tpu.memory_space<vmem>>[vector<16xi32>], vector<16xi32>,
      %sub3A_260 = arith.constant 256 : i32
      %sub3A_261 = vector.broadcast %sub3A_260 : i32 to vector<16xi32>
      %sub3A_262 = arith.subi %add3A_252, %sub3A_261 : vector<16xi32>
      %max3A_263 = arith.constant 0 : i32
      %max3A_264 = vector.broadcast %max3A_263 : i32 to vector<16xi32>
      %max3A_265 = arith.maxsi %sub3A_262, %max3A_264 : vector<16xi32>
      %gather3A_266 = tpu.vector_load_idx %arg6[%max3A_265] : memref<8448xi32, #tpu.memory_space<vmem>>[vector<16xi32>], vector<16xi32>,
      %add3A_267 = arith.constant 0 : i32
      %add3A_268 = vector.broadcast %add3A_267 : i32 to vector<16xi32>
      %add3A_269 = arith.addi %mul3A_8, %add3A_268 : vector<16xi32>
      %mul3A_270 = arith.constant 256 : i32
      %mul3A_271 = vector.broadcast %mul3A_270 : i32 to vector<16xi32>
      %mul3A_272 = arith.muli %add3A_269, %mul3A_271 : vector<16xi32>
      %add3A_273 = arith.addi %mul3A_272, %gather3A_259 : vector<16xi32>
      %mul3A_274 = arith.constant 16 : i32
      %mul3A_275 = vector.broadcast %mul3A_274 : i32 to vector<16xi32>
      %mul3A_276 = arith.muli %gather3A, %mul3A_275 : vector<16xi32>
      %add3A_277 = arith.addi %add3A_273, %mul3A_276 : vector<16xi32>
      %swap3A = arith.constant 0 : i32
      %swap3A_278 = arith.index_cast %add3A_243 : i32 to index
      %swap3A_279 = arith.index_cast %swap3A : i32 to index
      %swap3A_280 = arith.constant 0 : index
      %swap3A_281 = tpu.vector_load %arg7[%swap3A_278, %swap3A_279, %swap3A_280] {strides = array<i32>} : memref<64x2x64xi32, #tpu.memory_space<vmem>>, vector<16xi32>,
      tpu.vector_store %arg7[%swap3A_278, %swap3A_279, %swap3A_280], %add3A_277 {strides = array<i32>} : memref<64x2x64xi32, #tpu.memory_space<vmem>>, vector<16xi32>,
      %mul3A_282 = arith.constant 4096 : i32
      %mul3A_283 = vector.broadcast %mul3A_282 : i32 to vector<16xi32>
      %mul3A_284 = arith.muli %add3A_269, %mul3A_283 : vector<16xi32>
      %add3A_285 = arith.addi %mul3A_284, %gather3A_266 : vector<16xi32>
      %mul3A_286 = arith.constant 16 : i32
      %mul3A_287 = vector.broadcast %mul3A_286 : i32 to vector<16xi32>
      %mul3A_288 = arith.muli %gather3A_259, %mul3A_287 : vector<16xi32>
      %add3A_289 = arith.addi %add3A_285, %mul3A_288 : vector<16xi32>
      %mul3A_290 = arith.constant 256 : i32
      %mul3A_291 = vector.broadcast %mul3A_290 : i32 to vector<16xi32>
      %mul3A_292 = arith.muli %gather3A, %mul3A_291 : vector<16xi32>
      %add3A_293 = arith.addi %add3A_289, %mul3A_292 : vector<16xi32>
      %swap3A_294 = arith.constant 0 : i32
      %swap3A_295 = arith.index_cast %add3A_243 : i32 to index
      %swap3A_296 = arith.index_cast %swap3A_294 : i32 to index
      %swap3A_297 = arith.constant 0 : index
      %swap3A_298 = tpu.vector_load %arg8[%swap3A_295, %swap3A_296, %swap3A_297] {strides = array<i32>} : memref<64x2x64xi32, #tpu.memory_space<vmem>>, vector<16xi32>,
      tpu.vector_store %arg8[%swap3A_295, %swap3A_296, %swap3A_297], %add3A_293 {strides = array<i32>} : memref<64x2x64xi32, #tpu.memory_space<vmem>>, vector<16xi32>,
      %mul3A_299 = arith.constant 128 : i32
      %mul3A_300 = arith.muli %add3A_243, %mul3A_299 : i32
      %add3A_301 = arith.addi %sub3A_5, %mul3A_300 : i32
      %add3A_302 = arith.constant 0 : i32
      %add3A_303 = arith.addi %add3A_301, %add3A_302 : i32
      %add3A_304 = arith.constant 32 : i32
      %add3A_305 = arith.addi %add3A_303, %add3A_304 : i32
      %add3A_306 = vector.broadcast %add3A_305 : i32 to vector<16xi32>
      %add3A_307 = arith.addi %add3A_306, %mul3A_8 : vector<16xi32>
      %gather3A_308 = tpu.vector_load_idx %arg6[%add3A_307] : memref<8448xi32, #tpu.memory_space<vmem>>[vector<16xi32>], vector<16xi32>,
      %sub3A_309 = arith.constant 128 : i32
      %sub3A_310 = vector.broadcast %sub3A_309 : i32 to vector<16xi32>
      %sub3A_311 = arith.subi %add3A_307, %sub3A_310 : vector<16xi32>
      %max3A_312 = arith.constant 0 : i32
      %max3A_313 = vector.broadcast %max3A_312 : i32 to vector<16xi32>
      %max3A_314 = arith.maxsi %sub3A_311, %max3A_313 : vector<16xi32>
      %gather3A_315 = tpu.vector_load_idx %arg6[%max3A_314] : memref<8448xi32, #tpu.memory_space<vmem>>[vector<16xi32>], vector<16xi32>,
      %sub3A_316 = arith.constant 256 : i32
      %sub3A_317 = vector.broadcast %sub3A_316 : i32 to vector<16xi32>
      %sub3A_318 = arith.subi %add3A_307, %sub3A_317 : vector<16xi32>
      %max3A_319 = arith.constant 0 : i32
      %max3A_320 = vector.broadcast %max3A_319 : i32 to vector<16xi32>
      %max3A_321 = arith.maxsi %sub3A_318, %max3A_320 : vector<16xi32>
      %gather3A_322 = tpu.vector_load_idx %arg6[%max3A_321] : memref<8448xi32, #tpu.memory_space<vmem>>[vector<16xi32>], vector<16xi32>,
      %add3A_323 = arith.constant 32 : i32
      %add3A_324 = vector.broadcast %add3A_323 : i32 to vector<16xi32>
      %add3A_325 = arith.addi %mul3A_8, %add3A_324 : vector<16xi32>
      %mul3A_326 = arith.constant 256 : i32
      %mul3A_327 = vector.broadcast %mul3A_326 : i32 to vector<16xi32>
      %mul3A_328 = arith.muli %add3A_325, %mul3A_327 : vector<16xi32>
      %add3A_329 = arith.addi %mul3A_328, %gather3A_315 : vector<16xi32>
      %mul3A_330 = arith.constant 16 : i32
      %mul3A_331 = vector.broadcast %mul3A_330 : i32 to vector<16xi32>
      %mul3A_332 = arith.muli %gather3A_308, %mul3A_331 : vector<16xi32>
      %add3A_333 = arith.addi %add3A_329, %mul3A_332 : vector<16xi32>
      %swap3A_334 = arith.constant 0 : i32
      %swap3A_335 = arith.index_cast %add3A_243 : i32 to index
      %swap3A_336 = arith.index_cast %swap3A_334 : i32 to index
      %swap3A_337 = arith.constant 16 : index
      %swap3A_338 = tpu.vector_load %arg7[%swap3A_335, %swap3A_336, %swap3A_337] {strides = array<i32>} : memref<64x2x64xi32, #tpu.memory_space<vmem>>, vector<16xi32>,
      tpu.vector_store %arg7[%swap3A_335, %swap3A_336, %swap3A_337], %add3A_333 {strides = array<i32>} : memref<64x2x64xi32, #tpu.memory_space<vmem>>, vector<16xi32>,
      %mul3A_339 = arith.constant 4096 : i32
      %mul3A_340 = vector.broadcast %mul3A_339 : i32 to vector<16xi32>
      %mul3A_341 = arith.muli %add3A_325, %mul3A_340 : vector<16xi32>
      %add3A_342 = arith.addi %mul3A_341, %gather3A_322 : vector<16xi32>
      %mul3A_343 = arith.constant 16 : i32
      %mul3A_344 = vector.broadcast %mul3A_343 : i32 to vector<16xi32>
      %mul3A_345 = arith.muli %gather3A_315, %mul3A_344 : vector<16xi32>
      %add3A_346 = arith.addi %add3A_342, %mul3A_345 : vector<16xi32>
      %mul3A_347 = arith.constant 256 : i32
      %mul3A_348 = vector.broadcast %mul3A_347 : i32 to vector<16xi32>
      %mul3A_349 = arith.muli %gather3A_308, %mul3A_348 : vector<16xi32>
      %add3A_350 = arith.addi %add3A_346, %mul3A_349 : vector<16xi32>
      %swap3A_351 = arith.constant 0 : i32
      %swap3A_352 = arith.index_cast %add3A_243 : i32 to index
      %swap3A_353 = arith.index_cast %swap3A_351 : i32 to index
      %swap3A_354 = arith.constant 16 : index
      %swap3A_355 = tpu.vector_load %arg8[%swap3A_352, %swap3A_353, %swap3A_354] {strides = array<i32>} : memref<64x2x64xi32, #tpu.memory_space<vmem>>, vector<16xi32>,
      tpu.vector_store %arg8[%swap3A_352, %swap3A_353, %swap3A_354], %add3A_350 {strides = array<i32>} : memref<64x2x64xi32, #tpu.memory_space<vmem>>, vector<16xi32>,
      %mul3A_356 = arith.constant 128 : i32
      %mul3A_357 = arith.muli %add3A_243, %mul3A_356 : i32
      %add3A_358 = arith.addi %sub3A_5, %mul3A_357 : i32
      %add3A_359 = arith.constant 0 : i32
      %add3A_360 = arith.addi %add3A_358, %add3A_359 : i32
      %add3A_361 = arith.constant 64 : i32
      %add3A_362 = arith.addi %add3A_360, %add3A_361 : i32
      %add3A_363 = vector.broadcast %add3A_362 : i32 to vector<16xi32>
      %add3A_364 = arith.addi %add3A_363, %mul3A_8 : vector<16xi32>
      %gather3A_365 = tpu.vector_load_idx %arg6[%add3A_364] : memref<8448xi32, #tpu.memory_space<vmem>>[vector<16xi32>], vector<16xi32>,
      %sub3A_366 = arith.constant 128 : i32
      %sub3A_367 = vector.broadcast %sub3A_366 : i32 to vector<16xi32>
      %sub3A_368 = arith.subi %add3A_364, %sub3A_367 : vector<16xi32>
      %max3A_369 = arith.constant 0 : i32
      %max3A_370 = vector.broadcast %max3A_369 : i32 to vector<16xi32>
      %max3A_371 = arith.maxsi %sub3A_368, %max3A_370 : vector<16xi32>
      %gather3A_372 = tpu.vector_load_idx %arg6[%max3A_371] : memref<8448xi32, #tpu.memory_space<vmem>>[vector<16xi32>], vector<16xi32>,
      %sub3A_373 = arith.constant 256 : i32
      %sub3A_374 = vector.broadcast %sub3A_373 : i32 to vector<16xi32>
      %sub3A_375 = arith.subi %add3A_364, %sub3A_374 : vector<16xi32>
      %max3A_376 = arith.constant 0 : i32
      %max3A_377 = vector.broadcast %max3A_376 : i32 to vector<16xi32>
      %max3A_378 = arith.maxsi %sub3A_375, %max3A_377 : vector<16xi32>
      %gather3A_379 = tpu.vector_load_idx %arg6[%max3A_378] : memref<8448xi32, #tpu.memory_space<vmem>>[vector<16xi32>], vector<16xi32>,
      %add3A_380 = arith.constant 64 : i32
      %add3A_381 = vector.broadcast %add3A_380 : i32 to vector<16xi32>
      %add3A_382 = arith.addi %mul3A_8, %add3A_381 : vector<16xi32>
      %mul3A_383 = arith.constant 256 : i32
      %mul3A_384 = vector.broadcast %mul3A_383 : i32 to vector<16xi32>
      %mul3A_385 = arith.muli %add3A_382, %mul3A_384 : vector<16xi32>
      %add3A_386 = arith.addi %mul3A_385, %gather3A_372 : vector<16xi32>
      %mul3A_387 = arith.constant 16 : i32
      %mul3A_388 = vector.broadcast %mul3A_387 : i32 to vector<16xi32>
      %mul3A_389 = arith.muli %gather3A_365, %mul3A_388 : vector<16xi32>
      %add3A_390 = arith.addi %add3A_386, %mul3A_389 : vector<16xi32>
      %swap3A_391 = arith.constant 0 : i32
      %swap3A_392 = arith.index_cast %add3A_243 : i32 to index
      %swap3A_393 = arith.index_cast %swap3A_391 : i32 to index
      %swap3A_394 = arith.constant 32 : index
      %swap3A_395 = tpu.vector_load %arg7[%swap3A_392, %swap3A_393, %swap3A_394] {strides = array<i32>} : memref<64x2x64xi32, #tpu.memory_space<vmem>>, vector<16xi32>,
      tpu.vector_store %arg7[%swap3A_392, %swap3A_393, %swap3A_394], %add3A_390 {strides = array<i32>} : memref<64x2x64xi32, #tpu.memory_space<vmem>>, vector<16xi32>,
      %mul3A_396 = arith.constant 4096 : i32
      %mul3A_397 = vector.broadcast %mul3A_396 : i32 to vector<16xi32>
      %mul3A_398 = arith.muli %add3A_382, %mul3A_397 : vector<16xi32>
      %add3A_399 = arith.addi %mul3A_398, %gather3A_379 : vector<16xi32>
      %mul3A_400 = arith.constant 16 : i32
      %mul3A_401 = vector.broadcast %mul3A_400 : i32 to vector<16xi32>
      %mul3A_402 = arith.muli %gather3A_372, %mul3A_401 : vector<16xi32>
      %add3A_403 = arith.addi %add3A_399, %mul3A_402 : vector<16xi32>
      %mul3A_404 = arith.constant 256 : i32
      %mul3A_405 = vector.broadcast %mul3A_404 : i32 to vector<16xi32>
      %mul3A_406 = arith.muli %gather3A_365, %mul3A_405 : vector<16xi32>
      %add3A_407 = arith.addi %add3A_403, %mul3A_406 : vector<16xi32>
      %swap3A_408 = arith.constant 0 : i32
      %swap3A_409 = arith.index_cast %add3A_243 : i32 to index
      %swap3A_410 = arith.index_cast %swap3A_408 : i32 to index
      %swap3A_411 = arith.constant 32 : index
      %swap3A_412 = tpu.vector_load %arg8[%swap3A_409, %swap3A_410, %swap3A_411] {strides = array<i32>} : memref<64x2x64xi32, #tpu.memory_space<vmem>>, vector<16xi32>,
      tpu.vector_store %arg8[%swap3A_409, %swap3A_410, %swap3A_411], %add3A_407 {strides = array<i32>} : memref<64x2x64xi32, #tpu.memory_space<vmem>>, vector<16xi32>,
      %mul3A_413 = arith.constant 128 : i32
      %mul3A_414 = arith.muli %add3A_243, %mul3A_413 : i32
      %add3A_415 = arith.addi %sub3A_5, %mul3A_414 : i32
      %add3A_416 = arith.constant 0 : i32
      %add3A_417 = arith.addi %add3A_415, %add3A_416 : i32
      %add3A_418 = arith.constant 96 : i32
      %add3A_419 = arith.addi %add3A_417, %add3A_418 : i32
      %add3A_420 = vector.broadcast %add3A_419 : i32 to vector<16xi32>
      %add3A_421 = arith.addi %add3A_420, %mul3A_8 : vector<16xi32>
      %gather3A_422 = tpu.vector_load_idx %arg6[%add3A_421] : memref<8448xi32, #tpu.memory_space<vmem>>[vector<16xi32>], vector<16xi32>,
      %sub3A_423 = arith.constant 128 : i32
      %sub3A_424 = vector.broadcast %sub3A_423 : i32 to vector<16xi32>
      %sub3A_425 = arith.subi %add3A_421, %sub3A_424 : vector<16xi32>
      %max3A_426 = arith.constant 0 : i32
      %max3A_427 = vector.broadcast %max3A_426 : i32 to vector<16xi32>
      %max3A_428 = arith.maxsi %sub3A_425, %max3A_427 : vector<16xi32>
      %gather3A_429 = tpu.vector_load_idx %arg6[%max3A_428] : memref<8448xi32, #tpu.memory_space<vmem>>[vector<16xi32>], vector<16xi32>,
      %sub3A_430 = arith.constant 256 : i32
      %sub3A_431 = vector.broadcast %sub3A_430 : i32 to vector<16xi32>
      %sub3A_432 = arith.subi %add3A_421, %sub3A_431 : vector<16xi32>
      %max3A_433 = arith.constant 0 : i32
      %max3A_434 = vector.broadcast %max3A_433 : i32 to vector<16xi32>
      %max3A_435 = arith.maxsi %sub3A_432, %max3A_434 : vector<16xi32>
      %gather3A_436 = tpu.vector_load_idx %arg6[%max3A_435] : memref<8448xi32, #tpu.memory_space<vmem>>[vector<16xi32>], vector<16xi32>,
      %add3A_437 = arith.constant 96 : i32
      %add3A_438 = vector.broadcast %add3A_437 : i32 to vector<16xi32>
      %add3A_439 = arith.addi %mul3A_8, %add3A_438 : vector<16xi32>
      %mul3A_440 = arith.constant 256 : i32
      %mul3A_441 = vector.broadcast %mul3A_440 : i32 to vector<16xi32>
      %mul3A_442 = arith.muli %add3A_439, %mul3A_441 : vector<16xi32>
      %add3A_443 = arith.addi %mul3A_442, %gather3A_429 : vector<16xi32>
      %mul3A_444 = arith.constant 16 : i32
      %mul3A_445 = vector.broadcast %mul3A_444 : i32 to vector<16xi32>
      %mul3A_446 = arith.muli %gather3A_422, %mul3A_445 : vector<16xi32>
      %add3A_447 = arith.addi %add3A_443, %mul3A_446 : vector<16xi32>
      %swap3A_448 = arith.constant 0 : i32
      %swap3A_449 = arith.index_cast %add3A_243 : i32 to index
      %swap3A_450 = arith.index_cast %swap3A_448 : i32 to index
      %swap3A_451 = arith.constant 48 : index
      %swap3A_452 = tpu.vector_load %arg7[%swap3A_449, %swap3A_450, %swap3A_451] {strides = array<i32>} : memref<64x2x64xi32, #tpu.memory_space<vmem>>, vector<16xi32>,
      tpu.vector_store %arg7[%swap3A_449, %swap3A_450, %swap3A_451], %add3A_447 {strides = array<i32>} : memref<64x2x64xi32, #tpu.memory_space<vmem>>, vector<16xi32>,
      %mul3A_453 = arith.constant 4096 : i32
      %mul3A_454 = vector.broadcast %mul3A_453 : i32 to vector<16xi32>
      %mul3A_455 = arith.muli %add3A_439, %mul3A_454 : vector<16xi32>
      %add3A_456 = arith.addi %mul3A_455, %gather3A_436 : vector<16xi32>
      %mul3A_457 = arith.constant 16 : i32
      %mul3A_458 = vector.broadcast %mul3A_457 : i32 to vector<16xi32>
      %mul3A_459 = arith.muli %gather3A_429, %mul3A_458 : vector<16xi32>
      %add3A_460 = arith.addi %add3A_456, %mul3A_459 : vector<16xi32>
      %mul3A_461 = arith.constant 256 : i32
      %mul3A_462 = vector.broadcast %mul3A_461 : i32 to vector<16xi32>
      %mul3A_463 = arith.muli %gather3A_422, %mul3A_462 : vector<16xi32>
      %add3A_464 = arith.addi %add3A_460, %mul3A_463 : vector<16xi32>
      %swap3A_465 = arith.constant 0 : i32
      %swap3A_466 = arith.index_cast %add3A_243 : i32 to index
      %swap3A_467 = arith.index_cast %swap3A_465 : i32 to index
      %swap3A_468 = arith.constant 48 : index
      %swap3A_469 = tpu.vector_load %arg8[%swap3A_466, %swap3A_467, %swap3A_468] {strides = array<i32>} : memref<64x2x64xi32, #tpu.memory_space<vmem>>, vector<16xi32>,
      tpu.vector_store %arg8[%swap3A_466, %swap3A_467, %swap3A_468], %add3A_464 {strides = array<i32>} : memref<64x2x64xi32, #tpu.memory_space<vmem>>, vector<16xi32>,
      %mul3A_470 = arith.constant 128 : i32
      %mul3A_471 = arith.muli %add3A_243, %mul3A_470 : i32
      %add3A_472 = arith.addi %sub3A_5, %mul3A_471 : i32
      %add3A_473 = arith.constant 1 : i32
      %add3A_474 = arith.addi %add3A_472, %add3A_473 : i32
      %add3A_475 = arith.constant 0 : i32
      %add3A_476 = arith.addi %add3A_474, %add3A_475 : i32
      %add3A_477 = vector.broadcast %add3A_476 : i32 to vector<16xi32>
      %add3A_478 = arith.addi %add3A_477, %mul3A_8 : vector<16xi32>
      %gather3A_479 = tpu.vector_load_idx %arg6[%add3A_478] : memref<8448xi32, #tpu.memory_space<vmem>>[vector<16xi32>], vector<16xi32>,
      %sub3A_480 = arith.constant 128 : i32
      %sub3A_481 = vector.broadcast %sub3A_480 : i32 to vector<16xi32>
      %sub3A_482 = arith.subi %add3A_478, %sub3A_481 : vector<16xi32>
      %max3A_483 = arith.constant 0 : i32
      %max3A_484 = vector.broadcast %max3A_483 : i32 to vector<16xi32>
      %max3A_485 = arith.maxsi %sub3A_482, %max3A_484 : vector<16xi32>
      %gather3A_486 = tpu.vector_load_idx %arg6[%max3A_485] : memref<8448xi32, #tpu.memory_space<vmem>>[vector<16xi32>], vector<16xi32>,
      %sub3A_487 = arith.constant 256 : i32
      %sub3A_488 = vector.broadcast %sub3A_487 : i32 to vector<16xi32>
      %sub3A_489 = arith.subi %add3A_478, %sub3A_488 : vector<16xi32>
      %max3A_490 = arith.constant 0 : i32
      %max3A_491 = vector.broadcast %max3A_490 : i32 to vector<16xi32>
      %max3A_492 = arith.maxsi %sub3A_489, %max3A_491 : vector<16xi32>
      %gather3A_493 = tpu.vector_load_idx %arg6[%max3A_492] : memref<8448xi32, #tpu.memory_space<vmem>>[vector<16xi32>], vector<16xi32>,
      %add3A_494 = arith.constant 1 : i32
      %add3A_495 = vector.broadcast %add3A_494 : i32 to vector<16xi32>
      %add3A_496 = arith.addi %mul3A_8, %add3A_495 : vector<16xi32>
      %mul3A_497 = arith.constant 256 : i32
      %mul3A_498 = vector.broadcast %mul3A_497 : i32 to vector<16xi32>
      %mul3A_499 = arith.muli %add3A_496, %mul3A_498 : vector<16xi32>
      %add3A_500 = arith.addi %mul3A_499, %gather3A_486 : vector<16xi32>
      %mul3A_501 = arith.constant 16 : i32
      %mul3A_502 = vector.broadcast %mul3A_501 : i32 to vector<16xi32>
      %mul3A_503 = arith.muli %gather3A_479, %mul3A_502 : vector<16xi32>
      %add3A_504 = arith.addi %add3A_500, %mul3A_503 : vector<16xi32>
      %swap3A_505 = arith.constant 1 : i32
      %swap3A_506 = arith.index_cast %add3A_243 : i32 to index
      %swap3A_507 = arith.index_cast %swap3A_505 : i32 to index
      %swap3A_508 = arith.constant 0 : index
      %swap3A_509 = tpu.vector_load %arg7[%swap3A_506, %swap3A_507, %swap3A_508] {strides = array<i32>} : memref<64x2x64xi32, #tpu.memory_space<vmem>>, vector<16xi32>,
      tpu.vector_store %arg7[%swap3A_506, %swap3A_507, %swap3A_508], %add3A_504 {strides = array<i32>} : memref<64x2x64xi32, #tpu.memory_space<vmem>>, vector<16xi32>,
      %mul3A_510 = arith.constant 4096 : i32
      %mul3A_511 = vector.broadcast %mul3A_510 : i32 to vector<16xi32>
      %mul3A_512 = arith.muli %add3A_496, %mul3A_511 : vector<16xi32>
      %add3A_513 = arith.addi %mul3A_512, %gather3A_493 : vector<16xi32>
      %mul3A_514 = arith.constant 16 : i32
      %mul3A_515 = vector.broadcast %mul3A_514 : i32 to vector<16xi32>
      %mul3A_516 = arith.muli %gather3A_486, %mul3A_515 : vector<16xi32>
      %add3A_517 = arith.addi %add3A_513, %mul3A_516 : vector<16xi32>
      %mul3A_518 = arith.constant 256 : i32
      %mul3A_519 = vector.broadcast %mul3A_518 : i32 to vector<16xi32>
      %mul3A_520 = arith.muli %gather3A_479, %mul3A_519 : vector<16xi32>
      %add3A_521 = arith.addi %add3A_517, %mul3A_520 : vector<16xi32>
      %swap3A_522 = arith.constant 1 : i32
      %swap3A_523 = arith.index_cast %add3A_243 : i32 to index
      %swap3A_524 = arith.index_cast %swap3A_522 : i32 to index
      %swap3A_525 = arith.constant 0 : index
      %swap3A_526 = tpu.vector_load %arg8[%swap3A_523, %swap3A_524, %swap3A_525] {strides = array<i32>} : memref<64x2x64xi32, #tpu.memory_space<vmem>>, vector<16xi32>,
      tpu.vector_store %arg8[%swap3A_523, %swap3A_524, %swap3A_525], %add3A_521 {strides = array<i32>} : memref<64x2x64xi32, #tpu.memory_space<vmem>>, vector<16xi32>,
      %mul3A_527 = arith.constant 128 : i32
      %mul3A_528 = arith.muli %add3A_243, %mul3A_527 : i32
      %add3A_529 = arith.addi %sub3A_5, %mul3A_528 : i32
      %add3A_530 = arith.constant 1 : i32
      %add3A_531 = arith.addi %add3A_529, %add3A_530 : i32
      %add3A_532 = arith.constant 32 : i32
      %add3A_533 = arith.addi %add3A_531, %add3A_532 : i32
      %add3A_534 = vector.broadcast %add3A_533 : i32 to vector<16xi32>
      %add3A_535 = arith.addi %add3A_534, %mul3A_8 : vector<16xi32>
      %gather3A_536 = tpu.vector_load_idx %arg6[%add3A_535] : memref<8448xi32, #tpu.memory_space<vmem>>[vector<16xi32>], vector<16xi32>,
      %sub3A_537 = arith.constant 128 : i32
      %sub3A_538 = vector.broadcast %sub3A_537 : i32 to vector<16xi32>
      %sub3A_539 = arith.subi %add3A_535, %sub3A_538 : vector<16xi32>
      %max3A_540 = arith.constant 0 : i32
      %max3A_541 = vector.broadcast %max3A_540 : i32 to vector<16xi32>
      %max3A_542 = arith.maxsi %sub3A_539, %max3A_541 : vector<16xi32>
      %gather3A_543 = tpu.vector_load_idx %arg6[%max3A_542] : memref<8448xi32, #tpu.memory_space<vmem>>[vector<16xi32>], vector<16xi32>,
      %sub3A_544 = arith.constant 256 : i32
      %sub3A_545 = vector.broadcast %sub3A_544 : i32 to vector<16xi32>
      %sub3A_546 = arith.subi %add3A_535, %sub3A_545 : vector<16xi32>
      %max3A_547 = arith.constant 0 : i32
      %max3A_548 = vector.broadcast %max3A_547 : i32 to vector<16xi32>
      %max3A_549 = arith.maxsi %sub3A_546, %max3A_548 : vector<16xi32>
      %gather3A_550 = tpu.vector_load_idx %arg6[%max3A_549] : memref<8448xi32, #tpu.memory_space<vmem>>[vector<16xi32>], vector<16xi32>,
      %add3A_551 = arith.constant 33 : i32
      %add3A_552 = vector.broadcast %add3A_551 : i32 to vector<16xi32>
      %add3A_553 = arith.addi %mul3A_8, %add3A_552 : vector<16xi32>
      %mul3A_554 = arith.constant 256 : i32
      %mul3A_555 = vector.broadcast %mul3A_554 : i32 to vector<16xi32>
      %mul3A_556 = arith.muli %add3A_553, %mul3A_555 : vector<16xi32>
      %add3A_557 = arith.addi %mul3A_556, %gather3A_543 : vector<16xi32>
      %mul3A_558 = arith.constant 16 : i32
      %mul3A_559 = vector.broadcast %mul3A_558 : i32 to vector<16xi32>
      %mul3A_560 = arith.muli %gather3A_536, %mul3A_559 : vector<16xi32>
      %add3A_561 = arith.addi %add3A_557, %mul3A_560 : vector<16xi32>
      %swap3A_562 = arith.constant 1 : i32
      %swap3A_563 = arith.index_cast %add3A_243 : i32 to index
      %swap3A_564 = arith.index_cast %swap3A_562 : i32 to index
      %swap3A_565 = arith.constant 16 : index
      %swap3A_566 = tpu.vector_load %arg7[%swap3A_563, %swap3A_564, %swap3A_565] {strides = array<i32>} : memref<64x2x64xi32, #tpu.memory_space<vmem>>, vector<16xi32>,
      tpu.vector_store %arg7[%swap3A_563, %swap3A_564, %swap3A_565], %add3A_561 {strides = array<i32>} : memref<64x2x64xi32, #tpu.memory_space<vmem>>, vector<16xi32>,
      %mul3A_567 = arith.constant 4096 : i32
      %mul3A_568 = vector.broadcast %mul3A_567 : i32 to vector<16xi32>
      %mul3A_569 = arith.muli %add3A_553, %mul3A_568 : vector<16xi32>
      %add3A_570 = arith.addi %mul3A_569, %gather3A_550 : vector<16xi32>
      %mul3A_571 = arith.constant 16 : i32
      %mul3A_572 = vector.broadcast %mul3A_571 : i32 to vector<16xi32>
      %mul3A_573 = arith.muli %gather3A_543, %mul3A_572 : vector<16xi32>
      %add3A_574 = arith.addi %add3A_570, %mul3A_573 : vector<16xi32>
      %mul3A_575 = arith.constant 256 : i32
      %mul3A_576 = vector.broadcast %mul3A_575 : i32 to vector<16xi32>
      %mul3A_577 = arith.muli %gather3A_536, %mul3A_576 : vector<16xi32>
      %add3A_578 = arith.addi %add3A_574, %mul3A_577 : vector<16xi32>
      %swap3A_579 = arith.constant 1 : i32
      %swap3A_580 = arith.index_cast %add3A_243 : i32 to index
      %swap3A_581 = arith.index_cast %swap3A_579 : i32 to index
      %swap3A_582 = arith.constant 16 : index
      %swap3A_583 = tpu.vector_load %arg8[%swap3A_580, %swap3A_581, %swap3A_582] {strides = array<i32>} : memref<64x2x64xi32, #tpu.memory_space<vmem>>, vector<16xi32>,
      tpu.vector_store %arg8[%swap3A_580, %swap3A_581, %swap3A_582], %add3A_578 {strides = array<i32>} : memref<64x2x64xi32, #tpu.memory_space<vmem>>, vector<16xi32>,
      %mul3A_584 = arith.constant 128 : i32
      %mul3A_585 = arith.muli %add3A_243, %mul3A_584 : i32
      %add3A_586 = arith.addi %sub3A_5, %mul3A_585 : i32
      %add3A_587 = arith.constant 1 : i32
      %add3A_588 = arith.addi %add3A_586, %add3A_587 : i32
      %add3A_589 = arith.constant 64 : i32
      %add3A_590 = arith.addi %add3A_588, %add3A_589 : i32
      %add3A_591 = vector.broadcast %add3A_590 : i32 to vector<16xi32>
      %add3A_592 = arith.addi %add3A_591, %mul3A_8 : vector<16xi32>
      %gather3A_593 = tpu.vector_load_idx %arg6[%add3A_592] : memref<8448xi32, #tpu.memory_space<vmem>>[vector<16xi32>], vector<16xi32>,
      %sub3A_594 = arith.constant 128 : i32
      %sub3A_595 = vector.broadcast %sub3A_594 : i32 to vector<16xi32>
      %sub3A_596 = arith.subi %add3A_592, %sub3A_595 : vector<16xi32>
      %max3A_597 = arith.constant 0 : i32
      %max3A_598 = vector.broadcast %max3A_597 : i32 to vector<16xi32>
      %max3A_599 = arith.maxsi %sub3A_596, %max3A_598 : vector<16xi32>
      %gather3A_600 = tpu.vector_load_idx %arg6[%max3A_599] : memref<8448xi32, #tpu.memory_space<vmem>>[vector<16xi32>], vector<16xi32>,
      %sub3A_601 = arith.constant 256 : i32
      %sub3A_602 = vector.broadcast %sub3A_601 : i32 to vector<16xi32>
      %sub3A_603 = arith.subi %add3A_592, %sub3A_602 : vector<16xi32>
      %max3A_604 = arith.constant 0 : i32
      %max3A_605 = vector.broadcast %max3A_604 : i32 to vector<16xi32>
      %max3A_606 = arith.maxsi %sub3A_603, %max3A_605 : vector<16xi32>
      %gather3A_607 = tpu.vector_load_idx %arg6[%max3A_606] : memref<8448xi32, #tpu.memory_space<vmem>>[vector<16xi32>], vector<16xi32>,
      %add3A_608 = arith.constant 65 : i32
      %add3A_609 = vector.broadcast %add3A_608 : i32 to vector<16xi32>
      %add3A_610 = arith.addi %mul3A_8, %add3A_609 : vector<16xi32>
      %mul3A_611 = arith.constant 256 : i32
      %mul3A_612 = vector.broadcast %mul3A_611 : i32 to vector<16xi32>
      %mul3A_613 = arith.muli %add3A_610, %mul3A_612 : vector<16xi32>
      %add3A_614 = arith.addi %mul3A_613, %gather3A_600 : vector<16xi32>
      %mul3A_615 = arith.constant 16 : i32
      %mul3A_616 = vector.broadcast %mul3A_615 : i32 to vector<16xi32>
      %mul3A_617 = arith.muli %gather3A_593, %mul3A_616 : vector<16xi32>
      %add3A_618 = arith.addi %add3A_614, %mul3A_617 : vector<16xi32>
      %swap3A_619 = arith.constant 1 : i32
      %swap3A_620 = arith.index_cast %add3A_243 : i32 to index
      %swap3A_621 = arith.index_cast %swap3A_619 : i32 to index
      %swap3A_622 = arith.constant 32 : index
      %swap3A_623 = tpu.vector_load %arg7[%swap3A_620, %swap3A_621, %swap3A_622] {strides = array<i32>} : memref<64x2x64xi32, #tpu.memory_space<vmem>>, vector<16xi32>,
      tpu.vector_store %arg7[%swap3A_620, %swap3A_621, %swap3A_622], %add3A_618 {strides = array<i32>} : memref<64x2x64xi32, #tpu.memory_space<vmem>>, vector<16xi32>,
      %mul3A_624 = arith.constant 4096 : i32
      %mul3A_625 = vector.broadcast %mul3A_624 : i32 to vector<16xi32>
      %mul3A_626 = arith.muli %add3A_610, %mul3A_625 : vector<16xi32>
      %add3A_627 = arith.addi %mul3A_626, %gather3A_607 : vector<16xi32>
      %mul3A_628 = arith.constant 16 : i32
      %mul3A_629 = vector.broadcast %mul3A_628 : i32 to vector<16xi32>
      %mul3A_630 = arith.muli %gather3A_600, %mul3A_629 : vector<16xi32>
      %add3A_631 = arith.addi %add3A_627, %mul3A_630 : vector<16xi32>
      %mul3A_632 = arith.constant 256 : i32
      %mul3A_633 = vector.broadcast %mul3A_632 : i32 to vector<16xi32>
      %mul3A_634 = arith.muli %gather3A_593, %mul3A_633 : vector<16xi32>
      %add3A_635 = arith.addi %add3A_631, %mul3A_634 : vector<16xi32>
      %swap3A_636 = arith.constant 1 : i32
      %swap3A_637 = arith.index_cast %add3A_243 : i32 to index
      %swap3A_638 = arith.index_cast %swap3A_636 : i32 to index
      %swap3A_639 = arith.constant 32 : index
      %swap3A_640 = tpu.vector_load %arg8[%swap3A_637, %swap3A_638, %swap3A_639] {strides = array<i32>} : memref<64x2x64xi32, #tpu.memory_space<vmem>>, vector<16xi32>,
      tpu.vector_store %arg8[%swap3A_637, %swap3A_638, %swap3A_639], %add3A_635 {strides = array<i32>} : memref<64x2x64xi32, #tpu.memory_space<vmem>>, vector<16xi32>,
      %mul3A_641 = arith.constant 128 : i32
      %mul3A_642 = arith.muli %add3A_243, %mul3A_641 : i32
      %add3A_643 = arith.addi %sub3A_5, %mul3A_642 : i32
      %add3A_644 = arith.constant 1 : i32
      %add3A_645 = arith.addi %add3A_643, %add3A_644 : i32
      %add3A_646 = arith.constant 96 : i32
      %add3A_647 = arith.addi %add3A_645, %add3A_646 : i32
      %add3A_648 = vector.broadcast %add3A_647 : i32 to vector<16xi32>
      %add3A_649 = arith.addi %add3A_648, %mul3A_8 : vector<16xi32>
      %gather3A_650 = tpu.vector_load_idx %arg6[%add3A_649] : memref<8448xi32, #tpu.memory_space<vmem>>[vector<16xi32>], vector<16xi32>,
      %sub3A_651 = arith.constant 128 : i32
      %sub3A_652 = vector.broadcast %sub3A_651 : i32 to vector<16xi32>
      %sub3A_653 = arith.subi %add3A_649, %sub3A_652 : vector<16xi32>
      %max3A_654 = arith.constant 0 : i32
      %max3A_655 = vector.broadcast %max3A_654 : i32 to vector<16xi32>
      %max3A_656 = arith.maxsi %sub3A_653, %max3A_655 : vector<16xi32>
      %gather3A_657 = tpu.vector_load_idx %arg6[%max3A_656] : memref<8448xi32, #tpu.memory_space<vmem>>[vector<16xi32>], vector<16xi32>,
      %sub3A_658 = arith.constant 256 : i32
      %sub3A_659 = vector.broadcast %sub3A_658 : i32 to vector<16xi32>
      %sub3A_660 = arith.subi %add3A_649, %sub3A_659 : vector<16xi32>
      %max3A_661 = arith.constant 0 : i32
      %max3A_662 = vector.broadcast %max3A_661 : i32 to vector<16xi32>
      %max3A_663 = arith.maxsi %sub3A_660, %max3A_662 : vector<16xi32>
      %gather3A_664 = tpu.vector_load_idx %arg6[%max3A_663] : memref<8448xi32, #tpu.memory_space<vmem>>[vector<16xi32>], vector<16xi32>,
      %add3A_665 = arith.constant 97 : i32
      %add3A_666 = vector.broadcast %add3A_665 : i32 to vector<16xi32>
      %add3A_667 = arith.addi %mul3A_8, %add3A_666 : vector<16xi32>
      %mul3A_668 = arith.constant 256 : i32
      %mul3A_669 = vector.broadcast %mul3A_668 : i32 to vector<16xi32>
      %mul3A_670 = arith.muli %add3A_667, %mul3A_669 : vector<16xi32>
      %add3A_671 = arith.addi %mul3A_670, %gather3A_657 : vector<16xi32>
      %mul3A_672 = arith.constant 16 : i32
      %mul3A_673 = vector.broadcast %mul3A_672 : i32 to vector<16xi32>
      %mul3A_674 = arith.muli %gather3A_650, %mul3A_673 : vector<16xi32>
      %add3A_675 = arith.addi %add3A_671, %mul3A_674 : vector<16xi32>
      %swap3A_676 = arith.constant 1 : i32
      %swap3A_677 = arith.index_cast %add3A_243 : i32 to index
      %swap3A_678 = arith.index_cast %swap3A_676 : i32 to index
      %swap3A_679 = arith.constant 48 : index
      %swap3A_680 = tpu.vector_load %arg7[%swap3A_677, %swap3A_678, %swap3A_679] {strides = array<i32>} : memref<64x2x64xi32, #tpu.memory_space<vmem>>, vector<16xi32>,
      tpu.vector_store %arg7[%swap3A_677, %swap3A_678, %swap3A_679], %add3A_675 {strides = array<i32>} : memref<64x2x64xi32, #tpu.memory_space<vmem>>, vector<16xi32>,
      %mul3A_681 = arith.constant 4096 : i32
      %mul3A_682 = vector.broadcast %mul3A_681 : i32 to vector<16xi32>
      %mul3A_683 = arith.muli %add3A_667, %mul3A_682 : vector<16xi32>
      %add3A_684 = arith.addi %mul3A_683, %gather3A_664 : vector<16xi32>
      %mul3A_685 = arith.constant 16 : i32
      %mul3A_686 = vector.broadcast %mul3A_685 : i32 to vector<16xi32>
      %mul3A_687 = arith.muli %gather3A_657, %mul3A_686 : vector<16xi32>
      %add3A_688 = arith.addi %add3A_684, %mul3A_687 : vector<16xi32>
      %mul3A_689 = arith.constant 256 : i32
      %mul3A_690 = vector.broadcast %mul3A_689 : i32 to vector<16xi32>
      %mul3A_691 = arith.muli %gather3A_650, %mul3A_690 : vector<16xi32>
      %add3A_692 = arith.addi %add3A_688, %mul3A_691 : vector<16xi32>
      %swap3A_693 = arith.constant 1 : i32
      %swap3A_694 = arith.index_cast %add3A_243 : i32 to index
      %swap3A_695 = arith.index_cast %swap3A_693 : i32 to index
      %swap3A_696 = arith.constant 48 : index
      %swap3A_697 = tpu.vector_load %arg8[%swap3A_694, %swap3A_695, %swap3A_696] {strides = array<i32>} : memref<64x2x64xi32, #tpu.memory_space<vmem>>, vector<16xi32>,
      tpu.vector_store %arg8[%swap3A_694, %swap3A_695, %swap3A_696], %add3A_692 {strides = array<i32>} : memref<64x2x64xi32, #tpu.memory_space<vmem>>, vector<16xi32>,
    }
    %scan3A_12 = arith.constant 64 : i32
    %eq3A = arith.constant 0 : i32
    %eq3A_13 = arith.cmpi eq, %add3A, %eq3A : i32
    %convert_element_type3A = arith.extui %eq3A_13 : i1 to i32
    %cond3A = arith.constant 0 : i32
    %cond3A_14 = arith.cmpi ne, %convert_element_type3A, %cond3A : i32
    scf.if %cond3A_14 {
      %scan3A_239 = arith.constant 0 : i32
      %scan3A_240 = arith.constant 64 : i32
      %scan3A_241 = arith.addi %scan3A_239, %scan3A_240 : i32
      %scan3A_242 = arith.constant 1 : i32
      scf.for %scan3A_244 = %scan3A_239 to %scan3A_241 step %scan3A_242  : i32 {
        %mul3A_245 = arith.constant 1 : i32
        %mul3A_246 = arith.muli %scan3A_244, %mul3A_245 : i32
        %add3A_247 = arith.constant 0 : i32
        %add3A_248 = arith.addi %add3A_247, %mul3A_246 : i32
        %broadcast_in_dim3A = arith.constant 0.000000e+00 : f32
        %broadcast_in_dim3A_249 = vector.broadcast %broadcast_in_dim3A : f32 to vector<16xf32>
        %swap3A = arith.index_cast %add3A_248 : i32 to index
        %swap3A_250 = arith.constant 0 : index
        %swap3A_251 = tpu.vector_load %arg10[%swap3A, %swap3A_250] {strides = array<i32>} : memref<64x128xf32, #tpu.memory_space<vmem>>, vector<16xf32>,
        tpu.vector_store %arg10[%swap3A, %swap3A_250], %broadcast_in_dim3A_249 {strides = array<i32>} : memref<64x128xf32, #tpu.memory_space<vmem>>, vector<16xf32>,
        %broadcast_in_dim3A_252 = arith.constant 0.000000e+00 : f32
        %broadcast_in_dim3A_253 = vector.broadcast %broadcast_in_dim3A_252 : f32 to vector<16xf32>
        %swap3A_254 = arith.index_cast %add3A_248 : i32 to index
        %swap3A_255 = arith.constant 16 : index
        %swap3A_256 = tpu.vector_load %arg10[%swap3A_254, %swap3A_255] {strides = array<i32>} : memref<64x128xf32, #tpu.memory_space<vmem>>, vector<16xf32>,
        tpu.vector_store %arg10[%swap3A_254, %swap3A_255], %broadcast_in_dim3A_253 {strides = array<i32>} : memref<64x128xf32, #tpu.memory_space<vmem>>, vector<16xf32>,
        %broadcast_in_dim3A_257 = arith.constant 0.000000e+00 : f32
        %broadcast_in_dim3A_258 = vector.broadcast %broadcast_in_dim3A_257 : f32 to vector<16xf32>
        %swap3A_259 = arith.index_cast %add3A_248 : i32 to index
        %swap3A_260 = arith.constant 32 : index
        %swap3A_261 = tpu.vector_load %arg10[%swap3A_259, %swap3A_260] {strides = array<i32>} : memref<64x128xf32, #tpu.memory_space<vmem>>, vector<16xf32>,
        tpu.vector_store %arg10[%swap3A_259, %swap3A_260], %broadcast_in_dim3A_258 {strides = array<i32>} : memref<64x128xf32, #tpu.memory_space<vmem>>, vector<16xf32>,
        %broadcast_in_dim3A_262 = arith.constant 0.000000e+00 : f32
        %broadcast_in_dim3A_263 = vector.broadcast %broadcast_in_dim3A_262 : f32 to vector<16xf32>
        %swap3A_264 = arith.index_cast %add3A_248 : i32 to index
        %swap3A_265 = arith.constant 48 : index
        %swap3A_266 = tpu.vector_load %arg10[%swap3A_264, %swap3A_265] {strides = array<i32>} : memref<64x128xf32, #tpu.memory_space<vmem>>, vector<16xf32>,
        tpu.vector_store %arg10[%swap3A_264, %swap3A_265], %broadcast_in_dim3A_263 {strides = array<i32>} : memref<64x128xf32, #tpu.memory_space<vmem>>, vector<16xf32>,
        %broadcast_in_dim3A_267 = arith.constant 0.000000e+00 : f32
        %broadcast_in_dim3A_268 = vector.broadcast %broadcast_in_dim3A_267 : f32 to vector<16xf32>
        %swap3A_269 = arith.index_cast %add3A_248 : i32 to index
        %swap3A_270 = arith.constant 64 : index
        %swap3A_271 = tpu.vector_load %arg10[%swap3A_269, %swap3A_270] {strides = array<i32>} : memref<64x128xf32, #tpu.memory_space<vmem>>, vector<16xf32>,
        tpu.vector_store %arg10[%swap3A_269, %swap3A_270], %broadcast_in_dim3A_268 {strides = array<i32>} : memref<64x128xf32, #tpu.memory_space<vmem>>, vector<16xf32>,
        %broadcast_in_dim3A_272 = arith.constant 0.000000e+00 : f32
        %broadcast_in_dim3A_273 = vector.broadcast %broadcast_in_dim3A_272 : f32 to vector<16xf32>
        %swap3A_274 = arith.index_cast %add3A_248 : i32 to index
        %swap3A_275 = arith.constant 80 : index
        %swap3A_276 = tpu.vector_load %arg10[%swap3A_274, %swap3A_275] {strides = array<i32>} : memref<64x128xf32, #tpu.memory_space<vmem>>, vector<16xf32>,
        tpu.vector_store %arg10[%swap3A_274, %swap3A_275], %broadcast_in_dim3A_273 {strides = array<i32>} : memref<64x128xf32, #tpu.memory_space<vmem>>, vector<16xf32>,
        %broadcast_in_dim3A_277 = arith.constant 0.000000e+00 : f32
        %broadcast_in_dim3A_278 = vector.broadcast %broadcast_in_dim3A_277 : f32 to vector<16xf32>
        %swap3A_279 = arith.index_cast %add3A_248 : i32 to index
        %swap3A_280 = arith.constant 96 : index
        %swap3A_281 = tpu.vector_load %arg10[%swap3A_279, %swap3A_280] {strides = array<i32>} : memref<64x128xf32, #tpu.memory_space<vmem>>, vector<16xf32>,
        tpu.vector_store %arg10[%swap3A_279, %swap3A_280], %broadcast_in_dim3A_278 {strides = array<i32>} : memref<64x128xf32, #tpu.memory_space<vmem>>, vector<16xf32>,
        %broadcast_in_dim3A_282 = arith.constant 0.000000e+00 : f32
        %broadcast_in_dim3A_283 = vector.broadcast %broadcast_in_dim3A_282 : f32 to vector<16xf32>
        %swap3A_284 = arith.index_cast %add3A_248 : i32 to index
        %swap3A_285 = arith.constant 112 : index
        %swap3A_286 = tpu.vector_load %arg10[%swap3A_284, %swap3A_285] {strides = array<i32>} : memref<64x128xf32, #tpu.memory_space<vmem>>, vector<16xf32>,
        tpu.vector_store %arg10[%swap3A_284, %swap3A_285], %broadcast_in_dim3A_283 {strides = array<i32>} : memref<64x128xf32, #tpu.memory_space<vmem>>, vector<16xf32>,
      }
      %scan3A_243 = arith.constant 64 : i32
    } else {
    }
    %dma_start3A = arith.constant 0 : i32
    %dma_start3A_15 = arith.constant 0 : i32
    %dma_start3A_16 = arith.constant 0 : i32
    %dma_start3A_17 = arith.constant 0 : i32
    %dma_start3A_18 = arith.constant 0 : i32
    %dma_start3A_19 = arith.constant 0 : i32
    %dma_start3A_20 = arith.constant 0 : i32
    %dma_start3A_21 = tpu.memref_slice %arg9[%dma_start3A_16, %dma_start3A_17, %dma_start3A_18, %dma_start3A_19, %dma_start3A_20] : memref<4x2x2x64x64xf32, #tpu.memory_space<vmem>> -> memref<1x1x1x64x64xf32, #tpu.memory_space<vmem>>
    %dma_start3A_22 = tpu.memref_squeeze %dma_start3A_21 : memref<1x1x1x64x64xf32, #tpu.memory_space<vmem>> -> memref<64x64xf32, #tpu.memory_space<vmem>>
    %dma_start3A_23 = arith.constant 0 : i32
    %dma_start3A_24 = tpu.memref_slice %arg7[%dma_start3A, %dma_start3A_15, %dma_start3A_23] : memref<64x2x64xi32, #tpu.memory_space<vmem>> -> memref<1x1x64xi32, #tpu.memory_space<vmem>>
    %dma_start3A_25 = tpu.memref_squeeze %dma_start3A_24 : memref<1x1x64xi32, #tpu.memory_space<vmem>> -> memref<64xi32, #tpu.memory_space<vmem>>
    %dma_start3A_26 = arith.constant 0 : i32
    %dma_start3A_27 = arith.constant 0 : i32
    %dma_start3A_28 = tpu.memref_slice %arg3[%dma_start3A_26, %dma_start3A_27] : memref<32768x64xf32, #tpu.memory_space<hbm>> -> memref<32768x64xf32, #tpu.memory_space<hbm>>
    tpu.enqueue_indirect_dma source(%dma_start3A_28 : memref<32768x64xf32, #tpu.memory_space<hbm>>) target(%dma_start3A_22 : memref<64x64xf32, #tpu.memory_space<vmem>>) offsets(%dma_start3A_25 : memref<64xi32, #tpu.memory_space<vmem>>) semaphore(%arg11 : memref<!tpu.dma_semaphore, #tpu.memory_space<semaphore_mem>>)
    %dma_start3A_29 = arith.constant 0 : i32
    %dma_start3A_30 = arith.constant 1 : i32
    %dma_start3A_31 = arith.constant 0 : i32
    %dma_start3A_32 = arith.constant 0 : i32
    %dma_start3A_33 = arith.constant 1 : i32
    %dma_start3A_34 = arith.constant 0 : i32
    %dma_start3A_35 = arith.constant 0 : i32
    %dma_start3A_36 = tpu.memref_slice %arg9[%dma_start3A_31, %dma_start3A_32, %dma_start3A_33, %dma_start3A_34, %dma_start3A_35] : memref<4x2x2x64x64xf32, #tpu.memory_space<vmem>> -> memref<1x1x1x64x64xf32, #tpu.memory_space<vmem>>
    %dma_start3A_37 = tpu.memref_squeeze %dma_start3A_36 : memref<1x1x1x64x64xf32, #tpu.memory_space<vmem>> -> memref<64x64xf32, #tpu.memory_space<vmem>>
    %dma_start3A_38 = arith.constant 0 : i32
    %dma_start3A_39 = tpu.memref_slice %arg7[%dma_start3A_29, %dma_start3A_30, %dma_start3A_38] : memref<64x2x64xi32, #tpu.memory_space<vmem>> -> memref<1x1x64xi32, #tpu.memory_space<vmem>>
    %dma_start3A_40 = tpu.memref_squeeze %dma_start3A_39 : memref<1x1x64xi32, #tpu.memory_space<vmem>> -> memref<64xi32, #tpu.memory_space<vmem>>
    %dma_start3A_41 = arith.constant 0 : i32
    %dma_start3A_42 = arith.constant 0 : i32
    %dma_start3A_43 = tpu.memref_slice %arg3[%dma_start3A_41, %dma_start3A_42] : memref<32768x64xf32, #tpu.memory_space<hbm>> -> memref<32768x64xf32, #tpu.memory_space<hbm>>
    tpu.enqueue_indirect_dma source(%dma_start3A_43 : memref<32768x64xf32, #tpu.memory_space<hbm>>) target(%dma_start3A_37 : memref<64x64xf32, #tpu.memory_space<vmem>>) offsets(%dma_start3A_40 : memref<64xi32, #tpu.memory_space<vmem>>) semaphore(%arg11 : memref<!tpu.dma_semaphore, #tpu.memory_space<semaphore_mem>>)
    %dma_start3A_44 = arith.constant 0 : i32
    %dma_start3A_45 = arith.constant 0 : i32
    %dma_start3A_46 = arith.constant 0 : i32
    %dma_start3A_47 = arith.constant 1 : i32
    %dma_start3A_48 = arith.constant 0 : i32
    %dma_start3A_49 = arith.constant 0 : i32
    %dma_start3A_50 = arith.constant 0 : i32
    %dma_start3A_51 = tpu.memref_slice %arg9[%dma_start3A_46, %dma_start3A_47, %dma_start3A_48, %dma_start3A_49, %dma_start3A_50] : memref<4x2x2x64x64xf32, #tpu.memory_space<vmem>> -> memref<1x1x1x64x64xf32, #tpu.memory_space<vmem>>
    %dma_start3A_52 = tpu.memref_squeeze %dma_start3A_51 : memref<1x1x1x64x64xf32, #tpu.memory_space<vmem>> -> memref<64x64xf32, #tpu.memory_space<vmem>>
    %dma_start3A_53 = arith.constant 0 : i32
    %dma_start3A_54 = tpu.memref_slice %arg8[%dma_start3A_44, %dma_start3A_45, %dma_start3A_53] : memref<64x2x64xi32, #tpu.memory_space<vmem>> -> memref<1x1x64xi32, #tpu.memory_space<vmem>>
    %dma_start3A_55 = tpu.memref_squeeze %dma_start3A_54 : memref<1x1x64xi32, #tpu.memory_space<vmem>> -> memref<64xi32, #tpu.memory_space<vmem>>
    %dma_start3A_56 = arith.constant 0 : i32
    %dma_start3A_57 = arith.constant 0 : i32
    %dma_start3A_58 = tpu.memref_slice %arg4[%dma_start3A_56, %dma_start3A_57] : memref<524288x64xf32, #tpu.memory_space<hbm>> -> memref<524288x64xf32, #tpu.memory_space<hbm>>
    tpu.enqueue_indirect_dma source(%dma_start3A_58 : memref<524288x64xf32, #tpu.memory_space<hbm>>) target(%dma_start3A_52 : memref<64x64xf32, #tpu.memory_space<vmem>>) offsets(%dma_start3A_55 : memref<64xi32, #tpu.memory_space<vmem>>) semaphore(%arg11 : memref<!tpu.dma_semaphore, #tpu.memory_space<semaphore_mem>>)
    %dma_start3A_59 = arith.constant 0 : i32
    %dma_start3A_60 = arith.constant 1 : i32
    %dma_start3A_61 = arith.constant 0 : i32
    %dma_start3A_62 = arith.constant 1 : i32
    %dma_start3A_63 = arith.constant 1 : i32
    %dma_start3A_64 = arith.constant 0 : i32
    %dma_start3A_65 = arith.constant 0 : i32
    %dma_start3A_66 = tpu.memref_slice %arg9[%dma_start3A_61, %dma_start3A_62, %dma_start3A_63, %dma_start3A_64, %dma_start3A_65] : memref<4x2x2x64x64xf32, #tpu.memory_space<vmem>> -> memref<1x1x1x64x64xf32, #tpu.memory_space<vmem>>
    %dma_start3A_67 = tpu.memref_squeeze %dma_start3A_66 : memref<1x1x1x64x64xf32, #tpu.memory_space<vmem>> -> memref<64x64xf32, #tpu.memory_space<vmem>>
    %dma_start3A_68 = arith.constant 0 : i32
    %dma_start3A_69 = tpu.memref_slice %arg8[%dma_start3A_59, %dma_start3A_60, %dma_start3A_68] : memref<64x2x64xi32, #tpu.memory_space<vmem>> -> memref<1x1x64xi32, #tpu.memory_space<vmem>>
    %dma_start3A_70 = tpu.memref_squeeze %dma_start3A_69 : memref<1x1x64xi32, #tpu.memory_space<vmem>> -> memref<64xi32, #tpu.memory_space<vmem>>
    %dma_start3A_71 = arith.constant 0 : i32
    %dma_start3A_72 = arith.constant 0 : i32
    %dma_start3A_73 = tpu.memref_slice %arg4[%dma_start3A_71, %dma_start3A_72] : memref<524288x64xf32, #tpu.memory_space<hbm>> -> memref<524288x64xf32, #tpu.memory_space<hbm>>
    tpu.enqueue_indirect_dma source(%dma_start3A_73 : memref<524288x64xf32, #tpu.memory_space<hbm>>) target(%dma_start3A_67 : memref<64x64xf32, #tpu.memory_space<vmem>>) offsets(%dma_start3A_70 : memref<64xi32, #tpu.memory_space<vmem>>) semaphore(%arg11 : memref<!tpu.dma_semaphore, #tpu.memory_space<semaphore_mem>>)
    %dma_start3A_74 = arith.constant 1 : i32
    %dma_start3A_75 = arith.constant 0 : i32
    %dma_start3A_76 = arith.constant 1 : i32
    %dma_start3A_77 = arith.constant 0 : i32
    %dma_start3A_78 = arith.constant 0 : i32
    %dma_start3A_79 = arith.constant 0 : i32
    %dma_start3A_80 = arith.constant 0 : i32
    %dma_start3A_81 = tpu.memref_slice %arg9[%dma_start3A_76, %dma_start3A_77, %dma_start3A_78, %dma_start3A_79, %dma_start3A_80] : memref<4x2x2x64x64xf32, #tpu.memory_space<vmem>> -> memref<1x1x1x64x64xf32, #tpu.memory_space<vmem>>
    %dma_start3A_82 = tpu.memref_squeeze %dma_start3A_81 : memref<1x1x1x64x64xf32, #tpu.memory_space<vmem>> -> memref<64x64xf32, #tpu.memory_space<vmem>>
    %dma_start3A_83 = arith.constant 0 : i32
    %dma_start3A_84 = tpu.memref_slice %arg7[%dma_start3A_74, %dma_start3A_75, %dma_start3A_83] : memref<64x2x64xi32, #tpu.memory_space<vmem>> -> memref<1x1x64xi32, #tpu.memory_space<vmem>>
    %dma_start3A_85 = tpu.memref_squeeze %dma_start3A_84 : memref<1x1x64xi32, #tpu.memory_space<vmem>> -> memref<64xi32, #tpu.memory_space<vmem>>
    %dma_start3A_86 = arith.constant 0 : i32
    %dma_start3A_87 = arith.constant 0 : i32
    %dma_start3A_88 = tpu.memref_slice %arg3[%dma_start3A_86, %dma_start3A_87] : memref<32768x64xf32, #tpu.memory_space<hbm>> -> memref<32768x64xf32, #tpu.memory_space<hbm>>
    tpu.enqueue_indirect_dma source(%dma_start3A_88 : memref<32768x64xf32, #tpu.memory_space<hbm>>) target(%dma_start3A_82 : memref<64x64xf32, #tpu.memory_space<vmem>>) offsets(%dma_start3A_85 : memref<64xi32, #tpu.memory_space<vmem>>) semaphore(%arg11 : memref<!tpu.dma_semaphore, #tpu.memory_space<semaphore_mem>>)
    %dma_start3A_89 = arith.constant 1 : i32
    %dma_start3A_90 = arith.constant 1 : i32
    %dma_start3A_91 = arith.constant 1 : i32
    %dma_start3A_92 = arith.constant 0 : i32
    %dma_start3A_93 = arith.constant 1 : i32
    %dma_start3A_94 = arith.constant 0 : i32
    %dma_start3A_95 = arith.constant 0 : i32
    %dma_start3A_96 = tpu.memref_slice %arg9[%dma_start3A_91, %dma_start3A_92, %dma_start3A_93, %dma_start3A_94, %dma_start3A_95] : memref<4x2x2x64x64xf32, #tpu.memory_space<vmem>> -> memref<1x1x1x64x64xf32, #tpu.memory_space<vmem>>
    %dma_start3A_97 = tpu.memref_squeeze %dma_start3A_96 : memref<1x1x1x64x64xf32, #tpu.memory_space<vmem>> -> memref<64x64xf32, #tpu.memory_space<vmem>>
    %dma_start3A_98 = arith.constant 0 : i32
    %dma_start3A_99 = tpu.memref_slice %arg7[%dma_start3A_89, %dma_start3A_90, %dma_start3A_98] : memref<64x2x64xi32, #tpu.memory_space<vmem>> -> memref<1x1x64xi32, #tpu.memory_space<vmem>>
    %dma_start3A_100 = tpu.memref_squeeze %dma_start3A_99 : memref<1x1x64xi32, #tpu.memory_space<vmem>> -> memref<64xi32, #tpu.memory_space<vmem>>
    %dma_start3A_101 = arith.constant 0 : i32
    %dma_start3A_102 = arith.constant 0 : i32
    %dma_start3A_103 = tpu.memref_slice %arg3[%dma_start3A_101, %dma_start3A_102] : memref<32768x64xf32, #tpu.memory_space<hbm>> -> memref<32768x64xf32, #tpu.memory_space<hbm>>
    tpu.enqueue_indirect_dma source(%dma_start3A_103 : memref<32768x64xf32, #tpu.memory_space<hbm>>) target(%dma_start3A_97 : memref<64x64xf32, #tpu.memory_space<vmem>>) offsets(%dma_start3A_100 : memref<64xi32, #tpu.memory_space<vmem>>) semaphore(%arg11 : memref<!tpu.dma_semaphore, #tpu.memory_space<semaphore_mem>>)
    %dma_start3A_104 = arith.constant 1 : i32
    %dma_start3A_105 = arith.constant 0 : i32
    %dma_start3A_106 = arith.constant 1 : i32
    %dma_start3A_107 = arith.constant 1 : i32
    %dma_start3A_108 = arith.constant 0 : i32
    %dma_start3A_109 = arith.constant 0 : i32
    %dma_start3A_110 = arith.constant 0 : i32
    %dma_start3A_111 = tpu.memref_slice %arg9[%dma_start3A_106, %dma_start3A_107, %dma_start3A_108, %dma_start3A_109, %dma_start3A_110] : memref<4x2x2x64x64xf32, #tpu.memory_space<vmem>> -> memref<1x1x1x64x64xf32, #tpu.memory_space<vmem>>
    %dma_start3A_112 = tpu.memref_squeeze %dma_start3A_111 : memref<1x1x1x64x64xf32, #tpu.memory_space<vmem>> -> memref<64x64xf32, #tpu.memory_space<vmem>>
    %dma_start3A_113 = arith.constant 0 : i32
    %dma_start3A_114 = tpu.memref_slice %arg8[%dma_start3A_104, %dma_start3A_105, %dma_start3A_113] : memref<64x2x64xi32, #tpu.memory_space<vmem>> -> memref<1x1x64xi32, #tpu.memory_space<vmem>>
    %dma_start3A_115 = tpu.memref_squeeze %dma_start3A_114 : memref<1x1x64xi32, #tpu.memory_space<vmem>> -> memref<64xi32, #tpu.memory_space<vmem>>
    %dma_start3A_116 = arith.constant 0 : i32
    %dma_start3A_117 = arith.constant 0 : i32
    %dma_start3A_118 = tpu.memref_slice %arg4[%dma_start3A_116, %dma_start3A_117] : memref<524288x64xf32, #tpu.memory_space<hbm>> -> memref<524288x64xf32, #tpu.memory_space<hbm>>
    tpu.enqueue_indirect_dma source(%dma_start3A_118 : memref<524288x64xf32, #tpu.memory_space<hbm>>) target(%dma_start3A_112 : memref<64x64xf32, #tpu.memory_space<vmem>>) offsets(%dma_start3A_115 : memref<64xi32, #tpu.memory_space<vmem>>) semaphore(%arg11 : memref<!tpu.dma_semaphore, #tpu.memory_space<semaphore_mem>>)
    %dma_start3A_119 = arith.constant 1 : i32
    %dma_start3A_120 = arith.constant 1 : i32
    %dma_start3A_121 = arith.constant 1 : i32
    %dma_start3A_122 = arith.constant 1 : i32
    %dma_start3A_123 = arith.constant 1 : i32
    %dma_start3A_124 = arith.constant 0 : i32
    %dma_start3A_125 = arith.constant 0 : i32
    %dma_start3A_126 = tpu.memref_slice %arg9[%dma_start3A_121, %dma_start3A_122, %dma_start3A_123, %dma_start3A_124, %dma_start3A_125] : memref<4x2x2x64x64xf32, #tpu.memory_space<vmem>> -> memref<1x1x1x64x64xf32, #tpu.memory_space<vmem>>
    %dma_start3A_127 = tpu.memref_squeeze %dma_start3A_126 : memref<1x1x1x64x64xf32, #tpu.memory_space<vmem>> -> memref<64x64xf32, #tpu.memory_space<vmem>>
    %dma_start3A_128 = arith.constant 0 : i32
    %dma_start3A_129 = tpu.memref_slice %arg8[%dma_start3A_119, %dma_start3A_120, %dma_start3A_128] : memref<64x2x64xi32, #tpu.memory_space<vmem>> -> memref<1x1x64xi32, #tpu.memory_space<vmem>>
    %dma_start3A_130 = tpu.memref_squeeze %dma_start3A_129 : memref<1x1x64xi32, #tpu.memory_space<vmem>> -> memref<64xi32, #tpu.memory_space<vmem>>
    %dma_start3A_131 = arith.constant 0 : i32
    %dma_start3A_132 = arith.constant 0 : i32
    %dma_start3A_133 = tpu.memref_slice %arg4[%dma_start3A_131, %dma_start3A_132] : memref<524288x64xf32, #tpu.memory_space<hbm>> -> memref<524288x64xf32, #tpu.memory_space<hbm>>
    tpu.enqueue_indirect_dma source(%dma_start3A_133 : memref<524288x64xf32, #tpu.memory_space<hbm>>) target(%dma_start3A_127 : memref<64x64xf32, #tpu.memory_space<vmem>>) offsets(%dma_start3A_130 : memref<64xi32, #tpu.memory_space<vmem>>) semaphore(%arg11 : memref<!tpu.dma_semaphore, #tpu.memory_space<semaphore_mem>>)
    %scan3A_134 = arith.constant 0 : i32
    %scan3A_135 = arith.constant 16 : i32
    %scan3A_136 = arith.addi %scan3A_134, %scan3A_135 : i32
    %scan3A_137 = arith.constant 1 : i32
    scf.for %scan3A_239 = %scan3A_134 to %scan3A_136 step %scan3A_137  : i32 {
      %mul3A_240 = arith.constant 4 : i32
      %mul3A_241 = arith.muli %scan3A_239, %mul3A_240 : i32
      %add3A_242 = arith.constant 0 : i32
      %add3A_243 = arith.addi %add3A_242, %mul3A_241 : i32
      %add3A_244 = arith.constant 0 : i32
      %add3A_245 = arith.addi %add3A_243, %add3A_244 : i32
      %mul3A_246 = arith.constant 8 : i32
      %mul3A_247 = arith.muli %add3A, %mul3A_246 : i32
      %jit3A = arith.constant 8 : i32
      %div3A = arith.divsi %add3A_245, %jit3A : i32
      %sign3A = arith.constant 0 : i32
      %sign3A_248 = arith.cmpi sgt, %add3A_245, %sign3A : i32
      %sign3A_249 = arith.extui %sign3A_248 : i1 to i32
      %sign3A_250 = arith.constant 0 : i32
      %sign3A_251 = arith.cmpi slt, %add3A_245, %sign3A_250 : i32
      %sign3A_252 = arith.extui %sign3A_251 : i1 to i32
      %sign3A_253 = arith.subi %sign3A_249, %sign3A_252 : i32
      %sign3A_254 = arith.constant 0 : i32
      %sign3A_255 = arith.cmpi sgt, %jit3A, %sign3A_254 : i32
      %sign3A_256 = arith.extui %sign3A_255 : i1 to i32
      %sign3A_257 = arith.constant 0 : i32
      %sign3A_258 = arith.cmpi slt, %jit3A, %sign3A_257 : i32
      %sign3A_259 = arith.extui %sign3A_258 : i1 to i32
      %sign3A_260 = arith.subi %sign3A_256, %sign3A_259 : i32
      %ne3A = arith.cmpi ne, %sign3A_253, %sign3A_260 : i32
      %rem3A = arith.remsi %add3A_245, %jit3A : i32
      %ne3A_261 = arith.constant 0 : i32
      %ne3A_262 = arith.cmpi ne, %rem3A, %ne3A_261 : i32
      %and3A = arith.andi %ne3A, %ne3A_262 : i1
      %sub3A_263 = arith.constant 1 : i32
      %sub3A_264 = arith.subi %div3A, %sub3A_263 : i32
      %select_n3A = arith.select %and3A, %sub3A_264, %div3A : i32
      %add3A_265 = arith.addi %mul3A_247, %select_n3A : i32
      %jit3A_266 = arith.constant 8 : i32
      %eq3A_267 = arith.constant 0 : i32
      %eq3A_268 = arith.cmpi eq, %jit3A_266, %eq3A_267 : i32
      %jit3A_269 = arith.constant 1 : i32
      %select_n3A_270 = arith.select %eq3A_268, %jit3A_269, %jit3A_266 : i32
      %rem3A_271 = arith.remsi %add3A_245, %select_n3A_270 : i32
      %ne3A_272 = arith.constant 0 : i32
      %ne3A_273 = arith.cmpi ne, %rem3A_271, %ne3A_272 : i32
      %lt3A = arith.constant 0 : i32
      %lt3A_274 = arith.cmpi slt, %rem3A_271, %lt3A : i32
      %lt3A_275 = arith.constant 0 : i32
      %lt3A_276 = arith.cmpi slt, %select_n3A_270, %lt3A_275 : i32
      %ne3A_277 = arith.xori %lt3A_274, %lt3A_276 : i1
      %and3A_278 = arith.andi %ne3A_277, %ne3A_273 : i1
      %add3A_279 = arith.addi %rem3A_271, %select_n3A_270 : i32
      %select_n3A_280 = arith.select %and3A_278, %add3A_279, %rem3A_271 : i32
      %dma_wait3A_281 = arith.constant 0 : i32
      %dma_wait3A_282 = arith.constant 0 : i32
      %dma_wait3A_283 = arith.constant 0 : i32
      %dma_wait3A_284 = arith.constant 0 : i32
      %dma_wait3A_285 = arith.constant 0 : i32
      %dma_wait3A_286 = tpu.memref_slice %arg9[%dma_wait3A_281, %dma_wait3A_282, %dma_wait3A_283, %dma_wait3A_284, %dma_wait3A_285] : memref<4x2x2x64x64xf32, #tpu.memory_space<vmem>> -> memref<1x1x2x64x64xf32, #tpu.memory_space<vmem>>
      %dma_wait3A_287 = tpu.memref_squeeze %dma_wait3A_286 : memref<1x1x2x64x64xf32, #tpu.memory_space<vmem>> -> memref<2x64x64xf32, #tpu.memory_space<vmem>>
      %dma_wait3A_288 = arith.constant 0 : i32
      %dma_wait3A_289 = arith.constant 0 : i32
      %dma_wait3A_290 = arith.constant 0 : i32
      %dma_wait3A_291 = tpu.memref_slice %arg5[%add3A_265, %dma_wait3A_288, %dma_wait3A_289, %select_n3A_280, %dma_wait3A_290] : memref<256x2x64x8x128xf32, #tpu.memory_space<hbm>> -> memref<1x2x64x1x64xf32, #tpu.memory_space<hbm>>
      %dma_wait3A_292 = tpu.memref_squeeze %dma_wait3A_291 : memref<1x2x64x1x64xf32, #tpu.memory_space<hbm>> -> memref<2x64x64xf32, #tpu.memory_space<hbm>>
      %dma_wait3A_293 = arith.constant 0 : i32
      %dma_wait3A_294 = arith.constant 0 : i32
      %dma_wait3A_295 = arith.constant 0 : i32
      %dma_wait3A_296 = tpu.memref_slice %arg9[%dma_wait3A_281, %dma_wait3A_282, %dma_wait3A_293, %dma_wait3A_294, %dma_wait3A_295] : memref<4x2x2x64x64xf32, #tpu.memory_space<vmem>> -> memref<1x1x2x64x64xf32, #tpu.memory_space<vmem>>
      %dma_wait3A_297 = tpu.memref_squeeze %dma_wait3A_296 : memref<1x1x2x64x64xf32, #tpu.memory_space<vmem>> -> memref<2x64x64xf32, #tpu.memory_space<vmem>>
      %dma_wait3A_298 = arith.constant 0 : i32
      %dma_wait3A_299 = arith.constant 0 : i32
      %dma_wait3A_300 = arith.constant 0 : i32
      %dma_wait3A_301 = tpu.memref_slice %arg5[%add3A_265, %dma_wait3A_298, %dma_wait3A_299, %select_n3A_280, %dma_wait3A_300] : memref<256x2x64x8x128xf32, #tpu.memory_space<hbm>> -> memref<1x2x64x1x64xf32, #tpu.memory_space<hbm>>
      %dma_wait3A_302 = tpu.memref_squeeze %dma_wait3A_301 : memref<1x2x64x1x64xf32, #tpu.memory_space<hbm>> -> memref<2x64x64xf32, #tpu.memory_space<hbm>>
      tpu.wait_dma2 semaphore(%arg11 : memref<!tpu.dma_semaphore, #tpu.memory_space<semaphore_mem>>) src(%dma_wait3A_302 : memref<2x64x64xf32, #tpu.memory_space<hbm>>) dst(%dma_wait3A_297 : memref<2x64x64xf32, #tpu.memory_space<vmem>>)
      %dma_wait3A_303 = arith.constant 0 : i32
      %dma_wait3A_304 = arith.constant 1 : i32
      %dma_wait3A_305 = arith.constant 0 : i32
      %dma_wait3A_306 = arith.constant 0 : i32
      %dma_wait3A_307 = arith.constant 0 : i32
      %dma_wait3A_308 = tpu.memref_slice %arg9[%dma_wait3A_303, %dma_wait3A_304, %dma_wait3A_305, %dma_wait3A_306, %dma_wait3A_307] : memref<4x2x2x64x64xf32, #tpu.memory_space<vmem>> -> memref<1x1x2x64x64xf32, #tpu.memory_space<vmem>>
      %dma_wait3A_309 = tpu.memref_squeeze %dma_wait3A_308 : memref<1x1x2x64x64xf32, #tpu.memory_space<vmem>> -> memref<2x64x64xf32, #tpu.memory_space<vmem>>
      %dma_wait3A_310 = arith.constant 0 : i32
      %dma_wait3A_311 = arith.constant 0 : i32
      %dma_wait3A_312 = arith.constant 0 : i32
      %dma_wait3A_313 = tpu.memref_slice %arg5[%add3A_265, %dma_wait3A_310, %dma_wait3A_311, %select_n3A_280, %dma_wait3A_312] : memref<256x2x64x8x128xf32, #tpu.memory_space<hbm>> -> memref<1x2x64x1x64xf32, #tpu.memory_space<hbm>>
      %dma_wait3A_314 = tpu.memref_squeeze %dma_wait3A_313 : memref<1x2x64x1x64xf32, #tpu.memory_space<hbm>> -> memref<2x64x64xf32, #tpu.memory_space<hbm>>
      %dma_wait3A_315 = arith.constant 0 : i32
      %dma_wait3A_316 = arith.constant 0 : i32
      %dma_wait3A_317 = arith.constant 0 : i32
      %dma_wait3A_318 = tpu.memref_slice %arg9[%dma_wait3A_303, %dma_wait3A_304, %dma_wait3A_315, %dma_wait3A_316, %dma_wait3A_317] : memref<4x2x2x64x64xf32, #tpu.memory_space<vmem>> -> memref<1x1x2x64x64xf32, #tpu.memory_space<vmem>>
      %dma_wait3A_319 = tpu.memref_squeeze %dma_wait3A_318 : memref<1x1x2x64x64xf32, #tpu.memory_space<vmem>> -> memref<2x64x64xf32, #tpu.memory_space<vmem>>
      %dma_wait3A_320 = arith.constant 0 : i32
      %dma_wait3A_321 = arith.constant 0 : i32
      %dma_wait3A_322 = arith.constant 0 : i32
      %dma_wait3A_323 = tpu.memref_slice %arg5[%add3A_265, %dma_wait3A_320, %dma_wait3A_321, %select_n3A_280, %dma_wait3A_322] : memref<256x2x64x8x128xf32, #tpu.memory_space<hbm>> -> memref<1x2x64x1x64xf32, #tpu.memory_space<hbm>>
      %dma_wait3A_324 = tpu.memref_squeeze %dma_wait3A_323 : memref<1x2x64x1x64xf32, #tpu.memory_space<hbm>> -> memref<2x64x64xf32, #tpu.memory_space<hbm>>
      tpu.wait_dma2 semaphore(%arg11 : memref<!tpu.dma_semaphore, #tpu.memory_space<semaphore_mem>>) src(%dma_wait3A_324 : memref<2x64x64xf32, #tpu.memory_space<hbm>>) dst(%dma_wait3A_319 : memref<2x64x64xf32, #tpu.memory_space<vmem>>)
      %dma_start3A_325 = arith.constant 0 : i32
      %dma_start3A_326 = arith.constant 0 : i32
      %dma_start3A_327 = arith.constant 0 : i32
      %dma_start3A_328 = arith.constant 0 : i32
      %dma_start3A_329 = arith.constant 0 : i32
      %dma_start3A_330 = arith.constant 0 : i32
      %dma_start3A_331 = tpu.memref_slice %arg9[%dma_start3A_325, %dma_start3A_326, %dma_start3A_327, %dma_start3A_329, %dma_start3A_330] : memref<4x2x2x64x64xf32, #tpu.memory_space<vmem>> -> memref<1x1x1x64x64xf32, #tpu.memory_space<vmem>>
      %dma_start3A_332 = tpu.memref_squeeze %dma_start3A_331 : memref<1x1x1x64x64xf32, #tpu.memory_space<vmem>> -> memref<64x64xf32, #tpu.memory_space<vmem>>
      %dma_start3A_333 = arith.constant 0 : i32
      %dma_start3A_334 = arith.constant 0 : i32
      %dma_start3A_335 = tpu.memref_slice %arg5[%add3A_265, %dma_start3A_328, %dma_start3A_333, %select_n3A_280, %dma_start3A_334] : memref<256x2x64x8x128xf32, #tpu.memory_space<hbm>> -> memref<1x1x64x1x64xf32, #tpu.memory_space<hbm>>
      %dma_start3A_336 = tpu.memref_squeeze %dma_start3A_335 : memref<1x1x64x1x64xf32, #tpu.memory_space<hbm>> -> memref<64x64xf32, #tpu.memory_space<hbm>>
      %dma_start3A_337 = arith.constant 0 : i32
      %dma_start3A_338 = arith.constant 0 : i32
      %dma_start3A_339 = tpu.memref_slice %arg5[%add3A_265, %dma_start3A_328, %dma_start3A_337, %select_n3A_280, %dma_start3A_338] : memref<256x2x64x8x128xf32, #tpu.memory_space<hbm>> -> memref<1x1x64x1x64xf32, #tpu.memory_space<hbm>>
      %dma_start3A_340 = tpu.memref_squeeze %dma_start3A_339 : memref<1x1x64x1x64xf32, #tpu.memory_space<hbm>> -> memref<64x64xf32, #tpu.memory_space<hbm>>
      %dma_start3A_341 = arith.constant 0 : i32
      %dma_start3A_342 = arith.constant 0 : i32
      %dma_start3A_343 = tpu.memref_slice %arg9[%dma_start3A_325, %dma_start3A_326, %dma_start3A_327, %dma_start3A_341, %dma_start3A_342] : memref<4x2x2x64x64xf32, #tpu.memory_space<vmem>> -> memref<1x1x1x64x64xf32, #tpu.memory_space<vmem>>
      %dma_start3A_344 = tpu.memref_squeeze %dma_start3A_343 : memref<1x1x1x64x64xf32, #tpu.memory_space<vmem>> -> memref<64x64xf32, #tpu.memory_space<vmem>>
      tpu.enqueue_dma source(%dma_start3A_344 : memref<64x64xf32, #tpu.memory_space<vmem>>) target(%dma_start3A_340 : memref<64x64xf32, #tpu.memory_space<hbm>>) target_semaphore(%arg12 : memref<!tpu.dma_semaphore, #tpu.memory_space<semaphore_mem>>)
      %dma_start3A_345 = arith.constant 0 : i32
      %dma_start3A_346 = arith.constant 0 : i32
      %dma_start3A_347 = arith.constant 1 : i32
      %dma_start3A_348 = arith.constant 0 : i32
      %dma_start3A_349 = arith.constant 0 : i32
      %dma_start3A_350 = arith.constant 0 : i32
      %dma_start3A_351 = tpu.memref_slice %arg9[%dma_start3A_345, %dma_start3A_346, %dma_start3A_347, %dma_start3A_349, %dma_start3A_350] : memref<4x2x2x64x64xf32, #tpu.memory_space<vmem>> -> memref<1x1x1x64x64xf32, #tpu.memory_space<vmem>>
      %dma_start3A_352 = tpu.memref_squeeze %dma_start3A_351 : memref<1x1x1x64x64xf32, #tpu.memory_space<vmem>> -> memref<64x64xf32, #tpu.memory_space<vmem>>
      %dma_start3A_353 = arith.constant 0 : i32
      %dma_start3A_354 = arith.constant 64 : i32
      %dma_start3A_355 = tpu.memref_slice %arg5[%add3A_265, %dma_start3A_348, %dma_start3A_353, %select_n3A_280, %dma_start3A_354] : memref<256x2x64x8x128xf32, #tpu.memory_space<hbm>> -> memref<1x1x64x1x64xf32, #tpu.memory_space<hbm>>
      %dma_start3A_356 = tpu.memref_squeeze %dma_start3A_355 : memref<1x1x64x1x64xf32, #tpu.memory_space<hbm>> -> memref<64x64xf32, #tpu.memory_space<hbm>>
      %dma_start3A_357 = arith.constant 0 : i32
      %dma_start3A_358 = arith.constant 64 : i32
      %dma_start3A_359 = tpu.memref_slice %arg5[%add3A_265, %dma_start3A_348, %dma_start3A_357, %select_n3A_280, %dma_start3A_358] : memref<256x2x64x8x128xf32, #tpu.memory_space<hbm>> -> memref<1x1x64x1x64xf32, #tpu.memory_space<hbm>>
      %dma_start3A_360 = tpu.memref_squeeze %dma_start3A_359 : memref<1x1x64x1x64xf32, #tpu.memory_space<hbm>> -> memref<64x64xf32, #tpu.memory_space<hbm>>
      %dma_start3A_361 = arith.constant 0 : i32
      %dma_start3A_362 = arith.constant 0 : i32
      %dma_start3A_363 = tpu.memref_slice %arg9[%dma_start3A_345, %dma_start3A_346, %dma_start3A_347, %dma_start3A_361, %dma_start3A_362] : memref<4x2x2x64x64xf32, #tpu.memory_space<vmem>> -> memref<1x1x1x64x64xf32, #tpu.memory_space<vmem>>
      %dma_start3A_364 = tpu.memref_squeeze %dma_start3A_363 : memref<1x1x1x64x64xf32, #tpu.memory_space<vmem>> -> memref<64x64xf32, #tpu.memory_space<vmem>>
      tpu.enqueue_dma source(%dma_start3A_364 : memref<64x64xf32, #tpu.memory_space<vmem>>) target(%dma_start3A_360 : memref<64x64xf32, #tpu.memory_space<hbm>>) target_semaphore(%arg12 : memref<!tpu.dma_semaphore, #tpu.memory_space<semaphore_mem>>)
      %dma_start3A_365 = arith.constant 0 : i32
      %dma_start3A_366 = arith.constant 1 : i32
      %dma_start3A_367 = arith.constant 0 : i32
      %dma_start3A_368 = arith.constant 1 : i32
      %dma_start3A_369 = arith.constant 0 : i32
      %dma_start3A_370 = arith.constant 0 : i32
      %dma_start3A_371 = tpu.memref_slice %arg9[%dma_start3A_365, %dma_start3A_366, %dma_start3A_367, %dma_start3A_369, %dma_start3A_370] : memref<4x2x2x64x64xf32, #tpu.memory_space<vmem>> -> memref<1x1x1x64x64xf32, #tpu.memory_space<vmem>>
      %dma_start3A_372 = tpu.memref_squeeze %dma_start3A_371 : memref<1x1x1x64x64xf32, #tpu.memory_space<vmem>> -> memref<64x64xf32, #tpu.memory_space<vmem>>
      %dma_start3A_373 = arith.constant 0 : i32
      %dma_start3A_374 = arith.constant 0 : i32
      %dma_start3A_375 = tpu.memref_slice %arg5[%add3A_265, %dma_start3A_368, %dma_start3A_373, %select_n3A_280, %dma_start3A_374] : memref<256x2x64x8x128xf32, #tpu.memory_space<hbm>> -> memref<1x1x64x1x64xf32, #tpu.memory_space<hbm>>
      %dma_start3A_376 = tpu.memref_squeeze %dma_start3A_375 : memref<1x1x64x1x64xf32, #tpu.memory_space<hbm>> -> memref<64x64xf32, #tpu.memory_space<hbm>>
      %dma_start3A_377 = arith.constant 0 : i32
      %dma_start3A_378 = arith.constant 0 : i32
      %dma_start3A_379 = tpu.memref_slice %arg5[%add3A_265, %dma_start3A_368, %dma_start3A_377, %select_n3A_280, %dma_start3A_378] : memref<256x2x64x8x128xf32, #tpu.memory_space<hbm>> -> memref<1x1x64x1x64xf32, #tpu.memory_space<hbm>>
      %dma_start3A_380 = tpu.memref_squeeze %dma_start3A_379 : memref<1x1x64x1x64xf32, #tpu.memory_space<hbm>> -> memref<64x64xf32, #tpu.memory_space<hbm>>
      %dma_start3A_381 = arith.constant 0 : i32
      %dma_start3A_382 = arith.constant 0 : i32
      %dma_start3A_383 = tpu.memref_slice %arg9[%dma_start3A_365, %dma_start3A_366, %dma_start3A_367, %dma_start3A_381, %dma_start3A_382] : memref<4x2x2x64x64xf32, #tpu.memory_space<vmem>> -> memref<1x1x1x64x64xf32, #tpu.memory_space<vmem>>
      %dma_start3A_384 = tpu.memref_squeeze %dma_start3A_383 : memref<1x1x1x64x64xf32, #tpu.memory_space<vmem>> -> memref<64x64xf32, #tpu.memory_space<vmem>>
      tpu.enqueue_dma source(%dma_start3A_384 : memref<64x64xf32, #tpu.memory_space<vmem>>) target(%dma_start3A_380 : memref<64x64xf32, #tpu.memory_space<hbm>>) target_semaphore(%arg12 : memref<!tpu.dma_semaphore, #tpu.memory_space<semaphore_mem>>)
      %dma_start3A_385 = arith.constant 0 : i32
      %dma_start3A_386 = arith.constant 1 : i32
      %dma_start3A_387 = arith.constant 1 : i32
      %dma_start3A_388 = arith.constant 1 : i32
      %dma_start3A_389 = arith.constant 0 : i32
      %dma_start3A_390 = arith.constant 0 : i32
      %dma_start3A_391 = tpu.memref_slice %arg9[%dma_start3A_385, %dma_start3A_386, %dma_start3A_387, %dma_start3A_389, %dma_start3A_390] : memref<4x2x2x64x64xf32, #tpu.memory_space<vmem>> -> memref<1x1x1x64x64xf32, #tpu.memory_space<vmem>>
      %dma_start3A_392 = tpu.memref_squeeze %dma_start3A_391 : memref<1x1x1x64x64xf32, #tpu.memory_space<vmem>> -> memref<64x64xf32, #tpu.memory_space<vmem>>
      %dma_start3A_393 = arith.constant 0 : i32
      %dma_start3A_394 = arith.constant 64 : i32
      %dma_start3A_395 = tpu.memref_slice %arg5[%add3A_265, %dma_start3A_388, %dma_start3A_393, %select_n3A_280, %dma_start3A_394] : memref<256x2x64x8x128xf32, #tpu.memory_space<hbm>> -> memref<1x1x64x1x64xf32, #tpu.memory_space<hbm>>
      %dma_start3A_396 = tpu.memref_squeeze %dma_start3A_395 : memref<1x1x64x1x64xf32, #tpu.memory_space<hbm>> -> memref<64x64xf32, #tpu.memory_space<hbm>>
      %dma_start3A_397 = arith.constant 0 : i32
      %dma_start3A_398 = arith.constant 64 : i32
      %dma_start3A_399 = tpu.memref_slice %arg5[%add3A_265, %dma_start3A_388, %dma_start3A_397, %select_n3A_280, %dma_start3A_398] : memref<256x2x64x8x128xf32, #tpu.memory_space<hbm>> -> memref<1x1x64x1x64xf32, #tpu.memory_space<hbm>>
      %dma_start3A_400 = tpu.memref_squeeze %dma_start3A_399 : memref<1x1x64x1x64xf32, #tpu.memory_space<hbm>> -> memref<64x64xf32, #tpu.memory_space<hbm>>
      %dma_start3A_401 = arith.constant 0 : i32
      %dma_start3A_402 = arith.constant 0 : i32
      %dma_start3A_403 = tpu.memref_slice %arg9[%dma_start3A_385, %dma_start3A_386, %dma_start3A_387, %dma_start3A_401, %dma_start3A_402] : memref<4x2x2x64x64xf32, #tpu.memory_space<vmem>> -> memref<1x1x1x64x64xf32, #tpu.memory_space<vmem>>
      %dma_start3A_404 = tpu.memref_squeeze %dma_start3A_403 : memref<1x1x1x64x64xf32, #tpu.memory_space<vmem>> -> memref<64x64xf32, #tpu.memory_space<vmem>>
      tpu.enqueue_dma source(%dma_start3A_404 : memref<64x64xf32, #tpu.memory_space<vmem>>) target(%dma_start3A_400 : memref<64x64xf32, #tpu.memory_space<hbm>>) target_semaphore(%arg12 : memref<!tpu.dma_semaphore, #tpu.memory_space<semaphore_mem>>)
      %ge3A = arith.constant 2 : i32
      %ge3A_405 = arith.cmpi sge, %add3A_245, %ge3A : i32
      %convert_element_type3A_406 = arith.extui %ge3A_405 : i1 to i32
      %cond3A_407 = arith.constant 0 : i32
      %cond3A_408 = arith.cmpi ne, %convert_element_type3A_406, %cond3A_407 : i32
      scf.if %cond3A_408 {
        %dma_wait3A_959 = arith.constant 0 : i32
        %dma_wait3A_960 = arith.constant 0 : i32
        %dma_wait3A_961 = arith.constant 0 : i32
        %dma_wait3A_962 = arith.constant 0 : i32
        %dma_wait3A_963 = arith.constant 0 : i32
        %dma_wait3A_964 = tpu.memref_slice %arg9[%dma_wait3A_959, %dma_wait3A_960, %dma_wait3A_961, %dma_wait3A_962, %dma_wait3A_963] : memref<4x2x2x64x64xf32, #tpu.memory_space<vmem>> -> memref<1x1x2x64x64xf32, #tpu.memory_space<vmem>>
        %dma_wait3A_965 = tpu.memref_squeeze %dma_wait3A_964 : memref<1x1x2x64x64xf32, #tpu.memory_space<vmem>> -> memref<2x64x64xf32, #tpu.memory_space<vmem>>
        %dma_wait3A_966 = arith.constant 0 : i32
        %dma_wait3A_967 = arith.constant 0 : i32
        %dma_wait3A_968 = arith.constant 0 : i32
        %dma_wait3A_969 = tpu.memref_slice %arg5[%add3A_265, %dma_wait3A_966, %dma_wait3A_967, %select_n3A_280, %dma_wait3A_968] : memref<256x2x64x8x128xf32, #tpu.memory_space<hbm>> -> memref<1x2x64x1x64xf32, #tpu.memory_space<hbm>>
        %dma_wait3A_970 = tpu.memref_squeeze %dma_wait3A_969 : memref<1x2x64x1x64xf32, #tpu.memory_space<hbm>> -> memref<2x64x64xf32, #tpu.memory_space<hbm>>
        %dma_wait3A_971 = arith.constant 0 : i32
        %dma_wait3A_972 = arith.constant 0 : i32
        %dma_wait3A_973 = arith.constant 0 : i32
        %dma_wait3A_974 = tpu.memref_slice %arg9[%dma_wait3A_959, %dma_wait3A_960, %dma_wait3A_971, %dma_wait3A_972, %dma_wait3A_973] : memref<4x2x2x64x64xf32, #tpu.memory_space<vmem>> -> memref<1x1x2x64x64xf32, #tpu.memory_space<vmem>>
        %dma_wait3A_975 = tpu.memref_squeeze %dma_wait3A_974 : memref<1x1x2x64x64xf32, #tpu.memory_space<vmem>> -> memref<2x64x64xf32, #tpu.memory_space<vmem>>
        %dma_wait3A_976 = arith.constant 0 : i32
        %dma_wait3A_977 = arith.constant 0 : i32
        %dma_wait3A_978 = arith.constant 0 : i32
        %dma_wait3A_979 = tpu.memref_slice %arg5[%add3A_265, %dma_wait3A_976, %dma_wait3A_977, %select_n3A_280, %dma_wait3A_978] : memref<256x2x64x8x128xf32, #tpu.memory_space<hbm>> -> memref<1x2x64x1x64xf32, #tpu.memory_space<hbm>>
        %dma_wait3A_980 = tpu.memref_squeeze %dma_wait3A_979 : memref<1x2x64x1x64xf32, #tpu.memory_space<hbm>> -> memref<2x64x64xf32, #tpu.memory_space<hbm>>
        tpu.wait_dma2 semaphore(%arg12 : memref<!tpu.dma_semaphore, #tpu.memory_space<semaphore_mem>>) src(%dma_wait3A_980 : memref<2x64x64xf32, #tpu.memory_space<hbm>>) dst(%dma_wait3A_975 : memref<2x64x64xf32, #tpu.memory_space<vmem>>)
        %dma_wait3A_981 = arith.constant 0 : i32
        %dma_wait3A_982 = arith.constant 1 : i32
        %dma_wait3A_983 = arith.constant 0 : i32
        %dma_wait3A_984 = arith.constant 0 : i32
        %dma_wait3A_985 = arith.constant 0 : i32
        %dma_wait3A_986 = tpu.memref_slice %arg9[%dma_wait3A_981, %dma_wait3A_982, %dma_wait3A_983, %dma_wait3A_984, %dma_wait3A_985] : memref<4x2x2x64x64xf32, #tpu.memory_space<vmem>> -> memref<1x1x2x64x64xf32, #tpu.memory_space<vmem>>
        %dma_wait3A_987 = tpu.memref_squeeze %dma_wait3A_986 : memref<1x1x2x64x64xf32, #tpu.memory_space<vmem>> -> memref<2x64x64xf32, #tpu.memory_space<vmem>>
        %dma_wait3A_988 = arith.constant 0 : i32
        %dma_wait3A_989 = arith.constant 0 : i32
        %dma_wait3A_990 = arith.constant 0 : i32
        %dma_wait3A_991 = tpu.memref_slice %arg5[%add3A_265, %dma_wait3A_988, %dma_wait3A_989, %select_n3A_280, %dma_wait3A_990] : memref<256x2x64x8x128xf32, #tpu.memory_space<hbm>> -> memref<1x2x64x1x64xf32, #tpu.memory_space<hbm>>
        %dma_wait3A_992 = tpu.memref_squeeze %dma_wait3A_991 : memref<1x2x64x1x64xf32, #tpu.memory_space<hbm>> -> memref<2x64x64xf32, #tpu.memory_space<hbm>>
        %dma_wait3A_993 = arith.constant 0 : i32
        %dma_wait3A_994 = arith.constant 0 : i32
        %dma_wait3A_995 = arith.constant 0 : i32
        %dma_wait3A_996 = tpu.memref_slice %arg9[%dma_wait3A_981, %dma_wait3A_982, %dma_wait3A_993, %dma_wait3A_994, %dma_wait3A_995] : memref<4x2x2x64x64xf32, #tpu.memory_space<vmem>> -> memref<1x1x2x64x64xf32, #tpu.memory_space<vmem>>
        %dma_wait3A_997 = tpu.memref_squeeze %dma_wait3A_996 : memref<1x1x2x64x64xf32, #tpu.memory_space<vmem>> -> memref<2x64x64xf32, #tpu.memory_space<vmem>>
        %dma_wait3A_998 = arith.constant 0 : i32
        %dma_wait3A_999 = arith.constant 0 : i32
        %dma_wait3A_1000 = arith.constant 0 : i32
        %dma_wait3A_1001 = tpu.memref_slice %arg5[%add3A_265, %dma_wait3A_998, %dma_wait3A_999, %select_n3A_280, %dma_wait3A_1000] : memref<256x2x64x8x128xf32, #tpu.memory_space<hbm>> -> memref<1x2x64x1x64xf32, #tpu.memory_space<hbm>>
        %dma_wait3A_1002 = tpu.memref_squeeze %dma_wait3A_1001 : memref<1x2x64x1x64xf32, #tpu.memory_space<hbm>> -> memref<2x64x64xf32, #tpu.memory_space<hbm>>
        tpu.wait_dma2 semaphore(%arg12 : memref<!tpu.dma_semaphore, #tpu.memory_space<semaphore_mem>>) src(%dma_wait3A_1002 : memref<2x64x64xf32, #tpu.memory_space<hbm>>) dst(%dma_wait3A_997 : memref<2x64x64xf32, #tpu.memory_space<vmem>>)
      } else {
      }
      %add3A_409 = arith.constant 2 : i32
      %add3A_410 = arith.addi %add3A_245, %add3A_409 : i32
      %lt3A_411 = arith.constant 64 : i32
      %lt3A_412 = arith.cmpi slt, %add3A_410, %lt3A_411 : i32
      %convert_element_type3A_413 = arith.extui %lt3A_412 : i1 to i32
      %cond3A_414 = arith.constant 0 : i32
      %cond3A_415 = arith.cmpi ne, %convert_element_type3A_413, %cond3A_414 : i32
      scf.if %cond3A_415 {
        %add3A_959 = arith.constant 2 : i32
        %add3A_960 = arith.addi %add3A_245, %add3A_959 : i32
        %dma_start3A_961 = arith.constant 0 : i32
        %dma_start3A_962 = arith.constant 2 : i32
        %dma_start3A_963 = arith.constant 0 : i32
        %dma_start3A_964 = arith.constant 0 : i32
        %dma_start3A_965 = arith.constant 0 : i32
        %dma_start3A_966 = arith.constant 0 : i32
        %dma_start3A_967 = tpu.memref_slice %arg9[%dma_start3A_962, %dma_start3A_963, %dma_start3A_964, %dma_start3A_965, %dma_start3A_966] : memref<4x2x2x64x64xf32, #tpu.memory_space<vmem>> -> memref<1x1x1x64x64xf32, #tpu.memory_space<vmem>>
        %dma_start3A_968 = tpu.memref_squeeze %dma_start3A_967 : memref<1x1x1x64x64xf32, #tpu.memory_space<vmem>> -> memref<64x64xf32, #tpu.memory_space<vmem>>
        %dma_start3A_969 = arith.constant 0 : i32
        %dma_start3A_970 = tpu.memref_slice %arg7[%add3A_960, %dma_start3A_961, %dma_start3A_969] : memref<64x2x64xi32, #tpu.memory_space<vmem>> -> memref<1x1x64xi32, #tpu.memory_space<vmem>>
        %dma_start3A_971 = tpu.memref_squeeze %dma_start3A_970 : memref<1x1x64xi32, #tpu.memory_space<vmem>> -> memref<64xi32, #tpu.memory_space<vmem>>
        %dma_start3A_972 = arith.constant 0 : i32
        %dma_start3A_973 = arith.constant 0 : i32
        %dma_start3A_974 = tpu.memref_slice %arg3[%dma_start3A_972, %dma_start3A_973] : memref<32768x64xf32, #tpu.memory_space<hbm>> -> memref<32768x64xf32, #tpu.memory_space<hbm>>
        tpu.enqueue_indirect_dma source(%dma_start3A_974 : memref<32768x64xf32, #tpu.memory_space<hbm>>) target(%dma_start3A_968 : memref<64x64xf32, #tpu.memory_space<vmem>>) offsets(%dma_start3A_971 : memref<64xi32, #tpu.memory_space<vmem>>) semaphore(%arg11 : memref<!tpu.dma_semaphore, #tpu.memory_space<semaphore_mem>>)
        %dma_start3A_975 = arith.constant 1 : i32
        %dma_start3A_976 = arith.constant 2 : i32
        %dma_start3A_977 = arith.constant 0 : i32
        %dma_start3A_978 = arith.constant 1 : i32
        %dma_start3A_979 = arith.constant 0 : i32
        %dma_start3A_980 = arith.constant 0 : i32
        %dma_start3A_981 = tpu.memref_slice %arg9[%dma_start3A_976, %dma_start3A_977, %dma_start3A_978, %dma_start3A_979, %dma_start3A_980] : memref<4x2x2x64x64xf32, #tpu.memory_space<vmem>> -> memref<1x1x1x64x64xf32, #tpu.memory_space<vmem>>
        %dma_start3A_982 = tpu.memref_squeeze %dma_start3A_981 : memref<1x1x1x64x64xf32, #tpu.memory_space<vmem>> -> memref<64x64xf32, #tpu.memory_space<vmem>>
        %dma_start3A_983 = arith.constant 0 : i32
        %dma_start3A_984 = tpu.memref_slice %arg7[%add3A_960, %dma_start3A_975, %dma_start3A_983] : memref<64x2x64xi32, #tpu.memory_space<vmem>> -> memref<1x1x64xi32, #tpu.memory_space<vmem>>
        %dma_start3A_985 = tpu.memref_squeeze %dma_start3A_984 : memref<1x1x64xi32, #tpu.memory_space<vmem>> -> memref<64xi32, #tpu.memory_space<vmem>>
        %dma_start3A_986 = arith.constant 0 : i32
        %dma_start3A_987 = arith.constant 0 : i32
        %dma_start3A_988 = tpu.memref_slice %arg3[%dma_start3A_986, %dma_start3A_987] : memref<32768x64xf32, #tpu.memory_space<hbm>> -> memref<32768x64xf32, #tpu.memory_space<hbm>>
        tpu.enqueue_indirect_dma source(%dma_start3A_988 : memref<32768x64xf32, #tpu.memory_space<hbm>>) target(%dma_start3A_982 : memref<64x64xf32, #tpu.memory_space<vmem>>) offsets(%dma_start3A_985 : memref<64xi32, #tpu.memory_space<vmem>>) semaphore(%arg11 : memref<!tpu.dma_semaphore, #tpu.memory_space<semaphore_mem>>)
        %dma_start3A_989 = arith.constant 0 : i32
        %dma_start3A_990 = arith.constant 2 : i32
        %dma_start3A_991 = arith.constant 1 : i32
        %dma_start3A_992 = arith.constant 0 : i32
        %dma_start3A_993 = arith.constant 0 : i32
        %dma_start3A_994 = arith.constant 0 : i32
        %dma_start3A_995 = tpu.memref_slice %arg9[%dma_start3A_990, %dma_start3A_991, %dma_start3A_992, %dma_start3A_993, %dma_start3A_994] : memref<4x2x2x64x64xf32, #tpu.memory_space<vmem>> -> memref<1x1x1x64x64xf32, #tpu.memory_space<vmem>>
        %dma_start3A_996 = tpu.memref_squeeze %dma_start3A_995 : memref<1x1x1x64x64xf32, #tpu.memory_space<vmem>> -> memref<64x64xf32, #tpu.memory_space<vmem>>
        %dma_start3A_997 = arith.constant 0 : i32
        %dma_start3A_998 = tpu.memref_slice %arg8[%add3A_960, %dma_start3A_989, %dma_start3A_997] : memref<64x2x64xi32, #tpu.memory_space<vmem>> -> memref<1x1x64xi32, #tpu.memory_space<vmem>>
        %dma_start3A_999 = tpu.memref_squeeze %dma_start3A_998 : memref<1x1x64xi32, #tpu.memory_space<vmem>> -> memref<64xi32, #tpu.memory_space<vmem>>
        %dma_start3A_1000 = arith.constant 0 : i32
        %dma_start3A_1001 = arith.constant 0 : i32
        %dma_start3A_1002 = tpu.memref_slice %arg4[%dma_start3A_1000, %dma_start3A_1001] : memref<524288x64xf32, #tpu.memory_space<hbm>> -> memref<524288x64xf32, #tpu.memory_space<hbm>>
        tpu.enqueue_indirect_dma source(%dma_start3A_1002 : memref<524288x64xf32, #tpu.memory_space<hbm>>) target(%dma_start3A_996 : memref<64x64xf32, #tpu.memory_space<vmem>>) offsets(%dma_start3A_999 : memref<64xi32, #tpu.memory_space<vmem>>) semaphore(%arg11 : memref<!tpu.dma_semaphore, #tpu.memory_space<semaphore_mem>>)
        %dma_start3A_1003 = arith.constant 1 : i32
        %dma_start3A_1004 = arith.constant 2 : i32
        %dma_start3A_1005 = arith.constant 1 : i32
        %dma_start3A_1006 = arith.constant 1 : i32
        %dma_start3A_1007 = arith.constant 0 : i32
        %dma_start3A_1008 = arith.constant 0 : i32
        %dma_start3A_1009 = tpu.memref_slice %arg9[%dma_start3A_1004, %dma_start3A_1005, %dma_start3A_1006, %dma_start3A_1007, %dma_start3A_1008] : memref<4x2x2x64x64xf32, #tpu.memory_space<vmem>> -> memref<1x1x1x64x64xf32, #tpu.memory_space<vmem>>
        %dma_start3A_1010 = tpu.memref_squeeze %dma_start3A_1009 : memref<1x1x1x64x64xf32, #tpu.memory_space<vmem>> -> memref<64x64xf32, #tpu.memory_space<vmem>>
        %dma_start3A_1011 = arith.constant 0 : i32
        %dma_start3A_1012 = tpu.memref_slice %arg8[%add3A_960, %dma_start3A_1003, %dma_start3A_1011] : memref<64x2x64xi32, #tpu.memory_space<vmem>> -> memref<1x1x64xi32, #tpu.memory_space<vmem>>
        %dma_start3A_1013 = tpu.memref_squeeze %dma_start3A_1012 : memref<1x1x64xi32, #tpu.memory_space<vmem>> -> memref<64xi32, #tpu.memory_space<vmem>>
        %dma_start3A_1014 = arith.constant 0 : i32
        %dma_start3A_1015 = arith.constant 0 : i32
        %dma_start3A_1016 = tpu.memref_slice %arg4[%dma_start3A_1014, %dma_start3A_1015] : memref<524288x64xf32, #tpu.memory_space<hbm>> -> memref<524288x64xf32, #tpu.memory_space<hbm>>
        tpu.enqueue_indirect_dma source(%dma_start3A_1016 : memref<524288x64xf32, #tpu.memory_space<hbm>>) target(%dma_start3A_1010 : memref<64x64xf32, #tpu.memory_space<vmem>>) offsets(%dma_start3A_1013 : memref<64xi32, #tpu.memory_space<vmem>>) semaphore(%arg11 : memref<!tpu.dma_semaphore, #tpu.memory_space<semaphore_mem>>)
      } else {
      }
      %add3A_416 = arith.constant 1 : i32
      %add3A_417 = arith.addi %add3A_243, %add3A_416 : i32
      %mul3A_418 = arith.constant 8 : i32
      %mul3A_419 = arith.muli %add3A, %mul3A_418 : i32
      %jit3A_420 = arith.constant 8 : i32
      %div3A_421 = arith.divsi %add3A_417, %jit3A_420 : i32
      %sign3A_422 = arith.constant 0 : i32
      %sign3A_423 = arith.cmpi sgt, %add3A_417, %sign3A_422 : i32
      %sign3A_424 = arith.extui %sign3A_423 : i1 to i32
      %sign3A_425 = arith.constant 0 : i32
      %sign3A_426 = arith.cmpi slt, %add3A_417, %sign3A_425 : i32
      %sign3A_427 = arith.extui %sign3A_426 : i1 to i32
      %sign3A_428 = arith.subi %sign3A_424, %sign3A_427 : i32
      %sign3A_429 = arith.constant 0 : i32
      %sign3A_430 = arith.cmpi sgt, %jit3A_420, %sign3A_429 : i32
      %sign3A_431 = arith.extui %sign3A_430 : i1 to i32
      %sign3A_432 = arith.constant 0 : i32
      %sign3A_433 = arith.cmpi slt, %jit3A_420, %sign3A_432 : i32
      %sign3A_434 = arith.extui %sign3A_433 : i1 to i32
      %sign3A_435 = arith.subi %sign3A_431, %sign3A_434 : i32
      %ne3A_436 = arith.cmpi ne, %sign3A_428, %sign3A_435 : i32
      %rem3A_437 = arith.remsi %add3A_417, %jit3A_420 : i32
      %ne3A_438 = arith.constant 0 : i32
      %ne3A_439 = arith.cmpi ne, %rem3A_437, %ne3A_438 : i32
      %and3A_440 = arith.andi %ne3A_436, %ne3A_439 : i1
      %sub3A_441 = arith.constant 1 : i32
      %sub3A_442 = arith.subi %div3A_421, %sub3A_441 : i32
      %select_n3A_443 = arith.select %and3A_440, %sub3A_442, %div3A_421 : i32
      %add3A_444 = arith.addi %mul3A_419, %select_n3A_443 : i32
      %jit3A_445 = arith.constant 8 : i32
      %eq3A_446 = arith.constant 0 : i32
      %eq3A_447 = arith.cmpi eq, %jit3A_445, %eq3A_446 : i32
      %jit3A_448 = arith.constant 1 : i32
      %select_n3A_449 = arith.select %eq3A_447, %jit3A_448, %jit3A_445 : i32
      %rem3A_450 = arith.remsi %add3A_417, %select_n3A_449 : i32
      %ne3A_451 = arith.constant 0 : i32
      %ne3A_452 = arith.cmpi ne, %rem3A_450, %ne3A_451 : i32
      %lt3A_453 = arith.constant 0 : i32
      %lt3A_454 = arith.cmpi slt, %rem3A_450, %lt3A_453 : i32
      %lt3A_455 = arith.constant 0 : i32
      %lt3A_456 = arith.cmpi slt, %select_n3A_449, %lt3A_455 : i32
      %ne3A_457 = arith.xori %lt3A_454, %lt3A_456 : i1
      %and3A_458 = arith.andi %ne3A_457, %ne3A_452 : i1
      %add3A_459 = arith.addi %rem3A_450, %select_n3A_449 : i32
      %select_n3A_460 = arith.select %and3A_458, %add3A_459, %rem3A_450 : i32
      %dma_wait3A_461 = arith.constant 1 : i32
      %dma_wait3A_462 = arith.constant 0 : i32
      %dma_wait3A_463 = arith.constant 0 : i32
      %dma_wait3A_464 = arith.constant 0 : i32
      %dma_wait3A_465 = arith.constant 0 : i32
      %dma_wait3A_466 = tpu.memref_slice %arg9[%dma_wait3A_461, %dma_wait3A_462, %dma_wait3A_463, %dma_wait3A_464, %dma_wait3A_465] : memref<4x2x2x64x64xf32, #tpu.memory_space<vmem>> -> memref<1x1x2x64x64xf32, #tpu.memory_space<vmem>>
      %dma_wait3A_467 = tpu.memref_squeeze %dma_wait3A_466 : memref<1x1x2x64x64xf32, #tpu.memory_space<vmem>> -> memref<2x64x64xf32, #tpu.memory_space<vmem>>
      %dma_wait3A_468 = arith.constant 0 : i32
      %dma_wait3A_469 = arith.constant 0 : i32
      %dma_wait3A_470 = arith.constant 0 : i32
      %dma_wait3A_471 = tpu.memref_slice %arg5[%add3A_444, %dma_wait3A_468, %dma_wait3A_469, %select_n3A_460, %dma_wait3A_470] : memref<256x2x64x8x128xf32, #tpu.memory_space<hbm>> -> memref<1x2x64x1x64xf32, #tpu.memory_space<hbm>>
      %dma_wait3A_472 = tpu.memref_squeeze %dma_wait3A_471 : memref<1x2x64x1x64xf32, #tpu.memory_space<hbm>> -> memref<2x64x64xf32, #tpu.memory_space<hbm>>
      %dma_wait3A_473 = arith.constant 0 : i32
      %dma_wait3A_474 = arith.constant 0 : i32
      %dma_wait3A_475 = arith.constant 0 : i32
      %dma_wait3A_476 = tpu.memref_slice %arg9[%dma_wait3A_461, %dma_wait3A_462, %dma_wait3A_473, %dma_wait3A_474, %dma_wait3A_475] : memref<4x2x2x64x64xf32, #tpu.memory_space<vmem>> -> memref<1x1x2x64x64xf32, #tpu.memory_space<vmem>>
      %dma_wait3A_477 = tpu.memref_squeeze %dma_wait3A_476 : memref<1x1x2x64x64xf32, #tpu.memory_space<vmem>> -> memref<2x64x64xf32, #tpu.memory_space<vmem>>
      %dma_wait3A_478 = arith.constant 0 : i32
      %dma_wait3A_479 = arith.constant 0 : i32
      %dma_wait3A_480 = arith.constant 0 : i32
      %dma_wait3A_481 = tpu.memref_slice %arg5[%add3A_444, %dma_wait3A_478, %dma_wait3A_479, %select_n3A_460, %dma_wait3A_480] : memref<256x2x64x8x128xf32, #tpu.memory_space<hbm>> -> memref<1x2x64x1x64xf32, #tpu.memory_space<hbm>>
      %dma_wait3A_482 = tpu.memref_squeeze %dma_wait3A_481 : memref<1x2x64x1x64xf32, #tpu.memory_space<hbm>> -> memref<2x64x64xf32, #tpu.memory_space<hbm>>
      tpu.wait_dma2 semaphore(%arg11 : memref<!tpu.dma_semaphore, #tpu.memory_space<semaphore_mem>>) src(%dma_wait3A_482 : memref<2x64x64xf32, #tpu.memory_space<hbm>>) dst(%dma_wait3A_477 : memref<2x64x64xf32, #tpu.memory_space<vmem>>)
      %dma_wait3A_483 = arith.constant 1 : i32
      %dma_wait3A_484 = arith.constant 1 : i32
      %dma_wait3A_485 = arith.constant 0 : i32
      %dma_wait3A_486 = arith.constant 0 : i32
      %dma_wait3A_487 = arith.constant 0 : i32
      %dma_wait3A_488 = tpu.memref_slice %arg9[%dma_wait3A_483, %dma_wait3A_484, %dma_wait3A_485, %dma_wait3A_486, %dma_wait3A_487] : memref<4x2x2x64x64xf32, #tpu.memory_space<vmem>> -> memref<1x1x2x64x64xf32, #tpu.memory_space<vmem>>
      %dma_wait3A_489 = tpu.memref_squeeze %dma_wait3A_488 : memref<1x1x2x64x64xf32, #tpu.memory_space<vmem>> -> memref<2x64x64xf32, #tpu.memory_space<vmem>>
      %dma_wait3A_490 = arith.constant 0 : i32
      %dma_wait3A_491 = arith.constant 0 : i32
      %dma_wait3A_492 = arith.constant 0 : i32
      %dma_wait3A_493 = tpu.memref_slice %arg5[%add3A_444, %dma_wait3A_490, %dma_wait3A_491, %select_n3A_460, %dma_wait3A_492] : memref<256x2x64x8x128xf32, #tpu.memory_space<hbm>> -> memref<1x2x64x1x64xf32, #tpu.memory_space<hbm>>
      %dma_wait3A_494 = tpu.memref_squeeze %dma_wait3A_493 : memref<1x2x64x1x64xf32, #tpu.memory_space<hbm>> -> memref<2x64x64xf32, #tpu.memory_space<hbm>>
      %dma_wait3A_495 = arith.constant 0 : i32
      %dma_wait3A_496 = arith.constant 0 : i32
      %dma_wait3A_497 = arith.constant 0 : i32
      %dma_wait3A_498 = tpu.memref_slice %arg9[%dma_wait3A_483, %dma_wait3A_484, %dma_wait3A_495, %dma_wait3A_496, %dma_wait3A_497] : memref<4x2x2x64x64xf32, #tpu.memory_space<vmem>> -> memref<1x1x2x64x64xf32, #tpu.memory_space<vmem>>
      %dma_wait3A_499 = tpu.memref_squeeze %dma_wait3A_498 : memref<1x1x2x64x64xf32, #tpu.memory_space<vmem>> -> memref<2x64x64xf32, #tpu.memory_space<vmem>>
      %dma_wait3A_500 = arith.constant 0 : i32
      %dma_wait3A_501 = arith.constant 0 : i32
      %dma_wait3A_502 = arith.constant 0 : i32
      %dma_wait3A_503 = tpu.memref_slice %arg5[%add3A_444, %dma_wait3A_500, %dma_wait3A_501, %select_n3A_460, %dma_wait3A_502] : memref<256x2x64x8x128xf32, #tpu.memory_space<hbm>> -> memref<1x2x64x1x64xf32, #tpu.memory_space<hbm>>
      %dma_wait3A_504 = tpu.memref_squeeze %dma_wait3A_503 : memref<1x2x64x1x64xf32, #tpu.memory_space<hbm>> -> memref<2x64x64xf32, #tpu.memory_space<hbm>>
      tpu.wait_dma2 semaphore(%arg11 : memref<!tpu.dma_semaphore, #tpu.memory_space<semaphore_mem>>) src(%dma_wait3A_504 : memref<2x64x64xf32, #tpu.memory_space<hbm>>) dst(%dma_wait3A_499 : memref<2x64x64xf32, #tpu.memory_space<vmem>>)
      %dma_start3A_505 = arith.constant 1 : i32
      %dma_start3A_506 = arith.constant 0 : i32
      %dma_start3A_507 = arith.constant 0 : i32
      %dma_start3A_508 = arith.constant 0 : i32
      %dma_start3A_509 = arith.constant 0 : i32
      %dma_start3A_510 = arith.constant 0 : i32
      %dma_start3A_511 = tpu.memref_slice %arg9[%dma_start3A_505, %dma_start3A_506, %dma_start3A_507, %dma_start3A_509, %dma_start3A_510] : memref<4x2x2x64x64xf32, #tpu.memory_space<vmem>> -> memref<1x1x1x64x64xf32, #tpu.memory_space<vmem>>
      %dma_start3A_512 = tpu.memref_squeeze %dma_start3A_511 : memref<1x1x1x64x64xf32, #tpu.memory_space<vmem>> -> memref<64x64xf32, #tpu.memory_space<vmem>>
      %dma_start3A_513 = arith.constant 0 : i32
      %dma_start3A_514 = arith.constant 0 : i32
      %dma_start3A_515 = tpu.memref_slice %arg5[%add3A_444, %dma_start3A_508, %dma_start3A_513, %select_n3A_460, %dma_start3A_514] : memref<256x2x64x8x128xf32, #tpu.memory_space<hbm>> -> memref<1x1x64x1x64xf32, #tpu.memory_space<hbm>>
      %dma_start3A_516 = tpu.memref_squeeze %dma_start3A_515 : memref<1x1x64x1x64xf32, #tpu.memory_space<hbm>> -> memref<64x64xf32, #tpu.memory_space<hbm>>
      %dma_start3A_517 = arith.constant 0 : i32
      %dma_start3A_518 = arith.constant 0 : i32
      %dma_start3A_519 = tpu.memref_slice %arg5[%add3A_444, %dma_start3A_508, %dma_start3A_517, %select_n3A_460, %dma_start3A_518] : memref<256x2x64x8x128xf32, #tpu.memory_space<hbm>> -> memref<1x1x64x1x64xf32, #tpu.memory_space<hbm>>
      %dma_start3A_520 = tpu.memref_squeeze %dma_start3A_519 : memref<1x1x64x1x64xf32, #tpu.memory_space<hbm>> -> memref<64x64xf32, #tpu.memory_space<hbm>>
      %dma_start3A_521 = arith.constant 0 : i32
      %dma_start3A_522 = arith.constant 0 : i32
      %dma_start3A_523 = tpu.memref_slice %arg9[%dma_start3A_505, %dma_start3A_506, %dma_start3A_507, %dma_start3A_521, %dma_start3A_522] : memref<4x2x2x64x64xf32, #tpu.memory_space<vmem>> -> memref<1x1x1x64x64xf32, #tpu.memory_space<vmem>>
      %dma_start3A_524 = tpu.memref_squeeze %dma_start3A_523 : memref<1x1x1x64x64xf32, #tpu.memory_space<vmem>> -> memref<64x64xf32, #tpu.memory_space<vmem>>
      tpu.enqueue_dma source(%dma_start3A_524 : memref<64x64xf32, #tpu.memory_space<vmem>>) target(%dma_start3A_520 : memref<64x64xf32, #tpu.memory_space<hbm>>) target_semaphore(%arg12 : memref<!tpu.dma_semaphore, #tpu.memory_space<semaphore_mem>>)
      %dma_start3A_525 = arith.constant 1 : i32
      %dma_start3A_526 = arith.constant 0 : i32
      %dma_start3A_527 = arith.constant 1 : i32
      %dma_start3A_528 = arith.constant 0 : i32
      %dma_start3A_529 = arith.constant 0 : i32
      %dma_start3A_530 = arith.constant 0 : i32
      %dma_start3A_531 = tpu.memref_slice %arg9[%dma_start3A_525, %dma_start3A_526, %dma_start3A_527, %dma_start3A_529, %dma_start3A_530] : memref<4x2x2x64x64xf32, #tpu.memory_space<vmem>> -> memref<1x1x1x64x64xf32, #tpu.memory_space<vmem>>
      %dma_start3A_532 = tpu.memref_squeeze %dma_start3A_531 : memref<1x1x1x64x64xf32, #tpu.memory_space<vmem>> -> memref<64x64xf32, #tpu.memory_space<vmem>>
      %dma_start3A_533 = arith.constant 0 : i32
      %dma_start3A_534 = arith.constant 64 : i32
      %dma_start3A_535 = tpu.memref_slice %arg5[%add3A_444, %dma_start3A_528, %dma_start3A_533, %select_n3A_460, %dma_start3A_534] : memref<256x2x64x8x128xf32, #tpu.memory_space<hbm>> -> memref<1x1x64x1x64xf32, #tpu.memory_space<hbm>>
      %dma_start3A_536 = tpu.memref_squeeze %dma_start3A_535 : memref<1x1x64x1x64xf32, #tpu.memory_space<hbm>> -> memref<64x64xf32, #tpu.memory_space<hbm>>
      %dma_start3A_537 = arith.constant 0 : i32
      %dma_start3A_538 = arith.constant 64 : i32
      %dma_start3A_539 = tpu.memref_slice %arg5[%add3A_444, %dma_start3A_528, %dma_start3A_537, %select_n3A_460, %dma_start3A_538] : memref<256x2x64x8x128xf32, #tpu.memory_space<hbm>> -> memref<1x1x64x1x64xf32, #tpu.memory_space<hbm>>
      %dma_start3A_540 = tpu.memref_squeeze %dma_start3A_539 : memref<1x1x64x1x64xf32, #tpu.memory_space<hbm>> -> memref<64x64xf32, #tpu.memory_space<hbm>>
      %dma_start3A_541 = arith.constant 0 : i32
      %dma_start3A_542 = arith.constant 0 : i32
      %dma_start3A_543 = tpu.memref_slice %arg9[%dma_start3A_525, %dma_start3A_526, %dma_start3A_527, %dma_start3A_541, %dma_start3A_542] : memref<4x2x2x64x64xf32, #tpu.memory_space<vmem>> -> memref<1x1x1x64x64xf32, #tpu.memory_space<vmem>>
      %dma_start3A_544 = tpu.memref_squeeze %dma_start3A_543 : memref<1x1x1x64x64xf32, #tpu.memory_space<vmem>> -> memref<64x64xf32, #tpu.memory_space<vmem>>
      tpu.enqueue_dma source(%dma_start3A_544 : memref<64x64xf32, #tpu.memory_space<vmem>>) target(%dma_start3A_540 : memref<64x64xf32, #tpu.memory_space<hbm>>) target_semaphore(%arg12 : memref<!tpu.dma_semaphore, #tpu.memory_space<semaphore_mem>>)
      %dma_start3A_545 = arith.constant 1 : i32
      %dma_start3A_546 = arith.constant 1 : i32
      %dma_start3A_547 = arith.constant 0 : i32
      %dma_start3A_548 = arith.constant 1 : i32
      %dma_start3A_549 = arith.constant 0 : i32
      %dma_start3A_550 = arith.constant 0 : i32
      %dma_start3A_551 = tpu.memref_slice %arg9[%dma_start3A_545, %dma_start3A_546, %dma_start3A_547, %dma_start3A_549, %dma_start3A_550] : memref<4x2x2x64x64xf32, #tpu.memory_space<vmem>> -> memref<1x1x1x64x64xf32, #tpu.memory_space<vmem>>
      %dma_start3A_552 = tpu.memref_squeeze %dma_start3A_551 : memref<1x1x1x64x64xf32, #tpu.memory_space<vmem>> -> memref<64x64xf32, #tpu.memory_space<vmem>>
      %dma_start3A_553 = arith.constant 0 : i32
      %dma_start3A_554 = arith.constant 0 : i32
      %dma_start3A_555 = tpu.memref_slice %arg5[%add3A_444, %dma_start3A_548, %dma_start3A_553, %select_n3A_460, %dma_start3A_554] : memref<256x2x64x8x128xf32, #tpu.memory_space<hbm>> -> memref<1x1x64x1x64xf32, #tpu.memory_space<hbm>>
      %dma_start3A_556 = tpu.memref_squeeze %dma_start3A_555 : memref<1x1x64x1x64xf32, #tpu.memory_space<hbm>> -> memref<64x64xf32, #tpu.memory_space<hbm>>
      %dma_start3A_557 = arith.constant 0 : i32
      %dma_start3A_558 = arith.constant 0 : i32
      %dma_start3A_559 = tpu.memref_slice %arg5[%add3A_444, %dma_start3A_548, %dma_start3A_557, %select_n3A_460, %dma_start3A_558] : memref<256x2x64x8x128xf32, #tpu.memory_space<hbm>> -> memref<1x1x64x1x64xf32, #tpu.memory_space<hbm>>
      %dma_start3A_560 = tpu.memref_squeeze %dma_start3A_559 : memref<1x1x64x1x64xf32, #tpu.memory_space<hbm>> -> memref<64x64xf32, #tpu.memory_space<hbm>>
      %dma_start3A_561 = arith.constant 0 : i32
      %dma_start3A_562 = arith.constant 0 : i32
      %dma_start3A_563 = tpu.memref_slice %arg9[%dma_start3A_545, %dma_start3A_546, %dma_start3A_547, %dma_start3A_561, %dma_start3A_562] : memref<4x2x2x64x64xf32, #tpu.memory_space<vmem>> -> memref<1x1x1x64x64xf32, #tpu.memory_space<vmem>>
      %dma_start3A_564 = tpu.memref_squeeze %dma_start3A_563 : memref<1x1x1x64x64xf32, #tpu.memory_space<vmem>> -> memref<64x64xf32, #tpu.memory_space<vmem>>
      tpu.enqueue_dma source(%dma_start3A_564 : memref<64x64xf32, #tpu.memory_space<vmem>>) target(%dma_start3A_560 : memref<64x64xf32, #tpu.memory_space<hbm>>) target_semaphore(%arg12 : memref<!tpu.dma_semaphore, #tpu.memory_space<semaphore_mem>>)
      %dma_start3A_565 = arith.constant 1 : i32
      %dma_start3A_566 = arith.constant 1 : i32
      %dma_start3A_567 = arith.constant 1 : i32
      %dma_start3A_568 = arith.constant 1 : i32
      %dma_start3A_569 = arith.constant 0 : i32
      %dma_start3A_570 = arith.constant 0 : i32
      %dma_start3A_571 = tpu.memref_slice %arg9[%dma_start3A_565, %dma_start3A_566, %dma_start3A_567, %dma_start3A_569, %dma_start3A_570] : memref<4x2x2x64x64xf32, #tpu.memory_space<vmem>> -> memref<1x1x1x64x64xf32, #tpu.memory_space<vmem>>
      %dma_start3A_572 = tpu.memref_squeeze %dma_start3A_571 : memref<1x1x1x64x64xf32, #tpu.memory_space<vmem>> -> memref<64x64xf32, #tpu.memory_space<vmem>>
      %dma_start3A_573 = arith.constant 0 : i32
      %dma_start3A_574 = arith.constant 64 : i32
      %dma_start3A_575 = tpu.memref_slice %arg5[%add3A_444, %dma_start3A_568, %dma_start3A_573, %select_n3A_460, %dma_start3A_574] : memref<256x2x64x8x128xf32, #tpu.memory_space<hbm>> -> memref<1x1x64x1x64xf32, #tpu.memory_space<hbm>>
      %dma_start3A_576 = tpu.memref_squeeze %dma_start3A_575 : memref<1x1x64x1x64xf32, #tpu.memory_space<hbm>> -> memref<64x64xf32, #tpu.memory_space<hbm>>
      %dma_start3A_577 = arith.constant 0 : i32
      %dma_start3A_578 = arith.constant 64 : i32
      %dma_start3A_579 = tpu.memref_slice %arg5[%add3A_444, %dma_start3A_568, %dma_start3A_577, %select_n3A_460, %dma_start3A_578] : memref<256x2x64x8x128xf32, #tpu.memory_space<hbm>> -> memref<1x1x64x1x64xf32, #tpu.memory_space<hbm>>
      %dma_start3A_580 = tpu.memref_squeeze %dma_start3A_579 : memref<1x1x64x1x64xf32, #tpu.memory_space<hbm>> -> memref<64x64xf32, #tpu.memory_space<hbm>>
      %dma_start3A_581 = arith.constant 0 : i32
      %dma_start3A_582 = arith.constant 0 : i32
      %dma_start3A_583 = tpu.memref_slice %arg9[%dma_start3A_565, %dma_start3A_566, %dma_start3A_567, %dma_start3A_581, %dma_start3A_582] : memref<4x2x2x64x64xf32, #tpu.memory_space<vmem>> -> memref<1x1x1x64x64xf32, #tpu.memory_space<vmem>>
      %dma_start3A_584 = tpu.memref_squeeze %dma_start3A_583 : memref<1x1x1x64x64xf32, #tpu.memory_space<vmem>> -> memref<64x64xf32, #tpu.memory_space<vmem>>
      tpu.enqueue_dma source(%dma_start3A_584 : memref<64x64xf32, #tpu.memory_space<vmem>>) target(%dma_start3A_580 : memref<64x64xf32, #tpu.memory_space<hbm>>) target_semaphore(%arg12 : memref<!tpu.dma_semaphore, #tpu.memory_space<semaphore_mem>>)
      %ge3A_585 = arith.constant 2 : i32
      %ge3A_586 = arith.cmpi sge, %add3A_417, %ge3A_585 : i32
      %convert_element_type3A_587 = arith.extui %ge3A_586 : i1 to i32
      %cond3A_588 = arith.constant 0 : i32
      %cond3A_589 = arith.cmpi ne, %convert_element_type3A_587, %cond3A_588 : i32
      scf.if %cond3A_589 {
        %dma_wait3A_959 = arith.constant 1 : i32
        %dma_wait3A_960 = arith.constant 0 : i32
        %dma_wait3A_961 = arith.constant 0 : i32
        %dma_wait3A_962 = arith.constant 0 : i32
        %dma_wait3A_963 = arith.constant 0 : i32
        %dma_wait3A_964 = tpu.memref_slice %arg9[%dma_wait3A_959, %dma_wait3A_960, %dma_wait3A_961, %dma_wait3A_962, %dma_wait3A_963] : memref<4x2x2x64x64xf32, #tpu.memory_space<vmem>> -> memref<1x1x2x64x64xf32, #tpu.memory_space<vmem>>
        %dma_wait3A_965 = tpu.memref_squeeze %dma_wait3A_964 : memref<1x1x2x64x64xf32, #tpu.memory_space<vmem>> -> memref<2x64x64xf32, #tpu.memory_space<vmem>>
        %dma_wait3A_966 = arith.constant 0 : i32
        %dma_wait3A_967 = arith.constant 0 : i32
        %dma_wait3A_968 = arith.constant 0 : i32
        %dma_wait3A_969 = tpu.memref_slice %arg5[%add3A_444, %dma_wait3A_966, %dma_wait3A_967, %select_n3A_460, %dma_wait3A_968] : memref<256x2x64x8x128xf32, #tpu.memory_space<hbm>> -> memref<1x2x64x1x64xf32, #tpu.memory_space<hbm>>
        %dma_wait3A_970 = tpu.memref_squeeze %dma_wait3A_969 : memref<1x2x64x1x64xf32, #tpu.memory_space<hbm>> -> memref<2x64x64xf32, #tpu.memory_space<hbm>>
        %dma_wait3A_971 = arith.constant 0 : i32
        %dma_wait3A_972 = arith.constant 0 : i32
        %dma_wait3A_973 = arith.constant 0 : i32
        %dma_wait3A_974 = tpu.memref_slice %arg9[%dma_wait3A_959, %dma_wait3A_960, %dma_wait3A_971, %dma_wait3A_972, %dma_wait3A_973] : memref<4x2x2x64x64xf32, #tpu.memory_space<vmem>> -> memref<1x1x2x64x64xf32, #tpu.memory_space<vmem>>
        %dma_wait3A_975 = tpu.memref_squeeze %dma_wait3A_974 : memref<1x1x2x64x64xf32, #tpu.memory_space<vmem>> -> memref<2x64x64xf32, #tpu.memory_space<vmem>>
        %dma_wait3A_976 = arith.constant 0 : i32
        %dma_wait3A_977 = arith.constant 0 : i32
        %dma_wait3A_978 = arith.constant 0 : i32
        %dma_wait3A_979 = tpu.memref_slice %arg5[%add3A_444, %dma_wait3A_976, %dma_wait3A_977, %select_n3A_460, %dma_wait3A_978] : memref<256x2x64x8x128xf32, #tpu.memory_space<hbm>> -> memref<1x2x64x1x64xf32, #tpu.memory_space<hbm>>
        %dma_wait3A_980 = tpu.memref_squeeze %dma_wait3A_979 : memref<1x2x64x1x64xf32, #tpu.memory_space<hbm>> -> memref<2x64x64xf32, #tpu.memory_space<hbm>>
        tpu.wait_dma2 semaphore(%arg12 : memref<!tpu.dma_semaphore, #tpu.memory_space<semaphore_mem>>) src(%dma_wait3A_980 : memref<2x64x64xf32, #tpu.memory_space<hbm>>) dst(%dma_wait3A_975 : memref<2x64x64xf32, #tpu.memory_space<vmem>>)
        %dma_wait3A_981 = arith.constant 1 : i32
        %dma_wait3A_982 = arith.constant 1 : i32
        %dma_wait3A_983 = arith.constant 0 : i32
        %dma_wait3A_984 = arith.constant 0 : i32
        %dma_wait3A_985 = arith.constant 0 : i32
        %dma_wait3A_986 = tpu.memref_slice %arg9[%dma_wait3A_981, %dma_wait3A_982, %dma_wait3A_983, %dma_wait3A_984, %dma_wait3A_985] : memref<4x2x2x64x64xf32, #tpu.memory_space<vmem>> -> memref<1x1x2x64x64xf32, #tpu.memory_space<vmem>>
        %dma_wait3A_987 = tpu.memref_squeeze %dma_wait3A_986 : memref<1x1x2x64x64xf32, #tpu.memory_space<vmem>> -> memref<2x64x64xf32, #tpu.memory_space<vmem>>
        %dma_wait3A_988 = arith.constant 0 : i32
        %dma_wait3A_989 = arith.constant 0 : i32
        %dma_wait3A_990 = arith.constant 0 : i32
        %dma_wait3A_991 = tpu.memref_slice %arg5[%add3A_444, %dma_wait3A_988, %dma_wait3A_989, %select_n3A_460, %dma_wait3A_990] : memref<256x2x64x8x128xf32, #tpu.memory_space<hbm>> -> memref<1x2x64x1x64xf32, #tpu.memory_space<hbm>>
        %dma_wait3A_992 = tpu.memref_squeeze %dma_wait3A_991 : memref<1x2x64x1x64xf32, #tpu.memory_space<hbm>> -> memref<2x64x64xf32, #tpu.memory_space<hbm>>
        %dma_wait3A_993 = arith.constant 0 : i32
        %dma_wait3A_994 = arith.constant 0 : i32
        %dma_wait3A_995 = arith.constant 0 : i32
        %dma_wait3A_996 = tpu.memref_slice %arg9[%dma_wait3A_981, %dma_wait3A_982, %dma_wait3A_993, %dma_wait3A_994, %dma_wait3A_995] : memref<4x2x2x64x64xf32, #tpu.memory_space<vmem>> -> memref<1x1x2x64x64xf32, #tpu.memory_space<vmem>>
        %dma_wait3A_997 = tpu.memref_squeeze %dma_wait3A_996 : memref<1x1x2x64x64xf32, #tpu.memory_space<vmem>> -> memref<2x64x64xf32, #tpu.memory_space<vmem>>
        %dma_wait3A_998 = arith.constant 0 : i32
        %dma_wait3A_999 = arith.constant 0 : i32
        %dma_wait3A_1000 = arith.constant 0 : i32
        %dma_wait3A_1001 = tpu.memref_slice %arg5[%add3A_444, %dma_wait3A_998, %dma_wait3A_999, %select_n3A_460, %dma_wait3A_1000] : memref<256x2x64x8x128xf32, #tpu.memory_space<hbm>> -> memref<1x2x64x1x64xf32, #tpu.memory_space<hbm>>
        %dma_wait3A_1002 = tpu.memref_squeeze %dma_wait3A_1001 : memref<1x2x64x1x64xf32, #tpu.memory_space<hbm>> -> memref<2x64x64xf32, #tpu.memory_space<hbm>>
        tpu.wait_dma2 semaphore(%arg12 : memref<!tpu.dma_semaphore, #tpu.memory_space<semaphore_mem>>) src(%dma_wait3A_1002 : memref<2x64x64xf32, #tpu.memory_space<hbm>>) dst(%dma_wait3A_997 : memref<2x64x64xf32, #tpu.memory_space<vmem>>)
      } else {
      }
      %add3A_590 = arith.constant 2 : i32
      %add3A_591 = arith.addi %add3A_417, %add3A_590 : i32
      %lt3A_592 = arith.constant 64 : i32
      %lt3A_593 = arith.cmpi slt, %add3A_591, %lt3A_592 : i32
      %convert_element_type3A_594 = arith.extui %lt3A_593 : i1 to i32
      %cond3A_595 = arith.constant 0 : i32
      %cond3A_596 = arith.cmpi ne, %convert_element_type3A_594, %cond3A_595 : i32
      scf.if %cond3A_596 {
        %add3A_959 = arith.constant 2 : i32
        %add3A_960 = arith.addi %add3A_417, %add3A_959 : i32
        %dma_start3A_961 = arith.constant 0 : i32
        %dma_start3A_962 = arith.constant 3 : i32
        %dma_start3A_963 = arith.constant 0 : i32
        %dma_start3A_964 = arith.constant 0 : i32
        %dma_start3A_965 = arith.constant 0 : i32
        %dma_start3A_966 = arith.constant 0 : i32
        %dma_start3A_967 = tpu.memref_slice %arg9[%dma_start3A_962, %dma_start3A_963, %dma_start3A_964, %dma_start3A_965, %dma_start3A_966] : memref<4x2x2x64x64xf32, #tpu.memory_space<vmem>> -> memref<1x1x1x64x64xf32, #tpu.memory_space<vmem>>
        %dma_start3A_968 = tpu.memref_squeeze %dma_start3A_967 : memref<1x1x1x64x64xf32, #tpu.memory_space<vmem>> -> memref<64x64xf32, #tpu.memory_space<vmem>>
        %dma_start3A_969 = arith.constant 0 : i32
        %dma_start3A_970 = tpu.memref_slice %arg7[%add3A_960, %dma_start3A_961, %dma_start3A_969] : memref<64x2x64xi32, #tpu.memory_space<vmem>> -> memref<1x1x64xi32, #tpu.memory_space<vmem>>
        %dma_start3A_971 = tpu.memref_squeeze %dma_start3A_970 : memref<1x1x64xi32, #tpu.memory_space<vmem>> -> memref<64xi32, #tpu.memory_space<vmem>>
        %dma_start3A_972 = arith.constant 0 : i32
        %dma_start3A_973 = arith.constant 0 : i32
        %dma_start3A_974 = tpu.memref_slice %arg3[%dma_start3A_972, %dma_start3A_973] : memref<32768x64xf32, #tpu.memory_space<hbm>> -> memref<32768x64xf32, #tpu.memory_space<hbm>>
        tpu.enqueue_indirect_dma source(%dma_start3A_974 : memref<32768x64xf32, #tpu.memory_space<hbm>>) target(%dma_start3A_968 : memref<64x64xf32, #tpu.memory_space<vmem>>) offsets(%dma_start3A_971 : memref<64xi32, #tpu.memory_space<vmem>>) semaphore(%arg11 : memref<!tpu.dma_semaphore, #tpu.memory_space<semaphore_mem>>)
        %dma_start3A_975 = arith.constant 1 : i32
        %dma_start3A_976 = arith.constant 3 : i32
        %dma_start3A_977 = arith.constant 0 : i32
        %dma_start3A_978 = arith.constant 1 : i32
        %dma_start3A_979 = arith.constant 0 : i32
        %dma_start3A_980 = arith.constant 0 : i32
        %dma_start3A_981 = tpu.memref_slice %arg9[%dma_start3A_976, %dma_start3A_977, %dma_start3A_978, %dma_start3A_979, %dma_start3A_980] : memref<4x2x2x64x64xf32, #tpu.memory_space<vmem>> -> memref<1x1x1x64x64xf32, #tpu.memory_space<vmem>>
        %dma_start3A_982 = tpu.memref_squeeze %dma_start3A_981 : memref<1x1x1x64x64xf32, #tpu.memory_space<vmem>> -> memref<64x64xf32, #tpu.memory_space<vmem>>
        %dma_start3A_983 = arith.constant 0 : i32
        %dma_start3A_984 = tpu.memref_slice %arg7[%add3A_960, %dma_start3A_975, %dma_start3A_983] : memref<64x2x64xi32, #tpu.memory_space<vmem>> -> memref<1x1x64xi32, #tpu.memory_space<vmem>>
        %dma_start3A_985 = tpu.memref_squeeze %dma_start3A_984 : memref<1x1x64xi32, #tpu.memory_space<vmem>> -> memref<64xi32, #tpu.memory_space<vmem>>
        %dma_start3A_986 = arith.constant 0 : i32
        %dma_start3A_987 = arith.constant 0 : i32
        %dma_start3A_988 = tpu.memref_slice %arg3[%dma_start3A_986, %dma_start3A_987] : memref<32768x64xf32, #tpu.memory_space<hbm>> -> memref<32768x64xf32, #tpu.memory_space<hbm>>
        tpu.enqueue_indirect_dma source(%dma_start3A_988 : memref<32768x64xf32, #tpu.memory_space<hbm>>) target(%dma_start3A_982 : memref<64x64xf32, #tpu.memory_space<vmem>>) offsets(%dma_start3A_985 : memref<64xi32, #tpu.memory_space<vmem>>) semaphore(%arg11 : memref<!tpu.dma_semaphore, #tpu.memory_space<semaphore_mem>>)
        %dma_start3A_989 = arith.constant 0 : i32
        %dma_start3A_990 = arith.constant 3 : i32
        %dma_start3A_991 = arith.constant 1 : i32
        %dma_start3A_992 = arith.constant 0 : i32
        %dma_start3A_993 = arith.constant 0 : i32
        %dma_start3A_994 = arith.constant 0 : i32
        %dma_start3A_995 = tpu.memref_slice %arg9[%dma_start3A_990, %dma_start3A_991, %dma_start3A_992, %dma_start3A_993, %dma_start3A_994] : memref<4x2x2x64x64xf32, #tpu.memory_space<vmem>> -> memref<1x1x1x64x64xf32, #tpu.memory_space<vmem>>
        %dma_start3A_996 = tpu.memref_squeeze %dma_start3A_995 : memref<1x1x1x64x64xf32, #tpu.memory_space<vmem>> -> memref<64x64xf32, #tpu.memory_space<vmem>>
        %dma_start3A_997 = arith.constant 0 : i32
        %dma_start3A_998 = tpu.memref_slice %arg8[%add3A_960, %dma_start3A_989, %dma_start3A_997] : memref<64x2x64xi32, #tpu.memory_space<vmem>> -> memref<1x1x64xi32, #tpu.memory_space<vmem>>
        %dma_start3A_999 = tpu.memref_squeeze %dma_start3A_998 : memref<1x1x64xi32, #tpu.memory_space<vmem>> -> memref<64xi32, #tpu.memory_space<vmem>>
        %dma_start3A_1000 = arith.constant 0 : i32
        %dma_start3A_1001 = arith.constant 0 : i32
        %dma_start3A_1002 = tpu.memref_slice %arg4[%dma_start3A_1000, %dma_start3A_1001] : memref<524288x64xf32, #tpu.memory_space<hbm>> -> memref<524288x64xf32, #tpu.memory_space<hbm>>
        tpu.enqueue_indirect_dma source(%dma_start3A_1002 : memref<524288x64xf32, #tpu.memory_space<hbm>>) target(%dma_start3A_996 : memref<64x64xf32, #tpu.memory_space<vmem>>) offsets(%dma_start3A_999 : memref<64xi32, #tpu.memory_space<vmem>>) semaphore(%arg11 : memref<!tpu.dma_semaphore, #tpu.memory_space<semaphore_mem>>)
        %dma_start3A_1003 = arith.constant 1 : i32
        %dma_start3A_1004 = arith.constant 3 : i32
        %dma_start3A_1005 = arith.constant 1 : i32
        %dma_start3A_1006 = arith.constant 1 : i32
        %dma_start3A_1007 = arith.constant 0 : i32
        %dma_start3A_1008 = arith.constant 0 : i32
        %dma_start3A_1009 = tpu.memref_slice %arg9[%dma_start3A_1004, %dma_start3A_1005, %dma_start3A_1006, %dma_start3A_1007, %dma_start3A_1008] : memref<4x2x2x64x64xf32, #tpu.memory_space<vmem>> -> memref<1x1x1x64x64xf32, #tpu.memory_space<vmem>>
        %dma_start3A_1010 = tpu.memref_squeeze %dma_start3A_1009 : memref<1x1x1x64x64xf32, #tpu.memory_space<vmem>> -> memref<64x64xf32, #tpu.memory_space<vmem>>
        %dma_start3A_1011 = arith.constant 0 : i32
        %dma_start3A_1012 = tpu.memref_slice %arg8[%add3A_960, %dma_start3A_1003, %dma_start3A_1011] : memref<64x2x64xi32, #tpu.memory_space<vmem>> -> memref<1x1x64xi32, #tpu.memory_space<vmem>>
        %dma_start3A_1013 = tpu.memref_squeeze %dma_start3A_1012 : memref<1x1x64xi32, #tpu.memory_space<vmem>> -> memref<64xi32, #tpu.memory_space<vmem>>
        %dma_start3A_1014 = arith.constant 0 : i32
        %dma_start3A_1015 = arith.constant 0 : i32
        %dma_start3A_1016 = tpu.memref_slice %arg4[%dma_start3A_1014, %dma_start3A_1015] : memref<524288x64xf32, #tpu.memory_space<hbm>> -> memref<524288x64xf32, #tpu.memory_space<hbm>>
        tpu.enqueue_indirect_dma source(%dma_start3A_1016 : memref<524288x64xf32, #tpu.memory_space<hbm>>) target(%dma_start3A_1010 : memref<64x64xf32, #tpu.memory_space<vmem>>) offsets(%dma_start3A_1013 : memref<64xi32, #tpu.memory_space<vmem>>) semaphore(%arg11 : memref<!tpu.dma_semaphore, #tpu.memory_space<semaphore_mem>>)
      } else {
      }
      %add3A_597 = arith.constant 2 : i32
      %add3A_598 = arith.addi %add3A_243, %add3A_597 : i32
      %mul3A_599 = arith.constant 8 : i32
      %mul3A_600 = arith.muli %add3A, %mul3A_599 : i32
      %jit3A_601 = arith.constant 8 : i32
      %div3A_602 = arith.divsi %add3A_598, %jit3A_601 : i32
      %sign3A_603 = arith.constant 0 : i32
      %sign3A_604 = arith.cmpi sgt, %add3A_598, %sign3A_603 : i32
      %sign3A_605 = arith.extui %sign3A_604 : i1 to i32
      %sign3A_606 = arith.constant 0 : i32
      %sign3A_607 = arith.cmpi slt, %add3A_598, %sign3A_606 : i32
      %sign3A_608 = arith.extui %sign3A_607 : i1 to i32
      %sign3A_609 = arith.subi %sign3A_605, %sign3A_608 : i32
      %sign3A_610 = arith.constant 0 : i32
      %sign3A_611 = arith.cmpi sgt, %jit3A_601, %sign3A_610 : i32
      %sign3A_612 = arith.extui %sign3A_611 : i1 to i32
      %sign3A_613 = arith.constant 0 : i32
      %sign3A_614 = arith.cmpi slt, %jit3A_601, %sign3A_613 : i32
      %sign3A_615 = arith.extui %sign3A_614 : i1 to i32
      %sign3A_616 = arith.subi %sign3A_612, %sign3A_615 : i32
      %ne3A_617 = arith.cmpi ne, %sign3A_609, %sign3A_616 : i32
      %rem3A_618 = arith.remsi %add3A_598, %jit3A_601 : i32
      %ne3A_619 = arith.constant 0 : i32
      %ne3A_620 = arith.cmpi ne, %rem3A_618, %ne3A_619 : i32
      %and3A_621 = arith.andi %ne3A_617, %ne3A_620 : i1
      %sub3A_622 = arith.constant 1 : i32
      %sub3A_623 = arith.subi %div3A_602, %sub3A_622 : i32
      %select_n3A_624 = arith.select %and3A_621, %sub3A_623, %div3A_602 : i32
      %add3A_625 = arith.addi %mul3A_600, %select_n3A_624 : i32
      %jit3A_626 = arith.constant 8 : i32
      %eq3A_627 = arith.constant 0 : i32
      %eq3A_628 = arith.cmpi eq, %jit3A_626, %eq3A_627 : i32
      %jit3A_629 = arith.constant 1 : i32
      %select_n3A_630 = arith.select %eq3A_628, %jit3A_629, %jit3A_626 : i32
      %rem3A_631 = arith.remsi %add3A_598, %select_n3A_630 : i32
      %ne3A_632 = arith.constant 0 : i32
      %ne3A_633 = arith.cmpi ne, %rem3A_631, %ne3A_632 : i32
      %lt3A_634 = arith.constant 0 : i32
      %lt3A_635 = arith.cmpi slt, %rem3A_631, %lt3A_634 : i32
      %lt3A_636 = arith.constant 0 : i32
      %lt3A_637 = arith.cmpi slt, %select_n3A_630, %lt3A_636 : i32
      %ne3A_638 = arith.xori %lt3A_635, %lt3A_637 : i1
      %and3A_639 = arith.andi %ne3A_638, %ne3A_633 : i1
      %add3A_640 = arith.addi %rem3A_631, %select_n3A_630 : i32
      %select_n3A_641 = arith.select %and3A_639, %add3A_640, %rem3A_631 : i32
      %dma_wait3A_642 = arith.constant 2 : i32
      %dma_wait3A_643 = arith.constant 0 : i32
      %dma_wait3A_644 = arith.constant 0 : i32
      %dma_wait3A_645 = arith.constant 0 : i32
      %dma_wait3A_646 = arith.constant 0 : i32
      %dma_wait3A_647 = tpu.memref_slice %arg9[%dma_wait3A_642, %dma_wait3A_643, %dma_wait3A_644, %dma_wait3A_645, %dma_wait3A_646] : memref<4x2x2x64x64xf32, #tpu.memory_space<vmem>> -> memref<1x1x2x64x64xf32, #tpu.memory_space<vmem>>
      %dma_wait3A_648 = tpu.memref_squeeze %dma_wait3A_647 : memref<1x1x2x64x64xf32, #tpu.memory_space<vmem>> -> memref<2x64x64xf32, #tpu.memory_space<vmem>>
      %dma_wait3A_649 = arith.constant 0 : i32
      %dma_wait3A_650 = arith.constant 0 : i32
      %dma_wait3A_651 = arith.constant 0 : i32
      %dma_wait3A_652 = tpu.memref_slice %arg5[%add3A_625, %dma_wait3A_649, %dma_wait3A_650, %select_n3A_641, %dma_wait3A_651] : memref<256x2x64x8x128xf32, #tpu.memory_space<hbm>> -> memref<1x2x64x1x64xf32, #tpu.memory_space<hbm>>
      %dma_wait3A_653 = tpu.memref_squeeze %dma_wait3A_652 : memref<1x2x64x1x64xf32, #tpu.memory_space<hbm>> -> memref<2x64x64xf32, #tpu.memory_space<hbm>>
      %dma_wait3A_654 = arith.constant 0 : i32
      %dma_wait3A_655 = arith.constant 0 : i32
      %dma_wait3A_656 = arith.constant 0 : i32
      %dma_wait3A_657 = tpu.memref_slice %arg9[%dma_wait3A_642, %dma_wait3A_643, %dma_wait3A_654, %dma_wait3A_655, %dma_wait3A_656] : memref<4x2x2x64x64xf32, #tpu.memory_space<vmem>> -> memref<1x1x2x64x64xf32, #tpu.memory_space<vmem>>
      %dma_wait3A_658 = tpu.memref_squeeze %dma_wait3A_657 : memref<1x1x2x64x64xf32, #tpu.memory_space<vmem>> -> memref<2x64x64xf32, #tpu.memory_space<vmem>>
      %dma_wait3A_659 = arith.constant 0 : i32
      %dma_wait3A_660 = arith.constant 0 : i32
      %dma_wait3A_661 = arith.constant 0 : i32
      %dma_wait3A_662 = tpu.memref_slice %arg5[%add3A_625, %dma_wait3A_659, %dma_wait3A_660, %select_n3A_641, %dma_wait3A_661] : memref<256x2x64x8x128xf32, #tpu.memory_space<hbm>> -> memref<1x2x64x1x64xf32, #tpu.memory_space<hbm>>
      %dma_wait3A_663 = tpu.memref_squeeze %dma_wait3A_662 : memref<1x2x64x1x64xf32, #tpu.memory_space<hbm>> -> memref<2x64x64xf32, #tpu.memory_space<hbm>>
      tpu.wait_dma2 semaphore(%arg11 : memref<!tpu.dma_semaphore, #tpu.memory_space<semaphore_mem>>) src(%dma_wait3A_663 : memref<2x64x64xf32, #tpu.memory_space<hbm>>) dst(%dma_wait3A_658 : memref<2x64x64xf32, #tpu.memory_space<vmem>>)
      %dma_wait3A_664 = arith.constant 2 : i32
      %dma_wait3A_665 = arith.constant 1 : i32
      %dma_wait3A_666 = arith.constant 0 : i32
      %dma_wait3A_667 = arith.constant 0 : i32
      %dma_wait3A_668 = arith.constant 0 : i32
      %dma_wait3A_669 = tpu.memref_slice %arg9[%dma_wait3A_664, %dma_wait3A_665, %dma_wait3A_666, %dma_wait3A_667, %dma_wait3A_668] : memref<4x2x2x64x64xf32, #tpu.memory_space<vmem>> -> memref<1x1x2x64x64xf32, #tpu.memory_space<vmem>>
      %dma_wait3A_670 = tpu.memref_squeeze %dma_wait3A_669 : memref<1x1x2x64x64xf32, #tpu.memory_space<vmem>> -> memref<2x64x64xf32, #tpu.memory_space<vmem>>
      %dma_wait3A_671 = arith.constant 0 : i32
      %dma_wait3A_672 = arith.constant 0 : i32
      %dma_wait3A_673 = arith.constant 0 : i32
      %dma_wait3A_674 = tpu.memref_slice %arg5[%add3A_625, %dma_wait3A_671, %dma_wait3A_672, %select_n3A_641, %dma_wait3A_673] : memref<256x2x64x8x128xf32, #tpu.memory_space<hbm>> -> memref<1x2x64x1x64xf32, #tpu.memory_space<hbm>>
      %dma_wait3A_675 = tpu.memref_squeeze %dma_wait3A_674 : memref<1x2x64x1x64xf32, #tpu.memory_space<hbm>> -> memref<2x64x64xf32, #tpu.memory_space<hbm>>
      %dma_wait3A_676 = arith.constant 0 : i32
      %dma_wait3A_677 = arith.constant 0 : i32
      %dma_wait3A_678 = arith.constant 0 : i32
      %dma_wait3A_679 = tpu.memref_slice %arg9[%dma_wait3A_664, %dma_wait3A_665, %dma_wait3A_676, %dma_wait3A_677, %dma_wait3A_678] : memref<4x2x2x64x64xf32, #tpu.memory_space<vmem>> -> memref<1x1x2x64x64xf32, #tpu.memory_space<vmem>>
      %dma_wait3A_680 = tpu.memref_squeeze %dma_wait3A_679 : memref<1x1x2x64x64xf32, #tpu.memory_space<vmem>> -> memref<2x64x64xf32, #tpu.memory_space<vmem>>
      %dma_wait3A_681 = arith.constant 0 : i32
      %dma_wait3A_682 = arith.constant 0 : i32
      %dma_wait3A_683 = arith.constant 0 : i32
      %dma_wait3A_684 = tpu.memref_slice %arg5[%add3A_625, %dma_wait3A_681, %dma_wait3A_682, %select_n3A_641, %dma_wait3A_683] : memref<256x2x64x8x128xf32, #tpu.memory_space<hbm>> -> memref<1x2x64x1x64xf32, #tpu.memory_space<hbm>>
      %dma_wait3A_685 = tpu.memref_squeeze %dma_wait3A_684 : memref<1x2x64x1x64xf32, #tpu.memory_space<hbm>> -> memref<2x64x64xf32, #tpu.memory_space<hbm>>
      tpu.wait_dma2 semaphore(%arg11 : memref<!tpu.dma_semaphore, #tpu.memory_space<semaphore_mem>>) src(%dma_wait3A_685 : memref<2x64x64xf32, #tpu.memory_space<hbm>>) dst(%dma_wait3A_680 : memref<2x64x64xf32, #tpu.memory_space<vmem>>)
      %dma_start3A_686 = arith.constant 2 : i32
      %dma_start3A_687 = arith.constant 0 : i32
      %dma_start3A_688 = arith.constant 0 : i32
      %dma_start3A_689 = arith.constant 0 : i32
      %dma_start3A_690 = arith.constant 0 : i32
      %dma_start3A_691 = arith.constant 0 : i32
      %dma_start3A_692 = tpu.memref_slice %arg9[%dma_start3A_686, %dma_start3A_687, %dma_start3A_688, %dma_start3A_690, %dma_start3A_691] : memref<4x2x2x64x64xf32, #tpu.memory_space<vmem>> -> memref<1x1x1x64x64xf32, #tpu.memory_space<vmem>>
      %dma_start3A_693 = tpu.memref_squeeze %dma_start3A_692 : memref<1x1x1x64x64xf32, #tpu.memory_space<vmem>> -> memref<64x64xf32, #tpu.memory_space<vmem>>
      %dma_start3A_694 = arith.constant 0 : i32
      %dma_start3A_695 = arith.constant 0 : i32
      %dma_start3A_696 = tpu.memref_slice %arg5[%add3A_625, %dma_start3A_689, %dma_start3A_694, %select_n3A_641, %dma_start3A_695] : memref<256x2x64x8x128xf32, #tpu.memory_space<hbm>> -> memref<1x1x64x1x64xf32, #tpu.memory_space<hbm>>
      %dma_start3A_697 = tpu.memref_squeeze %dma_start3A_696 : memref<1x1x64x1x64xf32, #tpu.memory_space<hbm>> -> memref<64x64xf32, #tpu.memory_space<hbm>>
      %dma_start3A_698 = arith.constant 0 : i32
      %dma_start3A_699 = arith.constant 0 : i32
      %dma_start3A_700 = tpu.memref_slice %arg5[%add3A_625, %dma_start3A_689, %dma_start3A_698, %select_n3A_641, %dma_start3A_699] : memref<256x2x64x8x128xf32, #tpu.memory_space<hbm>> -> memref<1x1x64x1x64xf32, #tpu.memory_space<hbm>>
      %dma_start3A_701 = tpu.memref_squeeze %dma_start3A_700 : memref<1x1x64x1x64xf32, #tpu.memory_space<hbm>> -> memref<64x64xf32, #tpu.memory_space<hbm>>
      %dma_start3A_702 = arith.constant 0 : i32
      %dma_start3A_703 = arith.constant 0 : i32
      %dma_start3A_704 = tpu.memref_slice %arg9[%dma_start3A_686, %dma_start3A_687, %dma_start3A_688, %dma_start3A_702, %dma_start3A_703] : memref<4x2x2x64x64xf32, #tpu.memory_space<vmem>> -> memref<1x1x1x64x64xf32, #tpu.memory_space<vmem>>
      %dma_start3A_705 = tpu.memref_squeeze %dma_start3A_704 : memref<1x1x1x64x64xf32, #tpu.memory_space<vmem>> -> memref<64x64xf32, #tpu.memory_space<vmem>>
      tpu.enqueue_dma source(%dma_start3A_705 : memref<64x64xf32, #tpu.memory_space<vmem>>) target(%dma_start3A_701 : memref<64x64xf32, #tpu.memory_space<hbm>>) target_semaphore(%arg12 : memref<!tpu.dma_semaphore, #tpu.memory_space<semaphore_mem>>)
      %dma_start3A_706 = arith.constant 2 : i32
      %dma_start3A_707 = arith.constant 0 : i32
      %dma_start3A_708 = arith.constant 1 : i32
      %dma_start3A_709 = arith.constant 0 : i32
      %dma_start3A_710 = arith.constant 0 : i32
      %dma_start3A_711 = arith.constant 0 : i32
      %dma_start3A_712 = tpu.memref_slice %arg9[%dma_start3A_706, %dma_start3A_707, %dma_start3A_708, %dma_start3A_710, %dma_start3A_711] : memref<4x2x2x64x64xf32, #tpu.memory_space<vmem>> -> memref<1x1x1x64x64xf32, #tpu.memory_space<vmem>>
      %dma_start3A_713 = tpu.memref_squeeze %dma_start3A_712 : memref<1x1x1x64x64xf32, #tpu.memory_space<vmem>> -> memref<64x64xf32, #tpu.memory_space<vmem>>
      %dma_start3A_714 = arith.constant 0 : i32
      %dma_start3A_715 = arith.constant 64 : i32
      %dma_start3A_716 = tpu.memref_slice %arg5[%add3A_625, %dma_start3A_709, %dma_start3A_714, %select_n3A_641, %dma_start3A_715] : memref<256x2x64x8x128xf32, #tpu.memory_space<hbm>> -> memref<1x1x64x1x64xf32, #tpu.memory_space<hbm>>
      %dma_start3A_717 = tpu.memref_squeeze %dma_start3A_716 : memref<1x1x64x1x64xf32, #tpu.memory_space<hbm>> -> memref<64x64xf32, #tpu.memory_space<hbm>>
      %dma_start3A_718 = arith.constant 0 : i32
      %dma_start3A_719 = arith.constant 64 : i32
      %dma_start3A_720 = tpu.memref_slice %arg5[%add3A_625, %dma_start3A_709, %dma_start3A_718, %select_n3A_641, %dma_start3A_719] : memref<256x2x64x8x128xf32, #tpu.memory_space<hbm>> -> memref<1x1x64x1x64xf32, #tpu.memory_space<hbm>>
      %dma_start3A_721 = tpu.memref_squeeze %dma_start3A_720 : memref<1x1x64x1x64xf32, #tpu.memory_space<hbm>> -> memref<64x64xf32, #tpu.memory_space<hbm>>
      %dma_start3A_722 = arith.constant 0 : i32
      %dma_start3A_723 = arith.constant 0 : i32
      %dma_start3A_724 = tpu.memref_slice %arg9[%dma_start3A_706, %dma_start3A_707, %dma_start3A_708, %dma_start3A_722, %dma_start3A_723] : memref<4x2x2x64x64xf32, #tpu.memory_space<vmem>> -> memref<1x1x1x64x64xf32, #tpu.memory_space<vmem>>
      %dma_start3A_725 = tpu.memref_squeeze %dma_start3A_724 : memref<1x1x1x64x64xf32, #tpu.memory_space<vmem>> -> memref<64x64xf32, #tpu.memory_space<vmem>>
      tpu.enqueue_dma source(%dma_start3A_725 : memref<64x64xf32, #tpu.memory_space<vmem>>) target(%dma_start3A_721 : memref<64x64xf32, #tpu.memory_space<hbm>>) target_semaphore(%arg12 : memref<!tpu.dma_semaphore, #tpu.memory_space<semaphore_mem>>)
      %dma_start3A_726 = arith.constant 2 : i32
      %dma_start3A_727 = arith.constant 1 : i32
      %dma_start3A_728 = arith.constant 0 : i32
      %dma_start3A_729 = arith.constant 1 : i32
      %dma_start3A_730 = arith.constant 0 : i32
      %dma_start3A_731 = arith.constant 0 : i32
      %dma_start3A_732 = tpu.memref_slice %arg9[%dma_start3A_726, %dma_start3A_727, %dma_start3A_728, %dma_start3A_730, %dma_start3A_731] : memref<4x2x2x64x64xf32, #tpu.memory_space<vmem>> -> memref<1x1x1x64x64xf32, #tpu.memory_space<vmem>>
      %dma_start3A_733 = tpu.memref_squeeze %dma_start3A_732 : memref<1x1x1x64x64xf32, #tpu.memory_space<vmem>> -> memref<64x64xf32, #tpu.memory_space<vmem>>
      %dma_start3A_734 = arith.constant 0 : i32
      %dma_start3A_735 = arith.constant 0 : i32
      %dma_start3A_736 = tpu.memref_slice %arg5[%add3A_625, %dma_start3A_729, %dma_start3A_734, %select_n3A_641, %dma_start3A_735] : memref<256x2x64x8x128xf32, #tpu.memory_space<hbm>> -> memref<1x1x64x1x64xf32, #tpu.memory_space<hbm>>
      %dma_start3A_737 = tpu.memref_squeeze %dma_start3A_736 : memref<1x1x64x1x64xf32, #tpu.memory_space<hbm>> -> memref<64x64xf32, #tpu.memory_space<hbm>>
      %dma_start3A_738 = arith.constant 0 : i32
      %dma_start3A_739 = arith.constant 0 : i32
      %dma_start3A_740 = tpu.memref_slice %arg5[%add3A_625, %dma_start3A_729, %dma_start3A_738, %select_n3A_641, %dma_start3A_739] : memref<256x2x64x8x128xf32, #tpu.memory_space<hbm>> -> memref<1x1x64x1x64xf32, #tpu.memory_space<hbm>>
      %dma_start3A_741 = tpu.memref_squeeze %dma_start3A_740 : memref<1x1x64x1x64xf32, #tpu.memory_space<hbm>> -> memref<64x64xf32, #tpu.memory_space<hbm>>
      %dma_start3A_742 = arith.constant 0 : i32
      %dma_start3A_743 = arith.constant 0 : i32
      %dma_start3A_744 = tpu.memref_slice %arg9[%dma_start3A_726, %dma_start3A_727, %dma_start3A_728, %dma_start3A_742, %dma_start3A_743] : memref<4x2x2x64x64xf32, #tpu.memory_space<vmem>> -> memref<1x1x1x64x64xf32, #tpu.memory_space<vmem>>
      %dma_start3A_745 = tpu.memref_squeeze %dma_start3A_744 : memref<1x1x1x64x64xf32, #tpu.memory_space<vmem>> -> memref<64x64xf32, #tpu.memory_space<vmem>>
      tpu.enqueue_dma source(%dma_start3A_745 : memref<64x64xf32, #tpu.memory_space<vmem>>) target(%dma_start3A_741 : memref<64x64xf32, #tpu.memory_space<hbm>>) target_semaphore(%arg12 : memref<!tpu.dma_semaphore, #tpu.memory_space<semaphore_mem>>)
      %dma_start3A_746 = arith.constant 2 : i32
      %dma_start3A_747 = arith.constant 1 : i32
      %dma_start3A_748 = arith.constant 1 : i32
      %dma_start3A_749 = arith.constant 1 : i32
      %dma_start3A_750 = arith.constant 0 : i32
      %dma_start3A_751 = arith.constant 0 : i32
      %dma_start3A_752 = tpu.memref_slice %arg9[%dma_start3A_746, %dma_start3A_747, %dma_start3A_748, %dma_start3A_750, %dma_start3A_751] : memref<4x2x2x64x64xf32, #tpu.memory_space<vmem>> -> memref<1x1x1x64x64xf32, #tpu.memory_space<vmem>>
      %dma_start3A_753 = tpu.memref_squeeze %dma_start3A_752 : memref<1x1x1x64x64xf32, #tpu.memory_space<vmem>> -> memref<64x64xf32, #tpu.memory_space<vmem>>
      %dma_start3A_754 = arith.constant 0 : i32
      %dma_start3A_755 = arith.constant 64 : i32
      %dma_start3A_756 = tpu.memref_slice %arg5[%add3A_625, %dma_start3A_749, %dma_start3A_754, %select_n3A_641, %dma_start3A_755] : memref<256x2x64x8x128xf32, #tpu.memory_space<hbm>> -> memref<1x1x64x1x64xf32, #tpu.memory_space<hbm>>
      %dma_start3A_757 = tpu.memref_squeeze %dma_start3A_756 : memref<1x1x64x1x64xf32, #tpu.memory_space<hbm>> -> memref<64x64xf32, #tpu.memory_space<hbm>>
      %dma_start3A_758 = arith.constant 0 : i32
      %dma_start3A_759 = arith.constant 64 : i32
      %dma_start3A_760 = tpu.memref_slice %arg5[%add3A_625, %dma_start3A_749, %dma_start3A_758, %select_n3A_641, %dma_start3A_759] : memref<256x2x64x8x128xf32, #tpu.memory_space<hbm>> -> memref<1x1x64x1x64xf32, #tpu.memory_space<hbm>>
      %dma_start3A_761 = tpu.memref_squeeze %dma_start3A_760 : memref<1x1x64x1x64xf32, #tpu.memory_space<hbm>> -> memref<64x64xf32, #tpu.memory_space<hbm>>
      %dma_start3A_762 = arith.constant 0 : i32
      %dma_start3A_763 = arith.constant 0 : i32
      %dma_start3A_764 = tpu.memref_slice %arg9[%dma_start3A_746, %dma_start3A_747, %dma_start3A_748, %dma_start3A_762, %dma_start3A_763] : memref<4x2x2x64x64xf32, #tpu.memory_space<vmem>> -> memref<1x1x1x64x64xf32, #tpu.memory_space<vmem>>
      %dma_start3A_765 = tpu.memref_squeeze %dma_start3A_764 : memref<1x1x1x64x64xf32, #tpu.memory_space<vmem>> -> memref<64x64xf32, #tpu.memory_space<vmem>>
      tpu.enqueue_dma source(%dma_start3A_765 : memref<64x64xf32, #tpu.memory_space<vmem>>) target(%dma_start3A_761 : memref<64x64xf32, #tpu.memory_space<hbm>>) target_semaphore(%arg12 : memref<!tpu.dma_semaphore, #tpu.memory_space<semaphore_mem>>)
      %ge3A_766 = arith.constant 2 : i32
      %ge3A_767 = arith.cmpi sge, %add3A_598, %ge3A_766 : i32
      %convert_element_type3A_768 = arith.extui %ge3A_767 : i1 to i32
      %cond3A_769 = arith.constant 0 : i32
      %cond3A_770 = arith.cmpi ne, %convert_element_type3A_768, %cond3A_769 : i32
      scf.if %cond3A_770 {
        %dma_wait3A_959 = arith.constant 2 : i32
        %dma_wait3A_960 = arith.constant 0 : i32
        %dma_wait3A_961 = arith.constant 0 : i32
        %dma_wait3A_962 = arith.constant 0 : i32
        %dma_wait3A_963 = arith.constant 0 : i32
        %dma_wait3A_964 = tpu.memref_slice %arg9[%dma_wait3A_959, %dma_wait3A_960, %dma_wait3A_961, %dma_wait3A_962, %dma_wait3A_963] : memref<4x2x2x64x64xf32, #tpu.memory_space<vmem>> -> memref<1x1x2x64x64xf32, #tpu.memory_space<vmem>>
        %dma_wait3A_965 = tpu.memref_squeeze %dma_wait3A_964 : memref<1x1x2x64x64xf32, #tpu.memory_space<vmem>> -> memref<2x64x64xf32, #tpu.memory_space<vmem>>
        %dma_wait3A_966 = arith.constant 0 : i32
        %dma_wait3A_967 = arith.constant 0 : i32
        %dma_wait3A_968 = arith.constant 0 : i32
        %dma_wait3A_969 = tpu.memref_slice %arg5[%add3A_625, %dma_wait3A_966, %dma_wait3A_967, %select_n3A_641, %dma_wait3A_968] : memref<256x2x64x8x128xf32, #tpu.memory_space<hbm>> -> memref<1x2x64x1x64xf32, #tpu.memory_space<hbm>>
        %dma_wait3A_970 = tpu.memref_squeeze %dma_wait3A_969 : memref<1x2x64x1x64xf32, #tpu.memory_space<hbm>> -> memref<2x64x64xf32, #tpu.memory_space<hbm>>
        %dma_wait3A_971 = arith.constant 0 : i32
        %dma_wait3A_972 = arith.constant 0 : i32
        %dma_wait3A_973 = arith.constant 0 : i32
        %dma_wait3A_974 = tpu.memref_slice %arg9[%dma_wait3A_959, %dma_wait3A_960, %dma_wait3A_971, %dma_wait3A_972, %dma_wait3A_973] : memref<4x2x2x64x64xf32, #tpu.memory_space<vmem>> -> memref<1x1x2x64x64xf32, #tpu.memory_space<vmem>>
        %dma_wait3A_975 = tpu.memref_squeeze %dma_wait3A_974 : memref<1x1x2x64x64xf32, #tpu.memory_space<vmem>> -> memref<2x64x64xf32, #tpu.memory_space<vmem>>
        %dma_wait3A_976 = arith.constant 0 : i32
        %dma_wait3A_977 = arith.constant 0 : i32
        %dma_wait3A_978 = arith.constant 0 : i32
        %dma_wait3A_979 = tpu.memref_slice %arg5[%add3A_625, %dma_wait3A_976, %dma_wait3A_977, %select_n3A_641, %dma_wait3A_978] : memref<256x2x64x8x128xf32, #tpu.memory_space<hbm>> -> memref<1x2x64x1x64xf32, #tpu.memory_space<hbm>>
        %dma_wait3A_980 = tpu.memref_squeeze %dma_wait3A_979 : memref<1x2x64x1x64xf32, #tpu.memory_space<hbm>> -> memref<2x64x64xf32, #tpu.memory_space<hbm>>
        tpu.wait_dma2 semaphore(%arg12 : memref<!tpu.dma_semaphore, #tpu.memory_space<semaphore_mem>>) src(%dma_wait3A_980 : memref<2x64x64xf32, #tpu.memory_space<hbm>>) dst(%dma_wait3A_975 : memref<2x64x64xf32, #tpu.memory_space<vmem>>)
        %dma_wait3A_981 = arith.constant 2 : i32
        %dma_wait3A_982 = arith.constant 1 : i32
        %dma_wait3A_983 = arith.constant 0 : i32
        %dma_wait3A_984 = arith.constant 0 : i32
        %dma_wait3A_985 = arith.constant 0 : i32
        %dma_wait3A_986 = tpu.memref_slice %arg9[%dma_wait3A_981, %dma_wait3A_982, %dma_wait3A_983, %dma_wait3A_984, %dma_wait3A_985] : memref<4x2x2x64x64xf32, #tpu.memory_space<vmem>> -> memref<1x1x2x64x64xf32, #tpu.memory_space<vmem>>
        %dma_wait3A_987 = tpu.memref_squeeze %dma_wait3A_986 : memref<1x1x2x64x64xf32, #tpu.memory_space<vmem>> -> memref<2x64x64xf32, #tpu.memory_space<vmem>>
        %dma_wait3A_988 = arith.constant 0 : i32
        %dma_wait3A_989 = arith.constant 0 : i32
        %dma_wait3A_990 = arith.constant 0 : i32
        %dma_wait3A_991 = tpu.memref_slice %arg5[%add3A_625, %dma_wait3A_988, %dma_wait3A_989, %select_n3A_641, %dma_wait3A_990] : memref<256x2x64x8x128xf32, #tpu.memory_space<hbm>> -> memref<1x2x64x1x64xf32, #tpu.memory_space<hbm>>
        %dma_wait3A_992 = tpu.memref_squeeze %dma_wait3A_991 : memref<1x2x64x1x64xf32, #tpu.memory_space<hbm>> -> memref<2x64x64xf32, #tpu.memory_space<hbm>>
        %dma_wait3A_993 = arith.constant 0 : i32
        %dma_wait3A_994 = arith.constant 0 : i32
        %dma_wait3A_995 = arith.constant 0 : i32
        %dma_wait3A_996 = tpu.memref_slice %arg9[%dma_wait3A_981, %dma_wait3A_982, %dma_wait3A_993, %dma_wait3A_994, %dma_wait3A_995] : memref<4x2x2x64x64xf32, #tpu.memory_space<vmem>> -> memref<1x1x2x64x64xf32, #tpu.memory_space<vmem>>
        %dma_wait3A_997 = tpu.memref_squeeze %dma_wait3A_996 : memref<1x1x2x64x64xf32, #tpu.memory_space<vmem>> -> memref<2x64x64xf32, #tpu.memory_space<vmem>>
        %dma_wait3A_998 = arith.constant 0 : i32
        %dma_wait3A_999 = arith.constant 0 : i32
        %dma_wait3A_1000 = arith.constant 0 : i32
        %dma_wait3A_1001 = tpu.memref_slice %arg5[%add3A_625, %dma_wait3A_998, %dma_wait3A_999, %select_n3A_641, %dma_wait3A_1000] : memref<256x2x64x8x128xf32, #tpu.memory_space<hbm>> -> memref<1x2x64x1x64xf32, #tpu.memory_space<hbm>>
        %dma_wait3A_1002 = tpu.memref_squeeze %dma_wait3A_1001 : memref<1x2x64x1x64xf32, #tpu.memory_space<hbm>> -> memref<2x64x64xf32, #tpu.memory_space<hbm>>
        tpu.wait_dma2 semaphore(%arg12 : memref<!tpu.dma_semaphore, #tpu.memory_space<semaphore_mem>>) src(%dma_wait3A_1002 : memref<2x64x64xf32, #tpu.memory_space<hbm>>) dst(%dma_wait3A_997 : memref<2x64x64xf32, #tpu.memory_space<vmem>>)
      } else {
      }
      %add3A_771 = arith.constant 2 : i32
      %add3A_772 = arith.addi %add3A_598, %add3A_771 : i32
      %lt3A_773 = arith.constant 64 : i32
      %lt3A_774 = arith.cmpi slt, %add3A_772, %lt3A_773 : i32
      %convert_element_type3A_775 = arith.extui %lt3A_774 : i1 to i32
      %cond3A_776 = arith.constant 0 : i32
      %cond3A_777 = arith.cmpi ne, %convert_element_type3A_775, %cond3A_776 : i32
      scf.if %cond3A_777 {
        %add3A_959 = arith.constant 2 : i32
        %add3A_960 = arith.addi %add3A_598, %add3A_959 : i32
        %dma_start3A_961 = arith.constant 0 : i32
        %dma_start3A_962 = arith.constant 0 : i32
        %dma_start3A_963 = arith.constant 0 : i32
        %dma_start3A_964 = arith.constant 0 : i32
        %dma_start3A_965 = arith.constant 0 : i32
        %dma_start3A_966 = arith.constant 0 : i32
        %dma_start3A_967 = tpu.memref_slice %arg9[%dma_start3A_962, %dma_start3A_963, %dma_start3A_964, %dma_start3A_965, %dma_start3A_966] : memref<4x2x2x64x64xf32, #tpu.memory_space<vmem>> -> memref<1x1x1x64x64xf32, #tpu.memory_space<vmem>>
        %dma_start3A_968 = tpu.memref_squeeze %dma_start3A_967 : memref<1x1x1x64x64xf32, #tpu.memory_space<vmem>> -> memref<64x64xf32, #tpu.memory_space<vmem>>
        %dma_start3A_969 = arith.constant 0 : i32
        %dma_start3A_970 = tpu.memref_slice %arg7[%add3A_960, %dma_start3A_961, %dma_start3A_969] : memref<64x2x64xi32, #tpu.memory_space<vmem>> -> memref<1x1x64xi32, #tpu.memory_space<vmem>>
        %dma_start3A_971 = tpu.memref_squeeze %dma_start3A_970 : memref<1x1x64xi32, #tpu.memory_space<vmem>> -> memref<64xi32, #tpu.memory_space<vmem>>
        %dma_start3A_972 = arith.constant 0 : i32
        %dma_start3A_973 = arith.constant 0 : i32
        %dma_start3A_974 = tpu.memref_slice %arg3[%dma_start3A_972, %dma_start3A_973] : memref<32768x64xf32, #tpu.memory_space<hbm>> -> memref<32768x64xf32, #tpu.memory_space<hbm>>
        tpu.enqueue_indirect_dma source(%dma_start3A_974 : memref<32768x64xf32, #tpu.memory_space<hbm>>) target(%dma_start3A_968 : memref<64x64xf32, #tpu.memory_space<vmem>>) offsets(%dma_start3A_971 : memref<64xi32, #tpu.memory_space<vmem>>) semaphore(%arg11 : memref<!tpu.dma_semaphore, #tpu.memory_space<semaphore_mem>>)
        %dma_start3A_975 = arith.constant 1 : i32
        %dma_start3A_976 = arith.constant 0 : i32
        %dma_start3A_977 = arith.constant 0 : i32
        %dma_start3A_978 = arith.constant 1 : i32
        %dma_start3A_979 = arith.constant 0 : i32
        %dma_start3A_980 = arith.constant 0 : i32
        %dma_start3A_981 = tpu.memref_slice %arg9[%dma_start3A_976, %dma_start3A_977, %dma_start3A_978, %dma_start3A_979, %dma_start3A_980] : memref<4x2x2x64x64xf32, #tpu.memory_space<vmem>> -> memref<1x1x1x64x64xf32, #tpu.memory_space<vmem>>
        %dma_start3A_982 = tpu.memref_squeeze %dma_start3A_981 : memref<1x1x1x64x64xf32, #tpu.memory_space<vmem>> -> memref<64x64xf32, #tpu.memory_space<vmem>>
        %dma_start3A_983 = arith.constant 0 : i32
        %dma_start3A_984 = tpu.memref_slice %arg7[%add3A_960, %dma_start3A_975, %dma_start3A_983] : memref<64x2x64xi32, #tpu.memory_space<vmem>> -> memref<1x1x64xi32, #tpu.memory_space<vmem>>
        %dma_start3A_985 = tpu.memref_squeeze %dma_start3A_984 : memref<1x1x64xi32, #tpu.memory_space<vmem>> -> memref<64xi32, #tpu.memory_space<vmem>>
        %dma_start3A_986 = arith.constant 0 : i32
        %dma_start3A_987 = arith.constant 0 : i32
        %dma_start3A_988 = tpu.memref_slice %arg3[%dma_start3A_986, %dma_start3A_987] : memref<32768x64xf32, #tpu.memory_space<hbm>> -> memref<32768x64xf32, #tpu.memory_space<hbm>>
        tpu.enqueue_indirect_dma source(%dma_start3A_988 : memref<32768x64xf32, #tpu.memory_space<hbm>>) target(%dma_start3A_982 : memref<64x64xf32, #tpu.memory_space<vmem>>) offsets(%dma_start3A_985 : memref<64xi32, #tpu.memory_space<vmem>>) semaphore(%arg11 : memref<!tpu.dma_semaphore, #tpu.memory_space<semaphore_mem>>)
        %dma_start3A_989 = arith.constant 0 : i32
        %dma_start3A_990 = arith.constant 0 : i32
        %dma_start3A_991 = arith.constant 1 : i32
        %dma_start3A_992 = arith.constant 0 : i32
        %dma_start3A_993 = arith.constant 0 : i32
        %dma_start3A_994 = arith.constant 0 : i32
        %dma_start3A_995 = tpu.memref_slice %arg9[%dma_start3A_990, %dma_start3A_991, %dma_start3A_992, %dma_start3A_993, %dma_start3A_994] : memref<4x2x2x64x64xf32, #tpu.memory_space<vmem>> -> memref<1x1x1x64x64xf32, #tpu.memory_space<vmem>>
        %dma_start3A_996 = tpu.memref_squeeze %dma_start3A_995 : memref<1x1x1x64x64xf32, #tpu.memory_space<vmem>> -> memref<64x64xf32, #tpu.memory_space<vmem>>
        %dma_start3A_997 = arith.constant 0 : i32
        %dma_start3A_998 = tpu.memref_slice %arg8[%add3A_960, %dma_start3A_989, %dma_start3A_997] : memref<64x2x64xi32, #tpu.memory_space<vmem>> -> memref<1x1x64xi32, #tpu.memory_space<vmem>>
        %dma_start3A_999 = tpu.memref_squeeze %dma_start3A_998 : memref<1x1x64xi32, #tpu.memory_space<vmem>> -> memref<64xi32, #tpu.memory_space<vmem>>
        %dma_start3A_1000 = arith.constant 0 : i32
        %dma_start3A_1001 = arith.constant 0 : i32
        %dma_start3A_1002 = tpu.memref_slice %arg4[%dma_start3A_1000, %dma_start3A_1001] : memref<524288x64xf32, #tpu.memory_space<hbm>> -> memref<524288x64xf32, #tpu.memory_space<hbm>>
        tpu.enqueue_indirect_dma source(%dma_start3A_1002 : memref<524288x64xf32, #tpu.memory_space<hbm>>) target(%dma_start3A_996 : memref<64x64xf32, #tpu.memory_space<vmem>>) offsets(%dma_start3A_999 : memref<64xi32, #tpu.memory_space<vmem>>) semaphore(%arg11 : memref<!tpu.dma_semaphore, #tpu.memory_space<semaphore_mem>>)
        %dma_start3A_1003 = arith.constant 1 : i32
        %dma_start3A_1004 = arith.constant 0 : i32
        %dma_start3A_1005 = arith.constant 1 : i32
        %dma_start3A_1006 = arith.constant 1 : i32
        %dma_start3A_1007 = arith.constant 0 : i32
        %dma_start3A_1008 = arith.constant 0 : i32
        %dma_start3A_1009 = tpu.memref_slice %arg9[%dma_start3A_1004, %dma_start3A_1005, %dma_start3A_1006, %dma_start3A_1007, %dma_start3A_1008] : memref<4x2x2x64x64xf32, #tpu.memory_space<vmem>> -> memref<1x1x1x64x64xf32, #tpu.memory_space<vmem>>
        %dma_start3A_1010 = tpu.memref_squeeze %dma_start3A_1009 : memref<1x1x1x64x64xf32, #tpu.memory_space<vmem>> -> memref<64x64xf32, #tpu.memory_space<vmem>>
        %dma_start3A_1011 = arith.constant 0 : i32
        %dma_start3A_1012 = tpu.memref_slice %arg8[%add3A_960, %dma_start3A_1003, %dma_start3A_1011] : memref<64x2x64xi32, #tpu.memory_space<vmem>> -> memref<1x1x64xi32, #tpu.memory_space<vmem>>
        %dma_start3A_1013 = tpu.memref_squeeze %dma_start3A_1012 : memref<1x1x64xi32, #tpu.memory_space<vmem>> -> memref<64xi32, #tpu.memory_space<vmem>>
        %dma_start3A_1014 = arith.constant 0 : i32
        %dma_start3A_1015 = arith.constant 0 : i32
        %dma_start3A_1016 = tpu.memref_slice %arg4[%dma_start3A_1014, %dma_start3A_1015] : memref<524288x64xf32, #tpu.memory_space<hbm>> -> memref<524288x64xf32, #tpu.memory_space<hbm>>
        tpu.enqueue_indirect_dma source(%dma_start3A_1016 : memref<524288x64xf32, #tpu.memory_space<hbm>>) target(%dma_start3A_1010 : memref<64x64xf32, #tpu.memory_space<vmem>>) offsets(%dma_start3A_1013 : memref<64xi32, #tpu.memory_space<vmem>>) semaphore(%arg11 : memref<!tpu.dma_semaphore, #tpu.memory_space<semaphore_mem>>)
      } else {
      }
      %add3A_778 = arith.constant 3 : i32
      %add3A_779 = arith.addi %add3A_243, %add3A_778 : i32
      %mul3A_780 = arith.constant 8 : i32
      %mul3A_781 = arith.muli %add3A, %mul3A_780 : i32
      %jit3A_782 = arith.constant 8 : i32
      %div3A_783 = arith.divsi %add3A_779, %jit3A_782 : i32
      %sign3A_784 = arith.constant 0 : i32
      %sign3A_785 = arith.cmpi sgt, %add3A_779, %sign3A_784 : i32
      %sign3A_786 = arith.extui %sign3A_785 : i1 to i32
      %sign3A_787 = arith.constant 0 : i32
      %sign3A_788 = arith.cmpi slt, %add3A_779, %sign3A_787 : i32
      %sign3A_789 = arith.extui %sign3A_788 : i1 to i32
      %sign3A_790 = arith.subi %sign3A_786, %sign3A_789 : i32
      %sign3A_791 = arith.constant 0 : i32
      %sign3A_792 = arith.cmpi sgt, %jit3A_782, %sign3A_791 : i32
      %sign3A_793 = arith.extui %sign3A_792 : i1 to i32
      %sign3A_794 = arith.constant 0 : i32
      %sign3A_795 = arith.cmpi slt, %jit3A_782, %sign3A_794 : i32
      %sign3A_796 = arith.extui %sign3A_795 : i1 to i32
      %sign3A_797 = arith.subi %sign3A_793, %sign3A_796 : i32
      %ne3A_798 = arith.cmpi ne, %sign3A_790, %sign3A_797 : i32
      %rem3A_799 = arith.remsi %add3A_779, %jit3A_782 : i32
      %ne3A_800 = arith.constant 0 : i32
      %ne3A_801 = arith.cmpi ne, %rem3A_799, %ne3A_800 : i32
      %and3A_802 = arith.andi %ne3A_798, %ne3A_801 : i1
      %sub3A_803 = arith.constant 1 : i32
      %sub3A_804 = arith.subi %div3A_783, %sub3A_803 : i32
      %select_n3A_805 = arith.select %and3A_802, %sub3A_804, %div3A_783 : i32
      %add3A_806 = arith.addi %mul3A_781, %select_n3A_805 : i32
      %jit3A_807 = arith.constant 8 : i32
      %eq3A_808 = arith.constant 0 : i32
      %eq3A_809 = arith.cmpi eq, %jit3A_807, %eq3A_808 : i32
      %jit3A_810 = arith.constant 1 : i32
      %select_n3A_811 = arith.select %eq3A_809, %jit3A_810, %jit3A_807 : i32
      %rem3A_812 = arith.remsi %add3A_779, %select_n3A_811 : i32
      %ne3A_813 = arith.constant 0 : i32
      %ne3A_814 = arith.cmpi ne, %rem3A_812, %ne3A_813 : i32
      %lt3A_815 = arith.constant 0 : i32
      %lt3A_816 = arith.cmpi slt, %rem3A_812, %lt3A_815 : i32
      %lt3A_817 = arith.constant 0 : i32
      %lt3A_818 = arith.cmpi slt, %select_n3A_811, %lt3A_817 : i32
      %ne3A_819 = arith.xori %lt3A_816, %lt3A_818 : i1
      %and3A_820 = arith.andi %ne3A_819, %ne3A_814 : i1
      %add3A_821 = arith.addi %rem3A_812, %select_n3A_811 : i32
      %select_n3A_822 = arith.select %and3A_820, %add3A_821, %rem3A_812 : i32
      %dma_wait3A_823 = arith.constant 3 : i32
      %dma_wait3A_824 = arith.constant 0 : i32
      %dma_wait3A_825 = arith.constant 0 : i32
      %dma_wait3A_826 = arith.constant 0 : i32
      %dma_wait3A_827 = arith.constant 0 : i32
      %dma_wait3A_828 = tpu.memref_slice %arg9[%dma_wait3A_823, %dma_wait3A_824, %dma_wait3A_825, %dma_wait3A_826, %dma_wait3A_827] : memref<4x2x2x64x64xf32, #tpu.memory_space<vmem>> -> memref<1x1x2x64x64xf32, #tpu.memory_space<vmem>>
      %dma_wait3A_829 = tpu.memref_squeeze %dma_wait3A_828 : memref<1x1x2x64x64xf32, #tpu.memory_space<vmem>> -> memref<2x64x64xf32, #tpu.memory_space<vmem>>
      %dma_wait3A_830 = arith.constant 0 : i32
      %dma_wait3A_831 = arith.constant 0 : i32
      %dma_wait3A_832 = arith.constant 0 : i32
      %dma_wait3A_833 = tpu.memref_slice %arg5[%add3A_806, %dma_wait3A_830, %dma_wait3A_831, %select_n3A_822, %dma_wait3A_832] : memref<256x2x64x8x128xf32, #tpu.memory_space<hbm>> -> memref<1x2x64x1x64xf32, #tpu.memory_space<hbm>>
      %dma_wait3A_834 = tpu.memref_squeeze %dma_wait3A_833 : memref<1x2x64x1x64xf32, #tpu.memory_space<hbm>> -> memref<2x64x64xf32, #tpu.memory_space<hbm>>
      %dma_wait3A_835 = arith.constant 0 : i32
      %dma_wait3A_836 = arith.constant 0 : i32
      %dma_wait3A_837 = arith.constant 0 : i32
      %dma_wait3A_838 = tpu.memref_slice %arg9[%dma_wait3A_823, %dma_wait3A_824, %dma_wait3A_835, %dma_wait3A_836, %dma_wait3A_837] : memref<4x2x2x64x64xf32, #tpu.memory_space<vmem>> -> memref<1x1x2x64x64xf32, #tpu.memory_space<vmem>>
      %dma_wait3A_839 = tpu.memref_squeeze %dma_wait3A_838 : memref<1x1x2x64x64xf32, #tpu.memory_space<vmem>> -> memref<2x64x64xf32, #tpu.memory_space<vmem>>
      %dma_wait3A_840 = arith.constant 0 : i32
      %dma_wait3A_841 = arith.constant 0 : i32
      %dma_wait3A_842 = arith.constant 0 : i32
      %dma_wait3A_843 = tpu.memref_slice %arg5[%add3A_806, %dma_wait3A_840, %dma_wait3A_841, %select_n3A_822, %dma_wait3A_842] : memref<256x2x64x8x128xf32, #tpu.memory_space<hbm>> -> memref<1x2x64x1x64xf32, #tpu.memory_space<hbm>>
      %dma_wait3A_844 = tpu.memref_squeeze %dma_wait3A_843 : memref<1x2x64x1x64xf32, #tpu.memory_space<hbm>> -> memref<2x64x64xf32, #tpu.memory_space<hbm>>
      tpu.wait_dma2 semaphore(%arg11 : memref<!tpu.dma_semaphore, #tpu.memory_space<semaphore_mem>>) src(%dma_wait3A_844 : memref<2x64x64xf32, #tpu.memory_space<hbm>>) dst(%dma_wait3A_839 : memref<2x64x64xf32, #tpu.memory_space<vmem>>)
      %dma_wait3A_845 = arith.constant 3 : i32
      %dma_wait3A_846 = arith.constant 1 : i32
      %dma_wait3A_847 = arith.constant 0 : i32
      %dma_wait3A_848 = arith.constant 0 : i32
      %dma_wait3A_849 = arith.constant 0 : i32
      %dma_wait3A_850 = tpu.memref_slice %arg9[%dma_wait3A_845, %dma_wait3A_846, %dma_wait3A_847, %dma_wait3A_848, %dma_wait3A_849] : memref<4x2x2x64x64xf32, #tpu.memory_space<vmem>> -> memref<1x1x2x64x64xf32, #tpu.memory_space<vmem>>
      %dma_wait3A_851 = tpu.memref_squeeze %dma_wait3A_850 : memref<1x1x2x64x64xf32, #tpu.memory_space<vmem>> -> memref<2x64x64xf32, #tpu.memory_space<vmem>>
      %dma_wait3A_852 = arith.constant 0 : i32
      %dma_wait3A_853 = arith.constant 0 : i32
      %dma_wait3A_854 = arith.constant 0 : i32
      %dma_wait3A_855 = tpu.memref_slice %arg5[%add3A_806, %dma_wait3A_852, %dma_wait3A_853, %select_n3A_822, %dma_wait3A_854] : memref<256x2x64x8x128xf32, #tpu.memory_space<hbm>> -> memref<1x2x64x1x64xf32, #tpu.memory_space<hbm>>
      %dma_wait3A_856 = tpu.memref_squeeze %dma_wait3A_855 : memref<1x2x64x1x64xf32, #tpu.memory_space<hbm>> -> memref<2x64x64xf32, #tpu.memory_space<hbm>>
      %dma_wait3A_857 = arith.constant 0 : i32
      %dma_wait3A_858 = arith.constant 0 : i32
      %dma_wait3A_859 = arith.constant 0 : i32
      %dma_wait3A_860 = tpu.memref_slice %arg9[%dma_wait3A_845, %dma_wait3A_846, %dma_wait3A_857, %dma_wait3A_858, %dma_wait3A_859] : memref<4x2x2x64x64xf32, #tpu.memory_space<vmem>> -> memref<1x1x2x64x64xf32, #tpu.memory_space<vmem>>
      %dma_wait3A_861 = tpu.memref_squeeze %dma_wait3A_860 : memref<1x1x2x64x64xf32, #tpu.memory_space<vmem>> -> memref<2x64x64xf32, #tpu.memory_space<vmem>>
      %dma_wait3A_862 = arith.constant 0 : i32
      %dma_wait3A_863 = arith.constant 0 : i32
      %dma_wait3A_864 = arith.constant 0 : i32
      %dma_wait3A_865 = tpu.memref_slice %arg5[%add3A_806, %dma_wait3A_862, %dma_wait3A_863, %select_n3A_822, %dma_wait3A_864] : memref<256x2x64x8x128xf32, #tpu.memory_space<hbm>> -> memref<1x2x64x1x64xf32, #tpu.memory_space<hbm>>
      %dma_wait3A_866 = tpu.memref_squeeze %dma_wait3A_865 : memref<1x2x64x1x64xf32, #tpu.memory_space<hbm>> -> memref<2x64x64xf32, #tpu.memory_space<hbm>>
      tpu.wait_dma2 semaphore(%arg11 : memref<!tpu.dma_semaphore, #tpu.memory_space<semaphore_mem>>) src(%dma_wait3A_866 : memref<2x64x64xf32, #tpu.memory_space<hbm>>) dst(%dma_wait3A_861 : memref<2x64x64xf32, #tpu.memory_space<vmem>>)
      %dma_start3A_867 = arith.constant 3 : i32
      %dma_start3A_868 = arith.constant 0 : i32
      %dma_start3A_869 = arith.constant 0 : i32
      %dma_start3A_870 = arith.constant 0 : i32
      %dma_start3A_871 = arith.constant 0 : i32
      %dma_start3A_872 = arith.constant 0 : i32
      %dma_start3A_873 = tpu.memref_slice %arg9[%dma_start3A_867, %dma_start3A_868, %dma_start3A_869, %dma_start3A_871, %dma_start3A_872] : memref<4x2x2x64x64xf32, #tpu.memory_space<vmem>> -> memref<1x1x1x64x64xf32, #tpu.memory_space<vmem>>
      %dma_start3A_874 = tpu.memref_squeeze %dma_start3A_873 : memref<1x1x1x64x64xf32, #tpu.memory_space<vmem>> -> memref<64x64xf32, #tpu.memory_space<vmem>>
      %dma_start3A_875 = arith.constant 0 : i32
      %dma_start3A_876 = arith.constant 0 : i32
      %dma_start3A_877 = tpu.memref_slice %arg5[%add3A_806, %dma_start3A_870, %dma_start3A_875, %select_n3A_822, %dma_start3A_876] : memref<256x2x64x8x128xf32, #tpu.memory_space<hbm>> -> memref<1x1x64x1x64xf32, #tpu.memory_space<hbm>>
      %dma_start3A_878 = tpu.memref_squeeze %dma_start3A_877 : memref<1x1x64x1x64xf32, #tpu.memory_space<hbm>> -> memref<64x64xf32, #tpu.memory_space<hbm>>
      %dma_start3A_879 = arith.constant 0 : i32
      %dma_start3A_880 = arith.constant 0 : i32
      %dma_start3A_881 = tpu.memref_slice %arg5[%add3A_806, %dma_start3A_870, %dma_start3A_879, %select_n3A_822, %dma_start3A_880] : memref<256x2x64x8x128xf32, #tpu.memory_space<hbm>> -> memref<1x1x64x1x64xf32, #tpu.memory_space<hbm>>
      %dma_start3A_882 = tpu.memref_squeeze %dma_start3A_881 : memref<1x1x64x1x64xf32, #tpu.memory_space<hbm>> -> memref<64x64xf32, #tpu.memory_space<hbm>>
      %dma_start3A_883 = arith.constant 0 : i32
      %dma_start3A_884 = arith.constant 0 : i32
      %dma_start3A_885 = tpu.memref_slice %arg9[%dma_start3A_867, %dma_start3A_868, %dma_start3A_869, %dma_start3A_883, %dma_start3A_884] : memref<4x2x2x64x64xf32, #tpu.memory_space<vmem>> -> memref<1x1x1x64x64xf32, #tpu.memory_space<vmem>>
      %dma_start3A_886 = tpu.memref_squeeze %dma_start3A_885 : memref<1x1x1x64x64xf32, #tpu.memory_space<vmem>> -> memref<64x64xf32, #tpu.memory_space<vmem>>
      tpu.enqueue_dma source(%dma_start3A_886 : memref<64x64xf32, #tpu.memory_space<vmem>>) target(%dma_start3A_882 : memref<64x64xf32, #tpu.memory_space<hbm>>) target_semaphore(%arg12 : memref<!tpu.dma_semaphore, #tpu.memory_space<semaphore_mem>>)
      %dma_start3A_887 = arith.constant 3 : i32
      %dma_start3A_888 = arith.constant 0 : i32
      %dma_start3A_889 = arith.constant 1 : i32
      %dma_start3A_890 = arith.constant 0 : i32
      %dma_start3A_891 = arith.constant 0 : i32
      %dma_start3A_892 = arith.constant 0 : i32
      %dma_start3A_893 = tpu.memref_slice %arg9[%dma_start3A_887, %dma_start3A_888, %dma_start3A_889, %dma_start3A_891, %dma_start3A_892] : memref<4x2x2x64x64xf32, #tpu.memory_space<vmem>> -> memref<1x1x1x64x64xf32, #tpu.memory_space<vmem>>
      %dma_start3A_894 = tpu.memref_squeeze %dma_start3A_893 : memref<1x1x1x64x64xf32, #tpu.memory_space<vmem>> -> memref<64x64xf32, #tpu.memory_space<vmem>>
      %dma_start3A_895 = arith.constant 0 : i32
      %dma_start3A_896 = arith.constant 64 : i32
      %dma_start3A_897 = tpu.memref_slice %arg5[%add3A_806, %dma_start3A_890, %dma_start3A_895, %select_n3A_822, %dma_start3A_896] : memref<256x2x64x8x128xf32, #tpu.memory_space<hbm>> -> memref<1x1x64x1x64xf32, #tpu.memory_space<hbm>>
      %dma_start3A_898 = tpu.memref_squeeze %dma_start3A_897 : memref<1x1x64x1x64xf32, #tpu.memory_space<hbm>> -> memref<64x64xf32, #tpu.memory_space<hbm>>
      %dma_start3A_899 = arith.constant 0 : i32
      %dma_start3A_900 = arith.constant 64 : i32
      %dma_start3A_901 = tpu.memref_slice %arg5[%add3A_806, %dma_start3A_890, %dma_start3A_899, %select_n3A_822, %dma_start3A_900] : memref<256x2x64x8x128xf32, #tpu.memory_space<hbm>> -> memref<1x1x64x1x64xf32, #tpu.memory_space<hbm>>
      %dma_start3A_902 = tpu.memref_squeeze %dma_start3A_901 : memref<1x1x64x1x64xf32, #tpu.memory_space<hbm>> -> memref<64x64xf32, #tpu.memory_space<hbm>>
      %dma_start3A_903 = arith.constant 0 : i32
      %dma_start3A_904 = arith.constant 0 : i32
      %dma_start3A_905 = tpu.memref_slice %arg9[%dma_start3A_887, %dma_start3A_888, %dma_start3A_889, %dma_start3A_903, %dma_start3A_904] : memref<4x2x2x64x64xf32, #tpu.memory_space<vmem>> -> memref<1x1x1x64x64xf32, #tpu.memory_space<vmem>>
      %dma_start3A_906 = tpu.memref_squeeze %dma_start3A_905 : memref<1x1x1x64x64xf32, #tpu.memory_space<vmem>> -> memref<64x64xf32, #tpu.memory_space<vmem>>
      tpu.enqueue_dma source(%dma_start3A_906 : memref<64x64xf32, #tpu.memory_space<vmem>>) target(%dma_start3A_902 : memref<64x64xf32, #tpu.memory_space<hbm>>) target_semaphore(%arg12 : memref<!tpu.dma_semaphore, #tpu.memory_space<semaphore_mem>>)
      %dma_start3A_907 = arith.constant 3 : i32
      %dma_start3A_908 = arith.constant 1 : i32
      %dma_start3A_909 = arith.constant 0 : i32
      %dma_start3A_910 = arith.constant 1 : i32
      %dma_start3A_911 = arith.constant 0 : i32
      %dma_start3A_912 = arith.constant 0 : i32
      %dma_start3A_913 = tpu.memref_slice %arg9[%dma_start3A_907, %dma_start3A_908, %dma_start3A_909, %dma_start3A_911, %dma_start3A_912] : memref<4x2x2x64x64xf32, #tpu.memory_space<vmem>> -> memref<1x1x1x64x64xf32, #tpu.memory_space<vmem>>
      %dma_start3A_914 = tpu.memref_squeeze %dma_start3A_913 : memref<1x1x1x64x64xf32, #tpu.memory_space<vmem>> -> memref<64x64xf32, #tpu.memory_space<vmem>>
      %dma_start3A_915 = arith.constant 0 : i32
      %dma_start3A_916 = arith.constant 0 : i32
      %dma_start3A_917 = tpu.memref_slice %arg5[%add3A_806, %dma_start3A_910, %dma_start3A_915, %select_n3A_822, %dma_start3A_916] : memref<256x2x64x8x128xf32, #tpu.memory_space<hbm>> -> memref<1x1x64x1x64xf32, #tpu.memory_space<hbm>>
      %dma_start3A_918 = tpu.memref_squeeze %dma_start3A_917 : memref<1x1x64x1x64xf32, #tpu.memory_space<hbm>> -> memref<64x64xf32, #tpu.memory_space<hbm>>
      %dma_start3A_919 = arith.constant 0 : i32
      %dma_start3A_920 = arith.constant 0 : i32
      %dma_start3A_921 = tpu.memref_slice %arg5[%add3A_806, %dma_start3A_910, %dma_start3A_919, %select_n3A_822, %dma_start3A_920] : memref<256x2x64x8x128xf32, #tpu.memory_space<hbm>> -> memref<1x1x64x1x64xf32, #tpu.memory_space<hbm>>
      %dma_start3A_922 = tpu.memref_squeeze %dma_start3A_921 : memref<1x1x64x1x64xf32, #tpu.memory_space<hbm>> -> memref<64x64xf32, #tpu.memory_space<hbm>>
      %dma_start3A_923 = arith.constant 0 : i32
      %dma_start3A_924 = arith.constant 0 : i32
      %dma_start3A_925 = tpu.memref_slice %arg9[%dma_start3A_907, %dma_start3A_908, %dma_start3A_909, %dma_start3A_923, %dma_start3A_924] : memref<4x2x2x64x64xf32, #tpu.memory_space<vmem>> -> memref<1x1x1x64x64xf32, #tpu.memory_space<vmem>>
      %dma_start3A_926 = tpu.memref_squeeze %dma_start3A_925 : memref<1x1x1x64x64xf32, #tpu.memory_space<vmem>> -> memref<64x64xf32, #tpu.memory_space<vmem>>
      tpu.enqueue_dma source(%dma_start3A_926 : memref<64x64xf32, #tpu.memory_space<vmem>>) target(%dma_start3A_922 : memref<64x64xf32, #tpu.memory_space<hbm>>) target_semaphore(%arg12 : memref<!tpu.dma_semaphore, #tpu.memory_space<semaphore_mem>>)
      %dma_start3A_927 = arith.constant 3 : i32
      %dma_start3A_928 = arith.constant 1 : i32
      %dma_start3A_929 = arith.constant 1 : i32
      %dma_start3A_930 = arith.constant 1 : i32
      %dma_start3A_931 = arith.constant 0 : i32
      %dma_start3A_932 = arith.constant 0 : i32
      %dma_start3A_933 = tpu.memref_slice %arg9[%dma_start3A_927, %dma_start3A_928, %dma_start3A_929, %dma_start3A_931, %dma_start3A_932] : memref<4x2x2x64x64xf32, #tpu.memory_space<vmem>> -> memref<1x1x1x64x64xf32, #tpu.memory_space<vmem>>
      %dma_start3A_934 = tpu.memref_squeeze %dma_start3A_933 : memref<1x1x1x64x64xf32, #tpu.memory_space<vmem>> -> memref<64x64xf32, #tpu.memory_space<vmem>>
      %dma_start3A_935 = arith.constant 0 : i32
      %dma_start3A_936 = arith.constant 64 : i32
      %dma_start3A_937 = tpu.memref_slice %arg5[%add3A_806, %dma_start3A_930, %dma_start3A_935, %select_n3A_822, %dma_start3A_936] : memref<256x2x64x8x128xf32, #tpu.memory_space<hbm>> -> memref<1x1x64x1x64xf32, #tpu.memory_space<hbm>>
      %dma_start3A_938 = tpu.memref_squeeze %dma_start3A_937 : memref<1x1x64x1x64xf32, #tpu.memory_space<hbm>> -> memref<64x64xf32, #tpu.memory_space<hbm>>
      %dma_start3A_939 = arith.constant 0 : i32
      %dma_start3A_940 = arith.constant 64 : i32
      %dma_start3A_941 = tpu.memref_slice %arg5[%add3A_806, %dma_start3A_930, %dma_start3A_939, %select_n3A_822, %dma_start3A_940] : memref<256x2x64x8x128xf32, #tpu.memory_space<hbm>> -> memref<1x1x64x1x64xf32, #tpu.memory_space<hbm>>
      %dma_start3A_942 = tpu.memref_squeeze %dma_start3A_941 : memref<1x1x64x1x64xf32, #tpu.memory_space<hbm>> -> memref<64x64xf32, #tpu.memory_space<hbm>>
      %dma_start3A_943 = arith.constant 0 : i32
      %dma_start3A_944 = arith.constant 0 : i32
      %dma_start3A_945 = tpu.memref_slice %arg9[%dma_start3A_927, %dma_start3A_928, %dma_start3A_929, %dma_start3A_943, %dma_start3A_944] : memref<4x2x2x64x64xf32, #tpu.memory_space<vmem>> -> memref<1x1x1x64x64xf32, #tpu.memory_space<vmem>>
      %dma_start3A_946 = tpu.memref_squeeze %dma_start3A_945 : memref<1x1x1x64x64xf32, #tpu.memory_space<vmem>> -> memref<64x64xf32, #tpu.memory_space<vmem>>
      tpu.enqueue_dma source(%dma_start3A_946 : memref<64x64xf32, #tpu.memory_space<vmem>>) target(%dma_start3A_942 : memref<64x64xf32, #tpu.memory_space<hbm>>) target_semaphore(%arg12 : memref<!tpu.dma_semaphore, #tpu.memory_space<semaphore_mem>>)
      %ge3A_947 = arith.constant 2 : i32
      %ge3A_948 = arith.cmpi sge, %add3A_779, %ge3A_947 : i32
      %convert_element_type3A_949 = arith.extui %ge3A_948 : i1 to i32
      %cond3A_950 = arith.constant 0 : i32
      %cond3A_951 = arith.cmpi ne, %convert_element_type3A_949, %cond3A_950 : i32
      scf.if %cond3A_951 {
        %dma_wait3A_959 = arith.constant 3 : i32
        %dma_wait3A_960 = arith.constant 0 : i32
        %dma_wait3A_961 = arith.constant 0 : i32
        %dma_wait3A_962 = arith.constant 0 : i32
        %dma_wait3A_963 = arith.constant 0 : i32
        %dma_wait3A_964 = tpu.memref_slice %arg9[%dma_wait3A_959, %dma_wait3A_960, %dma_wait3A_961, %dma_wait3A_962, %dma_wait3A_963] : memref<4x2x2x64x64xf32, #tpu.memory_space<vmem>> -> memref<1x1x2x64x64xf32, #tpu.memory_space<vmem>>
        %dma_wait3A_965 = tpu.memref_squeeze %dma_wait3A_964 : memref<1x1x2x64x64xf32, #tpu.memory_space<vmem>> -> memref<2x64x64xf32, #tpu.memory_space<vmem>>
        %dma_wait3A_966 = arith.constant 0 : i32
        %dma_wait3A_967 = arith.constant 0 : i32
        %dma_wait3A_968 = arith.constant 0 : i32
        %dma_wait3A_969 = tpu.memref_slice %arg5[%add3A_806, %dma_wait3A_966, %dma_wait3A_967, %select_n3A_822, %dma_wait3A_968] : memref<256x2x64x8x128xf32, #tpu.memory_space<hbm>> -> memref<1x2x64x1x64xf32, #tpu.memory_space<hbm>>
        %dma_wait3A_970 = tpu.memref_squeeze %dma_wait3A_969 : memref<1x2x64x1x64xf32, #tpu.memory_space<hbm>> -> memref<2x64x64xf32, #tpu.memory_space<hbm>>
        %dma_wait3A_971 = arith.constant 0 : i32
        %dma_wait3A_972 = arith.constant 0 : i32
        %dma_wait3A_973 = arith.constant 0 : i32
        %dma_wait3A_974 = tpu.memref_slice %arg9[%dma_wait3A_959, %dma_wait3A_960, %dma_wait3A_971, %dma_wait3A_972, %dma_wait3A_973] : memref<4x2x2x64x64xf32, #tpu.memory_space<vmem>> -> memref<1x1x2x64x64xf32, #tpu.memory_space<vmem>>
        %dma_wait3A_975 = tpu.memref_squeeze %dma_wait3A_974 : memref<1x1x2x64x64xf32, #tpu.memory_space<vmem>> -> memref<2x64x64xf32, #tpu.memory_space<vmem>>
        %dma_wait3A_976 = arith.constant 0 : i32
        %dma_wait3A_977 = arith.constant 0 : i32
        %dma_wait3A_978 = arith.constant 0 : i32
        %dma_wait3A_979 = tpu.memref_slice %arg5[%add3A_806, %dma_wait3A_976, %dma_wait3A_977, %select_n3A_822, %dma_wait3A_978] : memref<256x2x64x8x128xf32, #tpu.memory_space<hbm>> -> memref<1x2x64x1x64xf32, #tpu.memory_space<hbm>>
        %dma_wait3A_980 = tpu.memref_squeeze %dma_wait3A_979 : memref<1x2x64x1x64xf32, #tpu.memory_space<hbm>> -> memref<2x64x64xf32, #tpu.memory_space<hbm>>
        tpu.wait_dma2 semaphore(%arg12 : memref<!tpu.dma_semaphore, #tpu.memory_space<semaphore_mem>>) src(%dma_wait3A_980 : memref<2x64x64xf32, #tpu.memory_space<hbm>>) dst(%dma_wait3A_975 : memref<2x64x64xf32, #tpu.memory_space<vmem>>)
        %dma_wait3A_981 = arith.constant 3 : i32
        %dma_wait3A_982 = arith.constant 1 : i32
        %dma_wait3A_983 = arith.constant 0 : i32
        %dma_wait3A_984 = arith.constant 0 : i32
        %dma_wait3A_985 = arith.constant 0 : i32
        %dma_wait3A_986 = tpu.memref_slice %arg9[%dma_wait3A_981, %dma_wait3A_982, %dma_wait3A_983, %dma_wait3A_984, %dma_wait3A_985] : memref<4x2x2x64x64xf32, #tpu.memory_space<vmem>> -> memref<1x1x2x64x64xf32, #tpu.memory_space<vmem>>
        %dma_wait3A_987 = tpu.memref_squeeze %dma_wait3A_986 : memref<1x1x2x64x64xf32, #tpu.memory_space<vmem>> -> memref<2x64x64xf32, #tpu.memory_space<vmem>>
        %dma_wait3A_988 = arith.constant 0 : i32
        %dma_wait3A_989 = arith.constant 0 : i32
        %dma_wait3A_990 = arith.constant 0 : i32
        %dma_wait3A_991 = tpu.memref_slice %arg5[%add3A_806, %dma_wait3A_988, %dma_wait3A_989, %select_n3A_822, %dma_wait3A_990] : memref<256x2x64x8x128xf32, #tpu.memory_space<hbm>> -> memref<1x2x64x1x64xf32, #tpu.memory_space<hbm>>
        %dma_wait3A_992 = tpu.memref_squeeze %dma_wait3A_991 : memref<1x2x64x1x64xf32, #tpu.memory_space<hbm>> -> memref<2x64x64xf32, #tpu.memory_space<hbm>>
        %dma_wait3A_993 = arith.constant 0 : i32
        %dma_wait3A_994 = arith.constant 0 : i32
        %dma_wait3A_995 = arith.constant 0 : i32
        %dma_wait3A_996 = tpu.memref_slice %arg9[%dma_wait3A_981, %dma_wait3A_982, %dma_wait3A_993, %dma_wait3A_994, %dma_wait3A_995] : memref<4x2x2x64x64xf32, #tpu.memory_space<vmem>> -> memref<1x1x2x64x64xf32, #tpu.memory_space<vmem>>
        %dma_wait3A_997 = tpu.memref_squeeze %dma_wait3A_996 : memref<1x1x2x64x64xf32, #tpu.memory_space<vmem>> -> memref<2x64x64xf32, #tpu.memory_space<vmem>>
        %dma_wait3A_998 = arith.constant 0 : i32
        %dma_wait3A_999 = arith.constant 0 : i32
        %dma_wait3A_1000 = arith.constant 0 : i32
        %dma_wait3A_1001 = tpu.memref_slice %arg5[%add3A_806, %dma_wait3A_998, %dma_wait3A_999, %select_n3A_822, %dma_wait3A_1000] : memref<256x2x64x8x128xf32, #tpu.memory_space<hbm>> -> memref<1x2x64x1x64xf32, #tpu.memory_space<hbm>>
        %dma_wait3A_1002 = tpu.memref_squeeze %dma_wait3A_1001 : memref<1x2x64x1x64xf32, #tpu.memory_space<hbm>> -> memref<2x64x64xf32, #tpu.memory_space<hbm>>
        tpu.wait_dma2 semaphore(%arg12 : memref<!tpu.dma_semaphore, #tpu.memory_space<semaphore_mem>>) src(%dma_wait3A_1002 : memref<2x64x64xf32, #tpu.memory_space<hbm>>) dst(%dma_wait3A_997 : memref<2x64x64xf32, #tpu.memory_space<vmem>>)
      } else {
      }
      %add3A_952 = arith.constant 2 : i32
      %add3A_953 = arith.addi %add3A_779, %add3A_952 : i32
      %lt3A_954 = arith.constant 64 : i32
      %lt3A_955 = arith.cmpi slt, %add3A_953, %lt3A_954 : i32
      %convert_element_type3A_956 = arith.extui %lt3A_955 : i1 to i32
      %cond3A_957 = arith.constant 0 : i32
      %cond3A_958 = arith.cmpi ne, %convert_element_type3A_956, %cond3A_957 : i32
      scf.if %cond3A_958 {
        %add3A_959 = arith.constant 2 : i32
        %add3A_960 = arith.addi %add3A_779, %add3A_959 : i32
        %dma_start3A_961 = arith.constant 0 : i32
        %dma_start3A_962 = arith.constant 1 : i32
        %dma_start3A_963 = arith.constant 0 : i32
        %dma_start3A_964 = arith.constant 0 : i32
        %dma_start3A_965 = arith.constant 0 : i32
        %dma_start3A_966 = arith.constant 0 : i32
        %dma_start3A_967 = tpu.memref_slice %arg9[%dma_start3A_962, %dma_start3A_963, %dma_start3A_964, %dma_start3A_965, %dma_start3A_966] : memref<4x2x2x64x64xf32, #tpu.memory_space<vmem>> -> memref<1x1x1x64x64xf32, #tpu.memory_space<vmem>>
        %dma_start3A_968 = tpu.memref_squeeze %dma_start3A_967 : memref<1x1x1x64x64xf32, #tpu.memory_space<vmem>> -> memref<64x64xf32, #tpu.memory_space<vmem>>
        %dma_start3A_969 = arith.constant 0 : i32
        %dma_start3A_970 = tpu.memref_slice %arg7[%add3A_960, %dma_start3A_961, %dma_start3A_969] : memref<64x2x64xi32, #tpu.memory_space<vmem>> -> memref<1x1x64xi32, #tpu.memory_space<vmem>>
        %dma_start3A_971 = tpu.memref_squeeze %dma_start3A_970 : memref<1x1x64xi32, #tpu.memory_space<vmem>> -> memref<64xi32, #tpu.memory_space<vmem>>
        %dma_start3A_972 = arith.constant 0 : i32
        %dma_start3A_973 = arith.constant 0 : i32
        %dma_start3A_974 = tpu.memref_slice %arg3[%dma_start3A_972, %dma_start3A_973] : memref<32768x64xf32, #tpu.memory_space<hbm>> -> memref<32768x64xf32, #tpu.memory_space<hbm>>
        tpu.enqueue_indirect_dma source(%dma_start3A_974 : memref<32768x64xf32, #tpu.memory_space<hbm>>) target(%dma_start3A_968 : memref<64x64xf32, #tpu.memory_space<vmem>>) offsets(%dma_start3A_971 : memref<64xi32, #tpu.memory_space<vmem>>) semaphore(%arg11 : memref<!tpu.dma_semaphore, #tpu.memory_space<semaphore_mem>>)
        %dma_start3A_975 = arith.constant 1 : i32
        %dma_start3A_976 = arith.constant 1 : i32
        %dma_start3A_977 = arith.constant 0 : i32
        %dma_start3A_978 = arith.constant 1 : i32
        %dma_start3A_979 = arith.constant 0 : i32
        %dma_start3A_980 = arith.constant 0 : i32
        %dma_start3A_981 = tpu.memref_slice %arg9[%dma_start3A_976, %dma_start3A_977, %dma_start3A_978, %dma_start3A_979, %dma_start3A_980] : memref<4x2x2x64x64xf32, #tpu.memory_space<vmem>> -> memref<1x1x1x64x64xf32, #tpu.memory_space<vmem>>
        %dma_start3A_982 = tpu.memref_squeeze %dma_start3A_981 : memref<1x1x1x64x64xf32, #tpu.memory_space<vmem>> -> memref<64x64xf32, #tpu.memory_space<vmem>>
        %dma_start3A_983 = arith.constant 0 : i32
        %dma_start3A_984 = tpu.memref_slice %arg7[%add3A_960, %dma_start3A_975, %dma_start3A_983] : memref<64x2x64xi32, #tpu.memory_space<vmem>> -> memref<1x1x64xi32, #tpu.memory_space<vmem>>
        %dma_start3A_985 = tpu.memref_squeeze %dma_start3A_984 : memref<1x1x64xi32, #tpu.memory_space<vmem>> -> memref<64xi32, #tpu.memory_space<vmem>>
        %dma_start3A_986 = arith.constant 0 : i32
        %dma_start3A_987 = arith.constant 0 : i32
        %dma_start3A_988 = tpu.memref_slice %arg3[%dma_start3A_986, %dma_start3A_987] : memref<32768x64xf32, #tpu.memory_space<hbm>> -> memref<32768x64xf32, #tpu.memory_space<hbm>>
        tpu.enqueue_indirect_dma source(%dma_start3A_988 : memref<32768x64xf32, #tpu.memory_space<hbm>>) target(%dma_start3A_982 : memref<64x64xf32, #tpu.memory_space<vmem>>) offsets(%dma_start3A_985 : memref<64xi32, #tpu.memory_space<vmem>>) semaphore(%arg11 : memref<!tpu.dma_semaphore, #tpu.memory_space<semaphore_mem>>)
        %dma_start3A_989 = arith.constant 0 : i32
        %dma_start3A_990 = arith.constant 1 : i32
        %dma_start3A_991 = arith.constant 1 : i32
        %dma_start3A_992 = arith.constant 0 : i32
        %dma_start3A_993 = arith.constant 0 : i32
        %dma_start3A_994 = arith.constant 0 : i32
        %dma_start3A_995 = tpu.memref_slice %arg9[%dma_start3A_990, %dma_start3A_991, %dma_start3A_992, %dma_start3A_993, %dma_start3A_994] : memref<4x2x2x64x64xf32, #tpu.memory_space<vmem>> -> memref<1x1x1x64x64xf32, #tpu.memory_space<vmem>>
        %dma_start3A_996 = tpu.memref_squeeze %dma_start3A_995 : memref<1x1x1x64x64xf32, #tpu.memory_space<vmem>> -> memref<64x64xf32, #tpu.memory_space<vmem>>
        %dma_start3A_997 = arith.constant 0 : i32
        %dma_start3A_998 = tpu.memref_slice %arg8[%add3A_960, %dma_start3A_989, %dma_start3A_997] : memref<64x2x64xi32, #tpu.memory_space<vmem>> -> memref<1x1x64xi32, #tpu.memory_space<vmem>>
        %dma_start3A_999 = tpu.memref_squeeze %dma_start3A_998 : memref<1x1x64xi32, #tpu.memory_space<vmem>> -> memref<64xi32, #tpu.memory_space<vmem>>
        %dma_start3A_1000 = arith.constant 0 : i32
        %dma_start3A_1001 = arith.constant 0 : i32
        %dma_start3A_1002 = tpu.memref_slice %arg4[%dma_start3A_1000, %dma_start3A_1001] : memref<524288x64xf32, #tpu.memory_space<hbm>> -> memref<524288x64xf32, #tpu.memory_space<hbm>>
        tpu.enqueue_indirect_dma source(%dma_start3A_1002 : memref<524288x64xf32, #tpu.memory_space<hbm>>) target(%dma_start3A_996 : memref<64x64xf32, #tpu.memory_space<vmem>>) offsets(%dma_start3A_999 : memref<64xi32, #tpu.memory_space<vmem>>) semaphore(%arg11 : memref<!tpu.dma_semaphore, #tpu.memory_space<semaphore_mem>>)
        %dma_start3A_1003 = arith.constant 1 : i32
        %dma_start3A_1004 = arith.constant 1 : i32
        %dma_start3A_1005 = arith.constant 1 : i32
        %dma_start3A_1006 = arith.constant 1 : i32
        %dma_start3A_1007 = arith.constant 0 : i32
        %dma_start3A_1008 = arith.constant 0 : i32
        %dma_start3A_1009 = tpu.memref_slice %arg9[%dma_start3A_1004, %dma_start3A_1005, %dma_start3A_1006, %dma_start3A_1007, %dma_start3A_1008] : memref<4x2x2x64x64xf32, #tpu.memory_space<vmem>> -> memref<1x1x1x64x64xf32, #tpu.memory_space<vmem>>
        %dma_start3A_1010 = tpu.memref_squeeze %dma_start3A_1009 : memref<1x1x1x64x64xf32, #tpu.memory_space<vmem>> -> memref<64x64xf32, #tpu.memory_space<vmem>>
        %dma_start3A_1011 = arith.constant 0 : i32
        %dma_start3A_1012 = tpu.memref_slice %arg8[%add3A_960, %dma_start3A_1003, %dma_start3A_1011] : memref<64x2x64xi32, #tpu.memory_space<vmem>> -> memref<1x1x64xi32, #tpu.memory_space<vmem>>
        %dma_start3A_1013 = tpu.memref_squeeze %dma_start3A_1012 : memref<1x1x64xi32, #tpu.memory_space<vmem>> -> memref<64xi32, #tpu.memory_space<vmem>>
        %dma_start3A_1014 = arith.constant 0 : i32
        %dma_start3A_1015 = arith.constant 0 : i32
        %dma_start3A_1016 = tpu.memref_slice %arg4[%dma_start3A_1014, %dma_start3A_1015] : memref<524288x64xf32, #tpu.memory_space<hbm>> -> memref<524288x64xf32, #tpu.memory_space<hbm>>
        tpu.enqueue_indirect_dma source(%dma_start3A_1016 : memref<524288x64xf32, #tpu.memory_space<hbm>>) target(%dma_start3A_1010 : memref<64x64xf32, #tpu.memory_space<vmem>>) offsets(%dma_start3A_1013 : memref<64xi32, #tpu.memory_space<vmem>>) semaphore(%arg11 : memref<!tpu.dma_semaphore, #tpu.memory_space<semaphore_mem>>)
      } else {
      }
    }
    %scan3A_138 = arith.constant 16 : i32
    %mul3A_139 = arith.constant 8 : i32
    %mul3A_140 = arith.muli %add3A, %mul3A_139 : i32
    %add3A_141 = arith.constant 7 : i32
    %add3A_142 = arith.addi %mul3A_140, %add3A_141 : i32
    %dma_wait3A = arith.constant 7 : i32
    %dma_wait3A_143 = arith.constant 0 : i32
    %dma_wait3A_144 = arith.constant 0 : i32
    %dma_wait3A_145 = arith.constant 0 : i32
    %dma_wait3A_146 = arith.constant 0 : i32
    %dma_wait3A_147 = arith.constant 0 : i32
    %dma_wait3A_148 = tpu.memref_slice %arg9[%dma_wait3A_143, %dma_wait3A_144, %dma_wait3A_145, %dma_wait3A_146, %dma_wait3A_147] : memref<4x2x2x64x64xf32, #tpu.memory_space<vmem>> -> memref<1x1x2x64x64xf32, #tpu.memory_space<vmem>>
    %dma_wait3A_149 = tpu.memref_squeeze %dma_wait3A_148 : memref<1x1x2x64x64xf32, #tpu.memory_space<vmem>> -> memref<2x64x64xf32, #tpu.memory_space<vmem>>
    %dma_wait3A_150 = arith.constant 0 : i32
    %dma_wait3A_151 = arith.constant 0 : i32
    %dma_wait3A_152 = arith.constant 0 : i32
    %dma_wait3A_153 = tpu.memref_slice %arg5[%add3A_142, %dma_wait3A_150, %dma_wait3A_151, %dma_wait3A, %dma_wait3A_152] : memref<256x2x64x8x128xf32, #tpu.memory_space<hbm>> -> memref<1x2x64x1x64xf32, #tpu.memory_space<hbm>>
    %dma_wait3A_154 = tpu.memref_squeeze %dma_wait3A_153 : memref<1x2x64x1x64xf32, #tpu.memory_space<hbm>> -> memref<2x64x64xf32, #tpu.memory_space<hbm>>
    %dma_wait3A_155 = arith.constant 0 : i32
    %dma_wait3A_156 = arith.constant 0 : i32
    %dma_wait3A_157 = arith.constant 0 : i32
    %dma_wait3A_158 = tpu.memref_slice %arg9[%dma_wait3A_143, %dma_wait3A_144, %dma_wait3A_155, %dma_wait3A_156, %dma_wait3A_157] : memref<4x2x2x64x64xf32, #tpu.memory_space<vmem>> -> memref<1x1x2x64x64xf32, #tpu.memory_space<vmem>>
    %dma_wait3A_159 = tpu.memref_squeeze %dma_wait3A_158 : memref<1x1x2x64x64xf32, #tpu.memory_space<vmem>> -> memref<2x64x64xf32, #tpu.memory_space<vmem>>
    %dma_wait3A_160 = arith.constant 0 : i32
    %dma_wait3A_161 = arith.constant 0 : i32
    %dma_wait3A_162 = arith.constant 0 : i32
    %dma_wait3A_163 = tpu.memref_slice %arg5[%add3A_142, %dma_wait3A_160, %dma_wait3A_161, %dma_wait3A, %dma_wait3A_162] : memref<256x2x64x8x128xf32, #tpu.memory_space<hbm>> -> memref<1x2x64x1x64xf32, #tpu.memory_space<hbm>>
    %dma_wait3A_164 = tpu.memref_squeeze %dma_wait3A_163 : memref<1x2x64x1x64xf32, #tpu.memory_space<hbm>> -> memref<2x64x64xf32, #tpu.memory_space<hbm>>
    tpu.wait_dma2 semaphore(%arg12 : memref<!tpu.dma_semaphore, #tpu.memory_space<semaphore_mem>>) src(%dma_wait3A_164 : memref<2x64x64xf32, #tpu.memory_space<hbm>>) dst(%dma_wait3A_159 : memref<2x64x64xf32, #tpu.memory_space<vmem>>)
    %dma_wait3A_165 = arith.constant 7 : i32
    %dma_wait3A_166 = arith.constant 0 : i32
    %dma_wait3A_167 = arith.constant 1 : i32
    %dma_wait3A_168 = arith.constant 0 : i32
    %dma_wait3A_169 = arith.constant 0 : i32
    %dma_wait3A_170 = arith.constant 0 : i32
    %dma_wait3A_171 = tpu.memref_slice %arg9[%dma_wait3A_166, %dma_wait3A_167, %dma_wait3A_168, %dma_wait3A_169, %dma_wait3A_170] : memref<4x2x2x64x64xf32, #tpu.memory_space<vmem>> -> memref<1x1x2x64x64xf32, #tpu.memory_space<vmem>>
    %dma_wait3A_172 = tpu.memref_squeeze %dma_wait3A_171 : memref<1x1x2x64x64xf32, #tpu.memory_space<vmem>> -> memref<2x64x64xf32, #tpu.memory_space<vmem>>
    %dma_wait3A_173 = arith.constant 0 : i32
    %dma_wait3A_174 = arith.constant 0 : i32
    %dma_wait3A_175 = arith.constant 0 : i32
    %dma_wait3A_176 = tpu.memref_slice %arg5[%add3A_142, %dma_wait3A_173, %dma_wait3A_174, %dma_wait3A_165, %dma_wait3A_175] : memref<256x2x64x8x128xf32, #tpu.memory_space<hbm>> -> memref<1x2x64x1x64xf32, #tpu.memory_space<hbm>>
    %dma_wait3A_177 = tpu.memref_squeeze %dma_wait3A_176 : memref<1x2x64x1x64xf32, #tpu.memory_space<hbm>> -> memref<2x64x64xf32, #tpu.memory_space<hbm>>
    %dma_wait3A_178 = arith.constant 0 : i32
    %dma_wait3A_179 = arith.constant 0 : i32
    %dma_wait3A_180 = arith.constant 0 : i32
    %dma_wait3A_181 = tpu.memref_slice %arg9[%dma_wait3A_166, %dma_wait3A_167, %dma_wait3A_178, %dma_wait3A_179, %dma_wait3A_180] : memref<4x2x2x64x64xf32, #tpu.memory_space<vmem>> -> memref<1x1x2x64x64xf32, #tpu.memory_space<vmem>>
    %dma_wait3A_182 = tpu.memref_squeeze %dma_wait3A_181 : memref<1x1x2x64x64xf32, #tpu.memory_space<vmem>> -> memref<2x64x64xf32, #tpu.memory_space<vmem>>
    %dma_wait3A_183 = arith.constant 0 : i32
    %dma_wait3A_184 = arith.constant 0 : i32
    %dma_wait3A_185 = arith.constant 0 : i32
    %dma_wait3A_186 = tpu.memref_slice %arg5[%add3A_142, %dma_wait3A_183, %dma_wait3A_184, %dma_wait3A_165, %dma_wait3A_185] : memref<256x2x64x8x128xf32, #tpu.memory_space<hbm>> -> memref<1x2x64x1x64xf32, #tpu.memory_space<hbm>>
    %dma_wait3A_187 = tpu.memref_squeeze %dma_wait3A_186 : memref<1x2x64x1x64xf32, #tpu.memory_space<hbm>> -> memref<2x64x64xf32, #tpu.memory_space<hbm>>
    tpu.wait_dma2 semaphore(%arg12 : memref<!tpu.dma_semaphore, #tpu.memory_space<semaphore_mem>>) src(%dma_wait3A_187 : memref<2x64x64xf32, #tpu.memory_space<hbm>>) dst(%dma_wait3A_182 : memref<2x64x64xf32, #tpu.memory_space<vmem>>)
    %dma_wait3A_188 = arith.constant 7 : i32
    %dma_wait3A_189 = arith.constant 1 : i32
    %dma_wait3A_190 = arith.constant 0 : i32
    %dma_wait3A_191 = arith.constant 0 : i32
    %dma_wait3A_192 = arith.constant 0 : i32
    %dma_wait3A_193 = arith.constant 0 : i32
    %dma_wait3A_194 = tpu.memref_slice %arg9[%dma_wait3A_189, %dma_wait3A_190, %dma_wait3A_191, %dma_wait3A_192, %dma_wait3A_193] : memref<4x2x2x64x64xf32, #tpu.memory_space<vmem>> -> memref<1x1x2x64x64xf32, #tpu.memory_space<vmem>>
    %dma_wait3A_195 = tpu.memref_squeeze %dma_wait3A_194 : memref<1x1x2x64x64xf32, #tpu.memory_space<vmem>> -> memref<2x64x64xf32, #tpu.memory_space<vmem>>
    %dma_wait3A_196 = arith.constant 0 : i32
    %dma_wait3A_197 = arith.constant 0 : i32
    %dma_wait3A_198 = arith.constant 0 : i32
    %dma_wait3A_199 = tpu.memref_slice %arg5[%add3A_142, %dma_wait3A_196, %dma_wait3A_197, %dma_wait3A_188, %dma_wait3A_198] : memref<256x2x64x8x128xf32, #tpu.memory_space<hbm>> -> memref<1x2x64x1x64xf32, #tpu.memory_space<hbm>>
    %dma_wait3A_200 = tpu.memref_squeeze %dma_wait3A_199 : memref<1x2x64x1x64xf32, #tpu.memory_space<hbm>> -> memref<2x64x64xf32, #tpu.memory_space<hbm>>
    %dma_wait3A_201 = arith.constant 0 : i32
    %dma_wait3A_202 = arith.constant 0 : i32
    %dma_wait3A_203 = arith.constant 0 : i32
    %dma_wait3A_204 = tpu.memref_slice %arg9[%dma_wait3A_189, %dma_wait3A_190, %dma_wait3A_201, %dma_wait3A_202, %dma_wait3A_203] : memref<4x2x2x64x64xf32, #tpu.memory_space<vmem>> -> memref<1x1x2x64x64xf32, #tpu.memory_space<vmem>>
    %dma_wait3A_205 = tpu.memref_squeeze %dma_wait3A_204 : memref<1x1x2x64x64xf32, #tpu.memory_space<vmem>> -> memref<2x64x64xf32, #tpu.memory_space<vmem>>
    %dma_wait3A_206 = arith.constant 0 : i32
    %dma_wait3A_207 = arith.constant 0 : i32
    %dma_wait3A_208 = arith.constant 0 : i32
    %dma_wait3A_209 = tpu.memref_slice %arg5[%add3A_142, %dma_wait3A_206, %dma_wait3A_207, %dma_wait3A_188, %dma_wait3A_208] : memref<256x2x64x8x128xf32, #tpu.memory_space<hbm>> -> memref<1x2x64x1x64xf32, #tpu.memory_space<hbm>>
    %dma_wait3A_210 = tpu.memref_squeeze %dma_wait3A_209 : memref<1x2x64x1x64xf32, #tpu.memory_space<hbm>> -> memref<2x64x64xf32, #tpu.memory_space<hbm>>
    tpu.wait_dma2 semaphore(%arg12 : memref<!tpu.dma_semaphore, #tpu.memory_space<semaphore_mem>>) src(%dma_wait3A_210 : memref<2x64x64xf32, #tpu.memory_space<hbm>>) dst(%dma_wait3A_205 : memref<2x64x64xf32, #tpu.memory_space<vmem>>)
    %dma_wait3A_211 = arith.constant 7 : i32
    %dma_wait3A_212 = arith.constant 1 : i32
    %dma_wait3A_213 = arith.constant 1 : i32
    %dma_wait3A_214 = arith.constant 0 : i32
    %dma_wait3A_215 = arith.constant 0 : i32
    %dma_wait3A_216 = arith.constant 0 : i32
    %dma_wait3A_217 = tpu.memref_slice %arg9[%dma_wait3A_212, %dma_wait3A_213, %dma_wait3A_214, %dma_wait3A_215, %dma_wait3A_216] : memref<4x2x2x64x64xf32, #tpu.memory_space<vmem>> -> memref<1x1x2x64x64xf32, #tpu.memory_space<vmem>>
    %dma_wait3A_218 = tpu.memref_squeeze %dma_wait3A_217 : memref<1x1x2x64x64xf32, #tpu.memory_space<vmem>> -> memref<2x64x64xf32, #tpu.memory_space<vmem>>
    %dma_wait3A_219 = arith.constant 0 : i32
    %dma_wait3A_220 = arith.constant 0 : i32
    %dma_wait3A_221 = arith.constant 0 : i32
    %dma_wait3A_222 = tpu.memref_slice %arg5[%add3A_142, %dma_wait3A_219, %dma_wait3A_220, %dma_wait3A_211, %dma_wait3A_221] : memref<256x2x64x8x128xf32, #tpu.memory_space<hbm>> -> memref<1x2x64x1x64xf32, #tpu.memory_space<hbm>>
    %dma_wait3A_223 = tpu.memref_squeeze %dma_wait3A_222 : memref<1x2x64x1x64xf32, #tpu.memory_space<hbm>> -> memref<2x64x64xf32, #tpu.memory_space<hbm>>
    %dma_wait3A_224 = arith.constant 0 : i32
    %dma_wait3A_225 = arith.constant 0 : i32
    %dma_wait3A_226 = arith.constant 0 : i32
    %dma_wait3A_227 = tpu.memref_slice %arg9[%dma_wait3A_212, %dma_wait3A_213, %dma_wait3A_224, %dma_wait3A_225, %dma_wait3A_226] : memref<4x2x2x64x64xf32, #tpu.memory_space<vmem>> -> memref<1x1x2x64x64xf32, #tpu.memory_space<vmem>>
    %dma_wait3A_228 = tpu.memref_squeeze %dma_wait3A_227 : memref<1x1x2x64x64xf32, #tpu.memory_space<vmem>> -> memref<2x64x64xf32, #tpu.memory_space<vmem>>
    %dma_wait3A_229 = arith.constant 0 : i32
    %dma_wait3A_230 = arith.constant 0 : i32
    %dma_wait3A_231 = arith.constant 0 : i32
    %dma_wait3A_232 = tpu.memref_slice %arg5[%add3A_142, %dma_wait3A_229, %dma_wait3A_230, %dma_wait3A_211, %dma_wait3A_231] : memref<256x2x64x8x128xf32, #tpu.memory_space<hbm>> -> memref<1x2x64x1x64xf32, #tpu.memory_space<hbm>>
    %dma_wait3A_233 = tpu.memref_squeeze %dma_wait3A_232 : memref<1x2x64x1x64xf32, #tpu.memory_space<hbm>> -> memref<2x64x64xf32, #tpu.memory_space<hbm>>
    tpu.wait_dma2 semaphore(%arg12 : memref<!tpu.dma_semaphore, #tpu.memory_space<semaphore_mem>>) src(%dma_wait3A_233 : memref<2x64x64xf32, #tpu.memory_space<hbm>>) dst(%dma_wait3A_228 : memref<2x64x64xf32, #tpu.memory_space<vmem>>)
    %eq3A_234 = arith.constant 0 : i32
    %eq3A_235 = arith.cmpi eq, %add3A, %eq3A_234 : i32
    %convert_element_type3A_236 = arith.extui %eq3A_235 : i1 to i32
    %cond3A_237 = arith.constant 0 : i32
    %cond3A_238 = arith.cmpi ne, %convert_element_type3A_236, %cond3A_237 : i32
    scf.if %cond3A_238 {
      %run_scoped3A = arith.constant 0 : i32
      %run_scoped3A_239 = arith.constant 0 : i32
      %run_scoped3A_240 = arith.constant 0 : i32
      "tpu.region"() ({
        %run_scoped3A_247 = tpu.sem_alloc : memref<!tpu.dma_semaphore, #tpu.memory_space<semaphore_mem>>
        %dma_start3A_248 = arith.constant 0 : i32
        %dma_start3A_249 = arith.constant 0 : i32
        %dma_start3A_250 = tpu.memref_slice %arg5[%run_scoped3A, %run_scoped3A_239, %dma_start3A_248, %run_scoped3A_240, %dma_start3A_249] : memref<256x2x64x8x128xf32, #tpu.memory_space<hbm>> -> memref<1x1x64x1x128xf32, #tpu.memory_space<hbm>>
        %dma_start3A_251 = tpu.memref_squeeze %dma_start3A_250 : memref<1x1x64x1x128xf32, #tpu.memory_space<hbm>> -> memref<64x128xf32, #tpu.memory_space<hbm>>
        %dma_start3A_252 = arith.constant 0 : i32
        %dma_start3A_253 = arith.constant 0 : i32
        %dma_start3A_254 = tpu.memref_slice %arg5[%run_scoped3A, %run_scoped3A_239, %dma_start3A_252, %run_scoped3A_240, %dma_start3A_253] : memref<256x2x64x8x128xf32, #tpu.memory_space<hbm>> -> memref<1x1x64x1x128xf32, #tpu.memory_space<hbm>>
        %dma_start3A_255 = tpu.memref_squeeze %dma_start3A_254 : memref<1x1x64x1x128xf32, #tpu.memory_space<hbm>> -> memref<64x128xf32, #tpu.memory_space<hbm>>
        tpu.enqueue_dma source(%arg10 : memref<64x128xf32, #tpu.memory_space<vmem>>) target(%dma_start3A_255 : memref<64x128xf32, #tpu.memory_space<hbm>>) target_semaphore(%run_scoped3A_247 : memref<!tpu.dma_semaphore, #tpu.memory_space<semaphore_mem>>)
        %dma_wait3A_256 = arith.constant 0 : i32
        %dma_wait3A_257 = arith.constant 0 : i32
        %dma_wait3A_258 = tpu.memref_slice %arg5[%run_scoped3A, %run_scoped3A_239, %dma_wait3A_256, %run_scoped3A_240, %dma_wait3A_257] : memref<256x2x64x8x128xf32, #tpu.memory_space<hbm>> -> memref<1x1x64x1x128xf32, #tpu.memory_space<hbm>>
        %dma_wait3A_259 = tpu.memref_squeeze %dma_wait3A_258 : memref<1x1x64x1x128xf32, #tpu.memory_space<hbm>> -> memref<64x128xf32, #tpu.memory_space<hbm>>
        %dma_wait3A_260 = arith.constant 0 : i32
        %dma_wait3A_261 = arith.constant 0 : i32
        %dma_wait3A_262 = tpu.memref_slice %arg5[%run_scoped3A, %run_scoped3A_239, %dma_wait3A_260, %run_scoped3A_240, %dma_wait3A_261] : memref<256x2x64x8x128xf32, #tpu.memory_space<hbm>> -> memref<1x1x64x1x128xf32, #tpu.memory_space<hbm>>
        %dma_wait3A_263 = tpu.memref_squeeze %dma_wait3A_262 : memref<1x1x64x1x128xf32, #tpu.memory_space<hbm>> -> memref<64x128xf32, #tpu.memory_space<hbm>>
        tpu.wait_dma2 semaphore(%run_scoped3A_247 : memref<!tpu.dma_semaphore, #tpu.memory_space<semaphore_mem>>) src(%arg10 : memref<64x128xf32, #tpu.memory_space<vmem>>) dst(%dma_wait3A_263 : memref<64x128xf32, #tpu.memory_space<hbm>>)
        tpu.yield
      }) : () -> ()
      %run_scoped3A_241 = arith.constant 0 : i32
      %run_scoped3A_242 = arith.constant 1 : i32
      %run_scoped3A_243 = arith.constant 0 : i32
      "tpu.region"() ({
        %run_scoped3A_247 = tpu.sem_alloc : memref<!tpu.dma_semaphore, #tpu.memory_space<semaphore_mem>>
        %dma_start3A_248 = arith.constant 0 : i32
        %dma_start3A_249 = arith.constant 0 : i32
        %dma_start3A_250 = tpu.memref_slice %arg5[%run_scoped3A_241, %run_scoped3A_242, %dma_start3A_248, %run_scoped3A_243, %dma_start3A_249] : memref<256x2x64x8x128xf32, #tpu.memory_space<hbm>> -> memref<1x1x64x1x128xf32, #tpu.memory_space<hbm>>
        %dma_start3A_251 = tpu.memref_squeeze %dma_start3A_250 : memref<1x1x64x1x128xf32, #tpu.memory_space<hbm>> -> memref<64x128xf32, #tpu.memory_space<hbm>>
        %dma_start3A_252 = arith.constant 0 : i32
        %dma_start3A_253 = arith.constant 0 : i32
        %dma_start3A_254 = tpu.memref_slice %arg5[%run_scoped3A_241, %run_scoped3A_242, %dma_start3A_252, %run_scoped3A_243, %dma_start3A_253] : memref<256x2x64x8x128xf32, #tpu.memory_space<hbm>> -> memref<1x1x64x1x128xf32, #tpu.memory_space<hbm>>
        %dma_start3A_255 = tpu.memref_squeeze %dma_start3A_254 : memref<1x1x64x1x128xf32, #tpu.memory_space<hbm>> -> memref<64x128xf32, #tpu.memory_space<hbm>>
        tpu.enqueue_dma source(%arg10 : memref<64x128xf32, #tpu.memory_space<vmem>>) target(%dma_start3A_255 : memref<64x128xf32, #tpu.memory_space<hbm>>) target_semaphore(%run_scoped3A_247 : memref<!tpu.dma_semaphore, #tpu.memory_space<semaphore_mem>>)
        %dma_wait3A_256 = arith.constant 0 : i32
        %dma_wait3A_257 = arith.constant 0 : i32
        %dma_wait3A_258 = tpu.memref_slice %arg5[%run_scoped3A_241, %run_scoped3A_242, %dma_wait3A_256, %run_scoped3A_243, %dma_wait3A_257] : memref<256x2x64x8x128xf32, #tpu.memory_space<hbm>> -> memref<1x1x64x1x128xf32, #tpu.memory_space<hbm>>
        %dma_wait3A_259 = tpu.memref_squeeze %dma_wait3A_258 : memref<1x1x64x1x128xf32, #tpu.memory_space<hbm>> -> memref<64x128xf32, #tpu.memory_space<hbm>>
        %dma_wait3A_260 = arith.constant 0 : i32
        %dma_wait3A_261 = arith.constant 0 : i32
        %dma_wait3A_262 = tpu.memref_slice %arg5[%run_scoped3A_241, %run_scoped3A_242, %dma_wait3A_260, %run_scoped3A_243, %dma_wait3A_261] : memref<256x2x64x8x128xf32, #tpu.memory_space<hbm>> -> memref<1x1x64x1x128xf32, #tpu.memory_space<hbm>>
        %dma_wait3A_263 = tpu.memref_squeeze %dma_wait3A_262 : memref<1x1x64x1x128xf32, #tpu.memory_space<hbm>> -> memref<64x128xf32, #tpu.memory_space<hbm>>
        tpu.wait_dma2 semaphore(%run_scoped3A_247 : memref<!tpu.dma_semaphore, #tpu.memory_space<semaphore_mem>>) src(%arg10 : memref<64x128xf32, #tpu.memory_space<vmem>>) dst(%dma_wait3A_263 : memref<64x128xf32, #tpu.memory_space<hbm>>)
        tpu.yield
      }) : () -> ()
      %run_scoped3A_244 = arith.constant 0 : i32
      %run_scoped3A_245 = arith.constant 1 : i32
      %run_scoped3A_246 = arith.constant 1 : i32
      "tpu.region"() ({
        %run_scoped3A_247 = tpu.sem_alloc : memref<!tpu.dma_semaphore, #tpu.memory_space<semaphore_mem>>
        %dma_start3A_248 = arith.constant 0 : i32
        %dma_start3A_249 = arith.constant 0 : i32
        %dma_start3A_250 = tpu.memref_slice %arg5[%run_scoped3A_244, %run_scoped3A_245, %dma_start3A_248, %run_scoped3A_246, %dma_start3A_249] : memref<256x2x64x8x128xf32, #tpu.memory_space<hbm>> -> memref<1x1x64x1x128xf32, #tpu.memory_space<hbm>>
        %dma_start3A_251 = tpu.memref_squeeze %dma_start3A_250 : memref<1x1x64x1x128xf32, #tpu.memory_space<hbm>> -> memref<64x128xf32, #tpu.memory_space<hbm>>
        %dma_start3A_252 = arith.constant 0 : i32
        %dma_start3A_253 = arith.constant 0 : i32
        %dma_start3A_254 = tpu.memref_slice %arg5[%run_scoped3A_244, %run_scoped3A_245, %dma_start3A_252, %run_scoped3A_246, %dma_start3A_253] : memref<256x2x64x8x128xf32, #tpu.memory_space<hbm>> -> memref<1x1x64x1x128xf32, #tpu.memory_space<hbm>>
        %dma_start3A_255 = tpu.memref_squeeze %dma_start3A_254 : memref<1x1x64x1x128xf32, #tpu.memory_space<hbm>> -> memref<64x128xf32, #tpu.memory_space<hbm>>
        tpu.enqueue_dma source(%arg10 : memref<64x128xf32, #tpu.memory_space<vmem>>) target(%dma_start3A_255 : memref<64x128xf32, #tpu.memory_space<hbm>>) target_semaphore(%run_scoped3A_247 : memref<!tpu.dma_semaphore, #tpu.memory_space<semaphore_mem>>)
        %dma_wait3A_256 = arith.constant 0 : i32
        %dma_wait3A_257 = arith.constant 0 : i32
        %dma_wait3A_258 = tpu.memref_slice %arg5[%run_scoped3A_244, %run_scoped3A_245, %dma_wait3A_256, %run_scoped3A_246, %dma_wait3A_257] : memref<256x2x64x8x128xf32, #tpu.memory_space<hbm>> -> memref<1x1x64x1x128xf32, #tpu.memory_space<hbm>>
        %dma_wait3A_259 = tpu.memref_squeeze %dma_wait3A_258 : memref<1x1x64x1x128xf32, #tpu.memory_space<hbm>> -> memref<64x128xf32, #tpu.memory_space<hbm>>
        %dma_wait3A_260 = arith.constant 0 : i32
        %dma_wait3A_261 = arith.constant 0 : i32
        %dma_wait3A_262 = tpu.memref_slice %arg5[%run_scoped3A_244, %run_scoped3A_245, %dma_wait3A_260, %run_scoped3A_246, %dma_wait3A_261] : memref<256x2x64x8x128xf32, #tpu.memory_space<hbm>> -> memref<1x1x64x1x128xf32, #tpu.memory_space<hbm>>
        %dma_wait3A_263 = tpu.memref_squeeze %dma_wait3A_262 : memref<1x1x64x1x128xf32, #tpu.memory_space<hbm>> -> memref<64x128xf32, #tpu.memory_space<hbm>>
        tpu.wait_dma2 semaphore(%run_scoped3A_247 : memref<!tpu.dma_semaphore, #tpu.memory_space<semaphore_mem>>) src(%arg10 : memref<64x128xf32, #tpu.memory_space<vmem>>) dst(%dma_wait3A_263 : memref<64x128xf32, #tpu.memory_space<hbm>>)
        tpu.yield
      }) : () -> ()
    } else {
    }
    return
  }
}

</mosaic_0001>

<sc_bundles>
// kernel: _run.3.cloned.1.call-start
scs
__scs_entry_jumppad:
0x0: {  	(pc) =	sbr.rel $0x88, $3  }
0x1: {  	(tag) =	ssettag $0x0;
	lr =	simm.s32 $0x1  }
0x2: {  	[smem:$0x3F9E] =	sst lr;
	_ =	strace $0xD0000000  }
0x3: {  	_ = 	snop  }
0x4: {  	_ = 	snop  }
0x5: {  	_ = 	snop  }
0x6: {  	_ = 	snop  }
0x7: {  	_ = 	snop  }
__scs_overlays_trampoline_lowered:
0x8: {  	[smem:$0x3FAD] =	sst s0  }
0x9: {  	[smem:$0x3FAE] =	sst s1  }
0xa: {  	[smem:$0x3FAF] =	sst s2  }
0xb: {  	[smem:$0x3FB0] =	sst s3  }
0xc: {  	[smem:$0x3FB1] =	sst s4  }
0xd: {  	[smem:$0x3FB2] =	sst s5  }
0xe: {  	[smem:$0x3FB3] =	sst s6  }
0xf: {  	[smem:$0x3FB4] =	sst s7  }
0x10: {  	[smem:$0x3FB5] =	sst s8  }
0x11: {  	[smem:$0x3FB6] =	sst s9;
	s0 =	simm.s32 @!p0 $0x0  }
0x12: {  	s1 =	sld [smem:$0x3F9C];
	s0 =	simm.s32 @p0 $0x1  }
0x13: {  	[smem:$0x3FB7] =	sst s0;
	s0 =	simm.s32 @!p1 $0x0  }
0x14: {  	s2 =	sld [smem:$0x3F9B];
	s0 =	simm.s32 @p1 $0x1  }
0x15: {  	[smem:$0x3FB8] =	sst s0;
	s0 =	simm.s32 @!p2 $0x0  }
0x16: {  	s3 =	sld [smem:$0x3FDB];
	s0 =	simm.s32 @p2 $0x1  }
0x17: {  	s4 =	simm.s32 $0x1BF5;
	[smem:$0x3FBA] =	sst s0  }
0x18: {  	s0 =	sld [smem:$0x3F9D];
	_ =	swait.ge [sflag:s4], $0x0  }
0x19: {  	s7 =	sld [smem:$0x3F9E]  }
0x1a: {  	s8 =	sadd.s32 $0xFFFFE003, lr  }
0x1b: {  	s9 =	sadd.s32 $0xFFFFFEF7, lr;
	s5 =	simm.s32 $0xFFFFFFFF;
	p2 =	slt.u32 s8, $0xFFFFF086  }
0x1c: {  	p1 =	slt.u32 s9, $0xF7A;
	s5 =	simm.s32 @!p2 $0x0  }
0x1d: {  	s5 =	simm.s32 @p1 $0x1;
	p0 =	seq.s32 s7, s2  }
0x1e: {  	s7 =	smul.u32 @!p0 $0xF7A, s2;
	p2 =	seq.s32 @!p0 s5, $0x0  }
0x1f: {  	s9 =	smul.u32 $0xF7A, s1;
	s8 =	simm.s32 @!p0 $0x1BF5;
	p2 =	por !p2, p0  }
0x20: {  	[sflag:s8] =	ssyncset.s32 @!p0 $0xFFFFF086;
	s6 =	sadd.s32 @!p0 s3, s7;
	s7 =	simm.s32 @!p0 $0x108  }
0x21: {  	s3 =	sadd.s32 s3, s9;
	s6 =	sadd.s32 @!p0 $0x88, s6;
	s7 =	simm.s32 @p2 $0x1082  }
0x22: {  	[simem:s7], [sflag:s8] =	dma.local @!p0 [hbm:s6], $0xF7A  }
0x23: {  	s9 =	sor.u32 $0xD0000000, s2;
	s6 =	simm.s32 $0x108;
	_ =	swait.ge @!p0 [sflag:s8], $0x0  }
0x24: {  	s3 =	sadd.s32 $0x88, s3;
	s6 =	simm.s32 @!p1 $0x1082;
	[sflag:s4] =	ssyncset.s32 $0xFFFFF086  }
0x25: {  	[simem:s6], [sflag:s4] =	dma.local [hbm:s3], $0xF7A  }
0x26: {  	[smem:$0x3F9E] =	sst s1;
	(tag) =	ssettag s2;
	_ =	strace s9  }
0x27: {  	s1 =	sld [smem:$0x3FAE]  }
0x28: {  	s2 =	sld [smem:$0x3FAF]  }
0x29: {  	s4 =	sld [smem:$0x3FB1]  }
0x2a: {  	p0 =	seq.s32 s5, $0x0;
	s5 =	sld [smem:$0x3FB2]  }
0x2b: {  	s6 =	sld [smem:$0x3FB3]  }
0x2c: {  	s7 =	sld [smem:$0x3FB4]  }
0x2d: {  	s3 =	simm.s32 $0x108;
	s8 =	sld [smem:$0x3FB5]  }
0x2e: {  	s3 =	simm.s32 @!p0 $0x1082;
	s9 =	sld [smem:$0x3FB6]  }
0x2f: {  	lr =	sadd.s32 s0, s3;
	s0 =	sld [smem:$0x3FAD]  }
0x30: {  	s3 =	sld [smem:$0x3FB0]  }
0x31: {  	[smem:$0x3FB9] =	sst s10  }
0x32: {  	s10 =	sld [smem:$0x3FB7];
	_ =	sdelay $0x3  }
0x33: {  	p0 =	seq.s32 s10, $0x1;
	s10 =	sld [smem:$0x3FB9];
	_ =	sdelay $0x3  }
0x34: {  	[smem:$0x3FB9] =	sst s10  }
0x35: {  	s10 =	sld [smem:$0x3FB8];
	_ =	sdelay $0x3  }
0x36: {  	p1 =	seq.s32 s10, $0x1;
	s10 =	sld [smem:$0x3FB9];
	_ =	sdelay $0x3  }
0x37: {  	[smem:$0x3FB9] =	sst s10  }
0x38: {  	s10 =	sld [smem:$0x3FBA]  }
0x39: {  	_ = 	snop;
	(pc) =	sbr.ind lr, $3  }
0x3a: {  	_ = 	snop  }
0x3b: {  	_ = 	snop  }
0x3c: {  	p2 =	seq.s32 s10, $0x1;
	s10 =	sld [smem:$0x3FB9]  }
0x3d: {  	_ =	shalt  }
0x3e: {  	_ =	shalt  }
0x3f: {  	_ =	shalt  }
0x40: {  	_ =	shalt  }
0x41: {  	_ =	shalt  }
0x42: {  	_ =	shalt  }
0x43: {  	_ =	shalt  }
0x44: {  	_ =	shalt  }
0x45: {  	_ =	shalt  }
0x46: {  	_ =	shalt  }
0x47: {  	_ =	shalt  }
0x48: {  	_ =	shalt  }
0x49: {  	_ =	shalt  }
0x4a: {  	_ =	shalt  }
0x4b: {  	_ =	shalt  }
0x4c: {  	_ =	shalt  }
0x4d: {  	_ =	shalt  }
0x4e: {  	_ =	shalt  }
0x4f: {  	_ =	shalt  }
0x50: {  	_ =	shalt  }
0x51: {  	_ =	shalt  }
0x52: {  	_ =	shalt  }
0x53: {  	_ =	shalt  }
0x54: {  	_ =	shalt  }
0x55: {  	_ =	shalt  }
0x56: {  	_ =	shalt  }
0x57: {  	_ =	shalt  }
0x58: {  	_ =	shalt  }
0x59: {  	_ =	shalt  }
0x5a: {  	_ =	shalt  }
0x5b: {  	_ =	shalt  }
0x5c: {  	_ =	shalt  }
0x5d: {  	_ =	shalt  }
0x5e: {  	_ =	shalt  }
0x5f: {  	_ =	shalt  }
0x60: {  	_ =	shalt  }
0x61: {  	_ =	shalt  }
0x62: {  	_ =	shalt  }
0x63: {  	_ =	shalt  }
0x64: {  	_ =	shalt  }
0x65: {  	_ =	shalt  }
0x66: {  	_ =	shalt  }
0x67: {  	_ =	shalt  }
0x68: {  	_ =	shalt  }
0x69: {  	_ =	shalt  }
0x6a: {  	_ =	shalt  }
0x6b: {  	_ =	shalt  }
0x6c: {  	_ =	shalt  }
0x6d: {  	_ =	shalt  }
0x6e: {  	_ =	shalt  }
0x6f: {  	_ =	shalt  }
0x70: {  	_ =	shalt  }
0x71: {  	_ =	shalt  }
0x72: {  	_ =	shalt  }
0x73: {  	_ =	shalt  }
0x74: {  	_ =	shalt  }
0x75: {  	_ =	shalt  }
0x76: {  	_ =	shalt  }
0x77: {  	_ =	shalt  }
0x78: {  	_ =	shalt  }
0x79: {  	_ =	shalt  }
0x7a: {  	_ =	shalt  }
0x7b: {  	_ =	shalt  }
0x7c: {  	_ =	shalt  }
0x7d: {  	_ =	shalt  }
0x7e: {  	_ =	shalt  }
0x7f: {  	_ =	shalt  }
0x80: {  	_ =	shalt  }
0x81: {  	_ =	shalt  }
0x82: {  	_ =	shalt  }
0x83: {  	_ =	shalt  }
0x84: {  	_ =	shalt  }
0x85: {  	_ =	shalt  }
0x86: {  	_ =	shalt  }
0x87: {  	_ =	shalt  }
.Lfunc_end0:
.L_simem_size_0:
called_computation_lowered:
.L_overlay_start_0:
0x88: {  	s2 =	sld [smem:$0x3FD9]  }
0x89: {  	s3 =	sld [smem:$0x3FFE];
	_ =	sdelay $0x1  }
0x8a: {  	s1 =	srdreg.scid  }
0x8b: {  	s0 =	sand.u32 $0x1, s1  }
0x8c: {  	s17 =	sshll.u32 s0, $0xA;
	s2 =	sadd.s32 s3, s2  }
0x8d: {  	s2 =	sadd.s32 s2, s17  }
0x8e: {  	[smem:$0x3FC5] =	sst s2  }
0x8f: {  	_ = 	snop  }
0x90: {  	s2 =	sld [smem:$0x3FC9]  }
0x91: {  	s18 =	sld [smem:$0x3FD0];
	(tm) =	ssettm $0x1  }
0x92: {  	s4 =	sld [smem:$0x3FFB];
	_ =	sdelay $0x3  }
0x93: {  	_ =	strace s4  }
0x94: {  	s4 =	sld [smem:$0x3FFC];
	_ =	sdelay $0x3  }
0x95: {  	_ =	strace s4  }
0x96: {  	s4 =	sld [smem:$0x3FFD];
	_ =	sdelay $0x3  }
0x97: {  	_ =	strace s4  }
0x98: {  	_ =	strace $0x8FFFFFFF  }
0x99: {  	s19 =	sld [smem:$0x3FDB];
	_ =	sdelay $0x1  }
0x9a: {  	s5 =	simm.s32 $_scs_section_size  }
0x9b: {  	s6 =	simm.s32 $_size__tile_overlayer_lowered;
	s7 =	simm.s32 $_tile_overlayer_lowered  }
0x9c: {  	s22 =	simm.s32 $0x1BFF;
	s21 =	sshll.u32 s7, $0x1;
	s4 =	sadd.s32 s5, s19  }
0x9d: {  	s8 =	simm.s32 $0x0;
	s20 =	sshll.u32 s6, $0x1;
	s6 =	sadd.s32 s21, s4  }
0x9e: {  	[timem:s8], [sflag:s22] =	dma.local [hbm:s6], s20  }
0x9f: {  	_ =	swait.ge [sflag:s22], s20  }
0xa0: {  	s5 =	ssub.s32 $0x0, s20;
	[sflag:s22] =	ssyncset.done $0x0  }
0xa1: {  	[sflag:s22] =	ssyncadd.s32 s5;
	_ =	sdelay $0x1  }
0xa2: {  	s23 =	simm.s32 $0x1B8B  }
0xa3: {  	_ =	swait.ge [sflag:s23], $0x1  }
0xa4: {  	[sflag:s23] =	ssyncset.done $0x0  }
0xa5: {  	s25 =	simm.s32 $0x1B8E;
	s24 =	sld [smem:$0x3FFE];
	[sflag:s23] =	ssyncadd.s32 $0xFFFFFFFF  }
0xa6: {  	s26 =	simm.s32 $execute0_lowered;
	[smem:$0x3FD2] =	sst s25  }
0xa7: {  	s6 =	sshll.u32 s26, $0x1;
	_ =	strace $0x80000046;
	[dreg:$0x1] =	wrdreg $0xFFFFFFFF  }
0xa8: {  	s28 =	simm.s32 $_size_execute0_lowered;
	s4 =	sadd.s32 s4, s6;
	[dreg:$0x0] =	wrdreg $0x0  }
0xa9: {  	s6 =	sshll.u32 s28, $0x1;
	[dreg:$0x2] =	wrdreg s4  }
0xaa: {  	[dreg:$0x3] =	wrdreg s6  }
0xab: {  	[dreg:$0x4] =	wrdreg $0xC0  }
0xac: {  	_ =	task [dreg:s8], $0x5FFFF  }
0xad: {  	[dreg:$0x1] =	wrdreg $0xFFFFFFFF  }
0xae: {  	[dreg:$0x0] =	wrdreg $0x60  }
0xaf: {  	[dreg:$0x2] =	wrdreg s2  }
0xb0: {  	[dreg:$0x3] =	wrdreg s24  }
0xb1: {  	[dreg:$0x4] =	wrdreg s18  }
0xb2: {  	[dreg:$0x5] =	wrdreg $0x9  }
0xb3: {  	_ =	task.clear_ibuf [dreg:s8], $0x6FFFF;
	_ =	strace $0x90000046  }
0xb4: {  	s29 =	simm.s32 $0x9;
	_ =	strace $0x80000048  }
0xb5: {  	_ =	swait.ge [sflag:s29], $0x1  }
0xb6: {  	[sflag:s29] =	ssyncadd.s32 $0xFFFFFFFF  }
0xb7: {  	_ =	strace $0x90000048  }
0xb8: {  	_ =	sfence  }
0xb9: {  	s30 =	sld [smem:$0x0];
	_ =	sdelay $0x2  }
0xba: {  	s31 =	sshll.u32 s1, $0xD;
	s1 =	sshrl.u32 s1, $0x2  }
0xbb: {  	s3 =	sand.u32 $0x4000, s31;
	s1 =	sadd.s32 s1, s30  }
0xbc: {  	s0 =	sor.u32 s3, s0;
	s1 =	sshll.u32 s1, $0x11  }
0xbd: {  	s0 =	sor.u32 s1, s0  }
0xbe: {  	s0 =	sadd.s32 $0x8F2B, s0  }
0xbf: {  	[sflag:s0] =	ssyncadd.remote.s32 $0x1  }
0xc0: {  	_ =	sfence.sel $0xFFFF  }
0xc1: {  	[dreg:$0x0] =	wrdreg $0xFFFFFFFF;
	(pc) =	sbr.abs _section_cstart, $3  }
0xc2: {  	[dreg:$0x1] =	wrdreg $0xFFFFFFFF  }
0xc3: {  	_ =	task.clear_ibuf [dreg:s8], $0x2FFFF;
	_ =	strace $0x9FFFFFFF  }
0xc4: {  	(tm) =	ssettm $0x7FFFFFFF  }
0xc5: {  	_ =	shalt  }
tec
execute0_lowered:
.L_overlay_start_1:
0x0: {  	(tag) =	ssettag $0x1  }
0x1: {  	s0 =	rddreg [dreg:$0x0]  }
0x2: {  	s1 =	rddreg [dreg:$0x1]  }
0x3: {  	s3 =	srdreg.scid;
	s11 =	stileid.u32  }
0x4: {  	s2 =	rddreg [dreg:$0x2];
	s15 =	simm.s32 $0x40;
	s29 =	simm.s32 $0xD100  }
0x5: {  	s16 =	simm.s32 $0x400;
	s12 =	simm.s32 $0x11100;
	s6 =	sand.u32 $0x1, s3  }
0x6: {  	s4 =	sshll.u32 s11, $0x1;
	s3 =	simm.s32 $0x0;
	s25 =	sadd.s32 $0x8, s2  }
0x7: {  	s26 =	sadd.s32 $0x2000, s2;
	s28 =	sshll.u32 s11, $0xE;
	s30 =	sadd.s32 $0x2008, s2  }
0x8: {  	s31 =	sadd.s32 $0x2010, s2;
	s2 =	simm.s32 $0x0;
	[smem:$0x7FF] =	sst s3  }
0x9: {  	s11 =	simm.s32 $0x10100;
	_ =	strace $0x80000047;
	[dreg:$0x8] =	wrdreg s25  }
0xa: {  	v2 =	vlaneseq.u32;
	s7 =	sor.u32 s6, s4;
	s8 =	ssub.s32 $0x2, s6;
	[dreg:$0xa] =	wrdreg s26  }
0xb: {  	v0 =	vmul.u32 $0x2, v2;
	s6 =	sshll.u32 s6, $0xD;
	s4 =	sshll.u32 s7, $0xD;
	[dreg:$0x9] =	wrdreg s30  }
0xc: {  	v1 =	vmul.u32 $0x200, v2;
	v2 =	vmul.u32 $0x2000, v2;
	s9 =	sshrl.u32 s8, $0x1;
	s24 =	sshll.u32 s7, $0x14;
	[dreg:$0x6] =	wrdreg s31  }
0xd: {  	v19 =	vimm.f32 $0.0e+00;
	v3 =	vor.u32 $0xFFFFFF80, v0;
	s5 =	smax.u32 s4, $0x100;
	s4 =	sadd.s32 $0x600, s1;
	s22 =	ssub.s32 s8, s9  }
.Ltmp0:
0xe: {  	v4 =	vor.u32 $0xFFFFFF00, v0;
	v5 =	vor.u32 $0x2000, v1;
	v6 =	vor.u32 $0x20000, v2;
	[dreg:$0x5] =	wrdreg s24;
	s10 =	sadd.s32 $0xFFFFFF00, s5;
	(pc) =	sbr.rel .LBB2_1-.Ltmp0, $4  }
0xf: {  	v7 =	vor.u32 $0x4000, v1;
	v8 =	vor.u32 $0x40000, v2;
	v9 =	vor.u32 $0x6000, v1;
	s5 =	sadd.s32 $0x800600, s1;
	s1 =	smax.u32 s22, $0x1;
	s23 =	sshrl.u32 s10, $0x3  }
0x10: {  	p0 =	sne.s32 s7, $0x0;
	v10 =	vor.u32 $0x60000, v2;
	v11 =	vor.u32 $0x100, v1;
	v12 =	vor.u32 $0x1000, v2;
	[dreg:$0x7] =	wrdreg s1;
	s0 =	sadd.s32 s0, s23  }
0x11: {  	s26 =	simm.s32 $0xC100;
	v13 =	vor.u32 $0x2100, v1;
	v14 =	vor.u32 $0x21000, v2;
	v15 =	vor.u32 $0x4100, v1;
	[dreg:$0x4] =	wrdreg s0;
	s0 =	sor.u32 s6, s28  }
0x12: {  	v16 =	vor.u32 $0x41000, v2;
	v17 =	vor.u32 $0x6100, v1;
	v18 =	vor.u32 $0x61000, v2;
	s6 =	simm.s32 $0x2140;
	s13 =	smin.u32 s0, $0x100;
	s0 =	simm.s32 $0x1  }
.LBB2_10:
0x13: {  	s1 =	simm.s32 $0x2  }
0x14: {  	_ =	swait.ge [sflag:s1], $0x2000  }
0x15: {  	[sflag:s1] =	ssyncset.done $0x0  }
0x16: {  	[sflag:s1] =	ssyncadd.s32 $0xFFFFE000  }
0x17: {  	_ =	swait.ge [sflag:s1], $0x2000  }
0x18: {  	[sflag:s1] =	ssyncset.done $0x0  }
0x19: {  	[sflag:s1] =	ssyncadd.s32 $0xFFFFE000  }
0x1a: {  	_ =	swait.ge [sflag:s1], $0x2000  }
0x1b: {  	[sflag:s1] =	ssyncset.done $0x0  }
0x1c: {  	[sflag:s1] =	ssyncadd.s32 $0xFFFFE000  }
0x1d: {  	_ =	swait.ge [sflag:s1], $0x2000  }
0x1e: {  	[sflag:s1] =	ssyncset.done $0x0  }
0x1f: {  	s7 =	simm.s32 @!p0 $0x400;
	s17 =	simm.s32 @!p0 $0x16100;
	[sflag:s1] =	ssyncadd.s32 $0xFFFFE000  }
0x20: {  	s18 =	simm.s32 @!p0 $0x3;
	s1 =	simm.s32 @!p0 $0x80;
	s2 =	rddreg [dreg:$0x2]  }
0x21: {  	[hbm4b:s2+s1] =	stream.strided.scatter @!p0 [tilespmem:s17], [sflag:$0x3], $0x2000, s7, s1, $0x38;
	[tilespmem:$0x18100] =	vst v63  }
0x22: {  	_ =	swait.ge @!p0 [sflag:s18], $0x2000  }
0x23: {  	[sflag:s18] =	ssyncset.done @!p0 $0x0  }
0x24: {  	s2 =	rddreg [dreg:$0xa];
	[sflag:s18] =	ssyncadd.s32 @!p0 $0xFFFFE000  }
0x25: {  	[hbm4b:s2+s1] =	stream.strided.scatter @!p0 [tilespmem:s17], [sflag:$0x3], $0x2000, s7, s1, $0x38;
	[tilespmem:$0x18100] =	vst v63  }
0x26: {  	_ =	swait.ge @!p0 [sflag:s18], $0x2000  }
0x27: {  	[sflag:s18] =	ssyncset.done @!p0 $0x0  }
0x28: {  	s19 =	rddreg [dreg:$0x6];
	[sflag:s18] =	ssyncadd.s32 @!p0 $0xFFFFE000  }
0x29: {  	[hbm4b:s19+s1] =	stream.strided.scatter @!p0 [tilespmem:s17], [sflag:$0x3], $0x2000, s7, s1, $0x38;
	[tilespmem:$0x18100] =	vst v63  }
0x2a: {  	_ =	swait.ge @!p0 [sflag:s18], $0x2000  }
0x2b: {  	s30 =	rddreg [dreg:$0xb]  }
0x2c: {  	s31 =	rddreg [dreg:$0x7];
	s2 =	sadd.s32 $0x1, s30  }
0x2d: {  	p1 =	sne.s32 s2, s31  }
.Ltmp1:
0x2e: {  	_ = 	snop;
	(pc) =	sbr.rel @!p1 .LBB2_11-.Ltmp1, $3  }
0x2f: {  	_ =	sdelay $0x1  }
0x30: {  	s26 =	simm.s32 $0xC100;
	[sflag:s18] =	ssyncset.done @!p0 $0x0  }
0x31: {  	s29 =	simm.s32 $0xD100;
	s6 =	simm.s32 $0x2140;
	[sflag:s18] =	ssyncadd.s32 @!p0 $0xFFFFE000  }
.LBB2_1:
0x32: {  	s7 =	sadd.s32 $0x0, s13  }
0x33: {  	v20 =	vadd.s32 s7, v4  }
0x34: {  	s1 =	rddreg [dreg:$0x4];
	s21 =	simm.s32 $0x3;
	v21 =	vadd.s32 s7, v3;
	v22 =	vor.u32 s7, v0;
	vm0 =	vgt.s32 v20, $0x0  }
0x35: {  	[tilespmem:s3], [sflag:$0x3] =	stream.linear.gather [hbm4b:s1+s3], $0x2100, $0x38;
	vm14 =	vgt.s32 v21, $0x0;
	v20 =	vnsel vm0, $0x0, v20;
	[tilespmem:$0x18100] =	vst v63  }
0x36: {  	_ =	swait.ge [sflag:s21], $0x2100;
	v21 =	vnsel vm14, $0x0, v21  }
0x37: {  	[sflag:s21] =	ssyncset.done $0x0  }
0x38: {  	[sflag:s21] =	ssyncadd.s32 $0xFFFFDF00  }
0x39: {  	v22 =	vld.idx.msk [tilespmem:v22+s3+$0x0], $0xffff  }
0x3a: {  	v20 =	vld.idx.msk [tilespmem:v20+s3+$0x0], $0xffff  }
0x3b: {  	v21 =	vld.idx.msk [tilespmem:v21+s3+$0x0], $0xffff  }
0x3c: {  	s22 =	sadd.s32 $0x20, s7  }
0x3d: {  	v23 =	vadd.s32 s22, v4;
	v24 =	vadd.s32 s22, v3  }
0x3e: {  	v26 =	vor.u32 s22, v0;
	vm15 =	vgt.s32 v23, $0x0;
	vm1 =	vgt.s32 v24, $0x0  }
0x3f: {  	v23 =	vnsel vm15, $0x0, v23;
	v25 =	vshll.u32 v22, $0x4;
	v22 =	vshll.u32 v22, $0x8  }
0x40: {  	v25 =	vadd.s32 v25, v21;
	v21 =	vshll.u32 v21, $0x4;
	v20 =	vadd.s32 v20, v22  }
0x41: {  	v22 =	vnsel vm1, $0x0, v24;
	v42 =	vadd.s32 v1, v25;
	v20 =	vadd.s32 v21, v20  }
0x42: {  	s17 =	simm.s32 $0x4140;
	[tilespmem:s6+$0xFFFFFFC0] =	vst v42;
	v20 =	vadd.s32 v2, v20  }
0x43: {  	[tilespmem:s17+$0xFFFFFFC0] =	vst v20  }
0x44: {  	v20 =	vld.idx.msk [tilespmem:v23+s3+$0x0], $0xffff  }
0x45: {  	v21 =	vld.idx.msk [tilespmem:v26+s3+$0x0], $0xffff  }
0x46: {  	v22 =	vld.idx.msk [tilespmem:v22+s3+$0x0], $0xffff  }
0x47: {  	s23 =	sadd.s32 $0x40, s7  }
0x48: {  	v43 =	vadd.s32 s23, v3;
	v23 =	vadd.s32 s23, v4  }
0x49: {  	v45 =	vor.u32 s23, v0;
	vm5 =	vgt.s32 v43, $0x0;
	vm4 =	vgt.s32 v23, $0x0  }
0x4a: {  	v23 =	vnsel vm4, $0x0, v23;
	v44 =	vshll.u32 v21, $0x4;
	v21 =	vshll.u32 v21, $0x8  }
0x4b: {  	v25 =	vadd.s32 v44, v22;
	v22 =	vshll.u32 v22, $0x4;
	v20 =	vadd.s32 v20, v21  }
0x4c: {  	v21 =	vnsel vm5, $0x0, v43;
	v46 =	vadd.s32 v5, v25;
	v20 =	vadd.s32 v22, v20  }
0x4d: {  	[tilespmem:s6+$0xFFFFFFD0] =	vst v46;
	v20 =	vadd.s32 v6, v20  }
0x4e: {  	[tilespmem:s17+$0xFFFFFFD0] =	vst v20  }
0x4f: {  	v20 =	vld.idx.msk [tilespmem:v45+s3+$0x0], $0xffff  }
0x50: {  	v22 =	vld.idx.msk [tilespmem:v23+s3+$0x0], $0xffff  }
0x51: {  	v21 =	vld.idx.msk [tilespmem:v21+s3+$0x0], $0xffff  }
0x52: {  	s24 =	sadd.s32 $0x60, s7  }
0x53: {  	v47 =	vadd.s32 s24, v4;
	v23 =	vadd.s32 s24, v3  }
0x54: {  	v49 =	vor.u32 s24, v0;
	vm7 =	vgt.s32 v47, $0x0;
	vm6 =	vgt.s32 v23, $0x0  }
0x55: {  	v23 =	vnsel vm6, $0x0, v23;
	v48 =	vshll.u32 v20, $0x4;
	v20 =	vshll.u32 v20, $0x8  }
0x56: {  	v20 =	vadd.s32 v22, v20;
	v22 =	vadd.s32 v48, v21;
	v21 =	vshll.u32 v21, $0x4  }
0x57: {  	v24 =	vnsel vm7, $0x0, v47;
	v22 =	vadd.s32 v7, v22;
	v20 =	vadd.s32 v21, v20  }
0x58: {  	[tilespmem:s6+$0xFFFFFFE0] =	vst v22;
	v20 =	vadd.s32 v8, v20  }
0x59: {  	[tilespmem:s17+$0xFFFFFFE0] =	vst v20  }
0x5a: {  	v20 =	vld.idx.msk [tilespmem:v49+s3+$0x0], $0xffff  }
0x5b: {  	v21 =	vld.idx.msk [tilespmem:v23+s3+$0x0], $0xffff  }
0x5c: {  	v22 =	vld.idx.msk [tilespmem:v24+s3+$0x0], $0xffff  }
0x5d: {  	s25 =	sadd.s32 $0x1, s7  }
0x5e: {  	v50 =	vadd.s32 s25, v3;
	v23 =	vadd.s32 s25, v4  }
0x5f: {  	v52 =	vor.u32 s25, v0;
	vm9 =	vgt.s32 v50, $0x0;
	vm8 =	vgt.s32 v23, $0x0  }
0x60: {  	v23 =	vnsel vm8, $0x0, v23;
	v51 =	vshll.u32 v20, $0x4;
	v20 =	vshll.u32 v20, $0x8  }
0x61: {  	v25 =	vadd.s32 v51, v21;
	v21 =	vshll.u32 v21, $0x4;
	v20 =	vadd.s32 v22, v20  }
0x62: {  	v22 =	vnsel vm9, $0x0, v50;
	v53 =	vadd.s32 v9, v25;
	v20 =	vadd.s32 v21, v20  }
0x63: {  	[tilespmem:s6+$0xFFFFFFF0] =	vst v53;
	v20 =	vadd.s32 v10, v20  }
0x64: {  	[tilespmem:s17+$0xFFFFFFF0] =	vst v20  }
0x65: {  	v20 =	vld.idx.msk [tilespmem:v52+s3+$0x0], $0xffff  }
0x66: {  	v21 =	vld.idx.msk [tilespmem:v23+s3+$0x0], $0xffff  }
0x67: {  	v22 =	vld.idx.msk [tilespmem:v22+s3+$0x0], $0xffff  }
0x68: {  	s28 =	sadd.s32 $0x21, s7  }
0x69: {  	v54 =	vadd.s32 s28, v4;
	v23 =	vadd.s32 s28, v3  }
0x6a: {  	v56 =	vor.u32 s28, v0;
	vm11 =	vgt.s32 v54, $0x0;
	vm10 =	vgt.s32 v23, $0x0  }
0x6b: {  	v23 =	vnsel vm10, $0x0, v23;
	v55 =	vshll.u32 v20, $0x4;
	v20 =	vshll.u32 v20, $0x8  }
0x6c: {  	v20 =	vadd.s32 v21, v20;
	v21 =	vadd.s32 v55, v22;
	v22 =	vshll.u32 v22, $0x4  }
0x6d: {  	v24 =	vnsel vm11, $0x0, v54;
	v21 =	vadd.s32 v11, v21;
	v20 =	vadd.s32 v22, v20  }
0x6e: {  	[tilespmem:s6+$0x0] =	vst v21;
	v20 =	vadd.s32 v12, v20  }
0x6f: {  	[tilespmem:s17+$0x0] =	vst v20  }
0x70: {  	v20 =	vld.idx.msk [tilespmem:v56+s3+$0x0], $0xffff  }
0x71: {  	v21 =	vld.idx.msk [tilespmem:v23+s3+$0x0], $0xffff  }
0x72: {  	v22 =	vld.idx.msk [tilespmem:v24+s3+$0x0], $0xffff  }
0x73: {  	s30 =	sadd.s32 $0x41, s7  }
0x74: {  	v57 =	vadd.s32 s30, v4;
	v23 =	vadd.s32 s30, v3  }
0x75: {  	v59 =	vor.u32 s30, v0;
	vm13 =	vgt.s32 v57, $0x0;
	vm12 =	vgt.s32 v23, $0x0  }
0x76: {  	v23 =	vnsel vm12, $0x0, v23;
	v58 =	vshll.u32 v20, $0x4;
	v20 =	vshll.u32 v20, $0x8  }
0x77: {  	v25 =	vadd.s32 v58, v21;
	v21 =	vshll.u32 v21, $0x4;
	v20 =	vadd.s32 v22, v20  }
0x78: {  	v22 =	vnsel vm13, $0x0, v57;
	v60 =	vadd.s32 v13, v25;
	v20 =	vadd.s32 v21, v20  }
0x79: {  	[tilespmem:s6+$0x10] =	vst v60;
	v20 =	vadd.s32 v14, v20  }
0x7a: {  	[tilespmem:s17+$0x10] =	vst v20  }
0x7b: {  	v20 =	vld.idx.msk [tilespmem:v23+s3+$0x0], $0xffff  }
0x7c: {  	v21 =	vld.idx.msk [tilespmem:v59+s3+$0x0], $0xffff  }
0x7d: {  	v22 =	vld.idx.msk [tilespmem:v22+s3+$0x0], $0xffff;
	_ =	sdelay $0x2  }
0x7e: {  	s31 =	sadd.s32 $0x61, s7  }
0x7f: {  	v63 =	vadd.s32 s31, v4;
	v61 =	vshll.u32 v21, $0x4;
	v21 =	vshll.u32 v21, $0x8  }
0x80: {  	v62 =	vshll.u32 v20, $0x4;
	v20 =	vadd.s32 v61, v20;
	v21 =	vadd.s32 v22, v21  }
0x81: {  	v22 =	vadd.s32 s31, v3;
	v20 =	vadd.s32 v15, v20;
	v21 =	vadd.s32 v62, v21  }
0x82: {  	v23 =	vor.u32 s31, v0;
	vm14 =	vgt.s32 v22, $0x0;
	[tilespmem:s6+$0x20] =	vst v20;
	v20 =	vadd.s32 v16, v21  }
0x83: {  	vm15 =	vgt.s32 v63, $0x0;
	[tilespmem:s17+$0x20] =	vst v20;
	v20 =	vnsel vm14, $0x0, v22  }
0x84: {  	v21 =	vnsel vm15, $0x0, v63;
	_ =	sdelay $0x1  }
0x85: {  	s18 =	simm.s32 $0x80;
	s19 =	simm.s32 $0x2140  }
0x86: {  	s22 =	simm.s32 $0x4140;
	s21 =	simm.s32 $0x4140;
	s17 =	simm.s32 $0x2140;
	v22 =	vld.idx.msk [tilespmem:v23+s3+$0x0], $0xffff  }
.LBB2_2:
0x87: {  	p1 =	sne.s32 s18, $0x1F80;
	v20 =	vld.idx.msk [tilespmem:v20+s3+$0x0], $0xffff;
	s19 =	sadd.s32 $0x80, s19;
	s21 =	sadd.s32 $0x80, s21  }
0x88: {  	s1 =	smov.u32 s18;
	s18 =	sadd.s32 $0x80, s18;
	v21 =	vld.idx.msk [tilespmem:v21+s3+$0x0], $0xffff  }
0x89: {  	s24 =	sadd.s32 s1, s13  }
0x8a: {  	v23 =	vadd.s32 s24, v3;
	v24 =	vadd.s32 s24, v4;
	s20 =	sadd.s32 $0x20, s24;
	s1 =	sadd.s32 $0x40, s24;
	s30 =	sadd.s32 $0x60, s24  }
0x8b: {  	s28 =	sadd.s32 $0x1, s24;
	s25 =	sadd.s32 $0x21, s24;
	s7 =	sadd.s32 $0x41, s24;
	vm0 =	vgt.s32 v23, $0x0;
	vm1 =	vgt.s32 v24, $0x0;
	v25 =	vadd.s32 s20, v4  }
0x8c: {  	s23 =	sadd.s32 $0x61, s24;
	v23 =	vnsel vm0, $0x0, v23;
	v24 =	vnsel vm1, $0x0, v24;
	v26 =	vshll.u32 v22, $0x4  }
0x8d: {  	v22 =	vshll.u32 v22, $0x8;
	v26 =	vadd.s32 v26, v20;
	v20 =	vshll.u32 v20, $0x4  }
0x8e: {  	v27 =	vor.u32 s24, v0;
	v26 =	vadd.s32 v17, v26;
	v21 =	vadd.s32 v21, v22  }
0x8f: {  	vm0 =	vgt.s32 v25, $0x0;
	v22 =	vadd.s32 s20, v3;
	v20 =	vadd.s32 v20, v21;
	[tilespmem:s17+$0x30] =	vst v26;
	s17 =	smov.u32 s19  }
0x90: {  	vm1 =	vgt.s32 v22, $0x0;
	v21 =	vnsel vm0, $0x0, v25;
	v20 =	vadd.s32 v18, v20  }
0x91: {  	v25 =	vnsel vm1, $0x0, v22;
	v22 =	vadd.s32 s1, v3;
	v26 =	vadd.s32 s1, v4;
	[tilespmem:s22+$0x30] =	vst v20;
	s22 =	smov.u32 s21  }
0x92: {  	vm0 =	vgt.s32 v22, $0x0;
	vm1 =	vgt.s32 v26, $0x0;
	v20 =	vld.idx.msk [tilespmem:v24+s3+$0x0], $0xffff;
	v24 =	vadd.s32 s30, v3  }
0x93: {  	v28 =	vnsel vm0, $0x0, v22;
	v26 =	vnsel vm1, $0x0, v26;
	v27 =	vld.idx.msk [tilespmem:v27+s3+$0x0], $0xffff;
	vm0 =	vgt.s32 v24, $0x0  }
0x94: {  	v29 =	vadd.s32 s28, v4;
	v22 =	vld.idx.msk [tilespmem:v23+s3+$0x0], $0xffff;
	v24 =	vnsel vm0, $0x0, v24;
	v23 =	vadd.s32 s30, v4  }
0x95: {  	v30 =	vadd.s32 s28, v3;
	vm1 =	vgt.s32 v29, $0x0;
	vm0 =	vgt.s32 v23, $0x0  }
0x96: {  	v29 =	vnsel vm1, $0x0, v29;
	v31 =	vnsel vm0, $0x0, v23;
	vm0 =	vgt.s32 v30, $0x0  }
0x97: {  	v32 =	vadd.s32 s25, v4;
	v23 =	vadd.s32 s25, v3;
	v30 =	vnsel vm0, $0x0, v30  }
0x98: {  	v33 =	vadd.s32 s7, v3;
	vm1 =	vgt.s32 v32, $0x0;
	vm0 =	vgt.s32 v23, $0x0  }
0x99: {  	v35 =	vor.u32 s20, v0;
	v34 =	vshll.u32 v27, $0x4;
	v27 =	vshll.u32 v27, $0x8  }
0x9a: {  	v34 =	vadd.s32 v34, v22;
	v22 =	vshll.u32 v22, $0x4;
	v20 =	vadd.s32 v20, v27  }
0x9b: {  	v27 =	vadd.s32 v1, v34;
	v20 =	vadd.s32 v22, v20;
	v34 =	vnsel vm0, $0x0, v23  }
0x9c: {  	vm0 =	vgt.s32 v33, $0x0;
	v20 =	vadd.s32 v2, v20;
	[tilespmem:s19+$0xFFFFFFC0] =	vst v27;
	v27 =	vnsel vm1, $0x0, v32  }
0x9d: {  	v22 =	vnsel vm0, $0x0, v33;
	v32 =	vadd.s32 s23, v3;
	[tilespmem:s21+$0xFFFFFFC0] =	vst v20;
	v20 =	vadd.s32 s7, v4  }
0x9e: {  	vm1 =	vgt.s32 v32, $0x0;
	v33 =	vld.idx.msk [tilespmem:v21+s3+$0x0], $0xffff;
	vm0 =	vgt.s32 v20, $0x0;
	v21 =	vadd.s32 s23, v4  }
0x9f: {  	v35 =	vld.idx.msk [tilespmem:v35+s3+$0x0], $0xffff;
	v23 =	vnsel vm0, $0x0, v20;
	v20 =	vnsel vm1, $0x0, v32;
	vm0 =	vgt.s32 v21, $0x0  }
0xa0: {  	v25 =	vld.idx.msk [tilespmem:v25+s3+$0x0], $0xffff;
	v21 =	vnsel vm0, $0x0, v21;
	_ =	sdelay $0x4  }
0xa1: {  	v36 =	vor.u32 s1, v0;
	v32 =	vshll.u32 v35, $0x4;
	v35 =	vshll.u32 v35, $0x8  }
0xa2: {  	v32 =	vadd.s32 v32, v25;
	v25 =	vshll.u32 v25, $0x4;
	v33 =	vadd.s32 v33, v35  }
0xa3: {  	v32 =	vadd.s32 v5, v32;
	v25 =	vadd.s32 v25, v33  }
0xa4: {  	v25 =	vadd.s32 v6, v25;
	[tilespmem:s19+$0xFFFFFFD0] =	vst v32  }
0xa5: {  	[tilespmem:s21+$0xFFFFFFD0] =	vst v25  }
0xa6: {  	v25 =	vld.idx.msk [tilespmem:v36+s3+$0x0], $0xffff  }
0xa7: {  	v26 =	vld.idx.msk [tilespmem:v26+s3+$0x0], $0xffff  }
0xa8: {  	v28 =	vld.idx.msk [tilespmem:v28+s3+$0x0], $0xffff;
	_ =	sdelay $0x3  }
0xa9: {  	v32 =	vshll.u32 v25, $0x4;
	v25 =	vshll.u32 v25, $0x8  }
0xaa: {  	v25 =	vadd.s32 v26, v25;
	v26 =	vor.u32 s30, v0  }
0xab: {  	v32 =	vadd.s32 v32, v28;
	v28 =	vshll.u32 v28, $0x4  }
0xac: {  	v32 =	vadd.s32 v7, v32;
	v25 =	vadd.s32 v28, v25  }
0xad: {  	v25 =	vadd.s32 v8, v25;
	[tilespmem:s19+$0xFFFFFFE0] =	vst v32  }
0xae: {  	[tilespmem:s21+$0xFFFFFFE0] =	vst v25  }
0xaf: {  	v25 =	vld.idx.msk [tilespmem:v26+s3+$0x0], $0xffff  }
0xb0: {  	v24 =	vld.idx.msk [tilespmem:v24+s3+$0x0], $0xffff  }
0xb1: {  	v26 =	vld.idx.msk [tilespmem:v31+s3+$0x0], $0xffff;
	_ =	sdelay $0x3  }
0xb2: {  	v28 =	vshll.u32 v25, $0x4;
	v25 =	vshll.u32 v25, $0x8  }
0xb3: {  	v31 =	vor.u32 s28, v0;
	v28 =	vadd.s32 v28, v24  }
0xb4: {  	v24 =	vshll.u32 v24, $0x4;
	v28 =	vadd.s32 v9, v28;
	v25 =	vadd.s32 v26, v25  }
0xb5: {  	v24 =	vadd.s32 v24, v25;
	[tilespmem:s19+$0xFFFFFFF0] =	vst v28  }
0xb6: {  	v24 =	vadd.s32 v10, v24  }
0xb7: {  	[tilespmem:s21+$0xFFFFFFF0] =	vst v24  }
0xb8: {  	v24 =	vld.idx.msk [tilespmem:v31+s3+$0x0], $0xffff  }
0xb9: {  	v25 =	vld.idx.msk [tilespmem:v29+s3+$0x0], $0xffff  }
0xba: {  	v26 =	vld.idx.msk [tilespmem:v30+s3+$0x0], $0xffff;
	_ =	sdelay $0x3  }
0xbb: {  	v28 =	vshll.u32 v24, $0x4;
	v24 =	vshll.u32 v24, $0x8  }
0xbc: {  	v24 =	vadd.s32 v25, v24;
	v25 =	vor.u32 s25, v0  }
0xbd: {  	v28 =	vadd.s32 v28, v26;
	v26 =	vshll.u32 v26, $0x4  }
0xbe: {  	v28 =	vadd.s32 v11, v28;
	v24 =	vadd.s32 v26, v24  }
0xbf: {  	v24 =	vadd.s32 v12, v24;
	[tilespmem:s19+$0x0] =	vst v28  }
0xc0: {  	[tilespmem:s21+$0x0] =	vst v24  }
0xc1: {  	v24 =	vld.idx.msk [tilespmem:v25+s3+$0x0], $0xffff  }
0xc2: {  	v25 =	vld.idx.msk [tilespmem:v34+s3+$0x0], $0xffff  }
0xc3: {  	v26 =	vld.idx.msk [tilespmem:v27+s3+$0x0], $0xffff;
	_ =	sdelay $0x3  }
0xc4: {  	v27 =	vshll.u32 v24, $0x4;
	v24 =	vshll.u32 v24, $0x8  }
0xc5: {  	v28 =	vor.u32 s7, v0;
	v27 =	vadd.s32 v27, v25  }
0xc6: {  	v25 =	vshll.u32 v25, $0x4;
	v27 =	vadd.s32 v13, v27;
	v24 =	vadd.s32 v26, v24  }
0xc7: {  	v24 =	vadd.s32 v25, v24;
	[tilespmem:s19+$0x10] =	vst v27  }
0xc8: {  	v24 =	vadd.s32 v14, v24  }
0xc9: {  	[tilespmem:s21+$0x10] =	vst v24  }
0xca: {  	v22 =	vld.idx.msk [tilespmem:v22+s3+$0x0], $0xffff  }
0xcb: {  	v24 =	vld.idx.msk [tilespmem:v28+s3+$0x0], $0xffff  }
0xcc: {  	v23 =	vld.idx.msk [tilespmem:v23+s3+$0x0], $0xffff;
	_ =	sdelay $0x3  }
0xcd: {  	v25 =	vor.u32 s23, v0  }
0xce: {  	v27 =	vshll.u32 v22, $0x4;
	v26 =	vshll.u32 v24, $0x4;
	v24 =	vshll.u32 v24, $0x8  }
.Ltmp2:
0xcf: {  	v22 =	vadd.s32 v26, v22;
	v23 =	vadd.s32 v23, v24;
	(pc) =	sbr.rel @p1 .LBB2_2-.Ltmp2, $4  }
0xd0: {  	v22 =	vadd.s32 v15, v22;
	v23 =	vadd.s32 v27, v23  }
0xd1: {  	[tilespmem:s19+$0x20] =	vst v22;
	v22 =	vadd.s32 v16, v23  }
0xd2: {  	[tilespmem:s21+$0x20] =	vst v22  }
0xd3: {  	v22 =	vld.idx.msk [tilespmem:v25+s3+$0x0], $0xffff  }
0xd4: {  	_ =	sdelay $0x3  }
0xd5: {  	v20 =	vld.idx.msk [tilespmem:v20+s3+$0x0], $0xffff  }
0xd6: {  	v21 =	vld.idx.msk [tilespmem:v21+s3+$0x0], $0xffff;
	_ =	sdelay $0x3  }
.Ltmp3:
0xd7: {  	v23 =	vshll.u32 v22, $0x4;
	v62 =	vshll.u32 v22, $0x8;
	(pc) =	sbr.rel @p0 .LBB2_7-.Ltmp3, $4  }
0xd8: {  	v23 =	vadd.s32 v23, v20;
	v20 =	vshll.u32 v20, $0x4;
	v21 =	vadd.s32 v21, v62  }
0xd9: {  	v63 =	vadd.s32 v17, v23;
	v20 =	vadd.s32 v20, v21  }
0xda: {  	s8 =	simm.s32 $0x6100;
	s6 =	simm.s32 $0x2140;
	[tilespmem:s17+$0x30] =	vst v63;
	v20 =	vadd.s32 v18, v20  }
0xdb: {  	s9 =	simm.s32 $0x7100;
	s23 =	simm.s32 $0xA100;
	s28 =	simm.s32 $0xB100;
	[tilespmem:s22+$0x30] =	vst v20  }
0xdc: {  	s1 =	simm.s32 $0x0;
	s7 =	simm.s32 $0x200  }
.LBB2_5:
0xdd: {  	p1 =	sne.s32 s7, $0x7E00;
	[tilespmem:s1+$0x16170] =	vst v19  }
0xde: {  	[tilespmem:s1+$0x16100] =	vst v19  }
0xdf: {  	[tilespmem:s1+$0x16110] =	vst v19  }
.Ltmp4:
0xe0: {  	[tilespmem:s1+$0x16120] =	vst v19;
	(pc) =	sbr.rel @p1 .LBB2_5-.Ltmp4, $4  }
0xe1: {  	[tilespmem:s1+$0x16130] =	vst v19  }
0xe2: {  	[tilespmem:s1+$0x16140] =	vst v19  }
0xe3: {  	[tilespmem:s1+$0x16150] =	vst v19  }
0xe4: {  	[tilespmem:s1+$0x16160] =	vst v19;
	s1 =	sshra.s32 s7, $0x2;
	s7 =	sadd.s32 $0x200, s7  }
0xe5: {  	[tilespmem:s1+$0x16170] =	vst v19  }
0xe6: {  	[tilespmem:s1+$0x16100] =	vst v19  }
0xe7: {  	[tilespmem:s1+$0x16110] =	vst v19  }
0xe8: {  	[tilespmem:s1+$0x16120] =	vst v19  }
0xe9: {  	[tilespmem:s1+$0x16130] =	vst v19  }
0xea: {  	[tilespmem:s1+$0x16140] =	vst v19  }
0xeb: {  	[tilespmem:s1+$0x16150] =	vst v19  }
0xec: {  	[tilespmem:s1+$0x16160] =	vst v19  }
.LBB2_7:
0xed: {  	s1 =	simm.s32 $0x2100  }
0xee: {  	[tilespmem:s8], [sflag:$0x1] =	stream.indirect.gather [hbm4b:s4+s15], $0x40, s1, s15, $0xb8;
	[tilespmem:$0x18100] =	vst v63  }
0xef: {  	_ = 	snop  }
0xf0: {  	[tilespmem:s9], [sflag:$0x1] =	stream.indirect.gather [hbm4b:s4+s15], $0x40, s6, s15, $0xb8;
	[tilespmem:$0x18100] =	vst v63  }
0xf1: {  	s20 =	simm.s32 $0x4100;
	s7 =	simm.s32 $0x8100  }
0xf2: {  	[tilespmem:s7], [sflag:$0x1] =	stream.indirect.gather [hbm4b:s5+s15], $0x40, s20, s15, $0xb8;
	[tilespmem:$0x18100] =	vst v63  }
0xf3: {  	s21 =	simm.s32 $0x4140;
	s22 =	simm.s32 $0x9100  }
0xf4: {  	[tilespmem:s22], [sflag:$0x1] =	stream.indirect.gather [hbm4b:s5+s15], $0x40, s21, s15, $0xb8;
	[tilespmem:$0x18100] =	vst v63  }
0xf5: {  	s24 =	simm.s32 $0x2180  }
0xf6: {  	[tilespmem:s23], [sflag:$0x1] =	stream.indirect.gather [hbm4b:s4+s15], $0x40, s24, s15, $0xb8;
	[tilespmem:$0x18100] =	vst v63  }
0xf7: {  	s25 =	simm.s32 $0x21C0  }
0xf8: {  	[tilespmem:s28], [sflag:$0x1] =	stream.indirect.gather [hbm4b:s4+s15], $0x40, s25, s15, $0xb8;
	[tilespmem:$0x18100] =	vst v63  }
0xf9: {  	[dreg:$0xb] =	wrdreg s2;
	s30 =	simm.s32 $0x4180;
	s31 =	simm.s32 $0x41C0  }
0xfa: {  	[tilespmem:s26], [sflag:$0x1] =	stream.indirect.gather [hbm4b:s5+s15], $0x40, s30, s15, $0xb8;
	[tilespmem:$0x18100] =	vst v63  }
0xfb: {  	s17 =	simm.s32 $0x0;
	s18 =	simm.s32 $0x0;
	s7 =	simm.s32 $0x0  }
0xfc: {  	[tilespmem:s29], [sflag:$0x1] =	stream.indirect.gather [hbm4b:s5+s15], $0x40, s31, s15, $0xb8;
	[tilespmem:$0x18100] =	vst v63  }
.LBB2_8:
0xfd: {  	_ =	swait.ge [sflag:s0], $0x2000  }
0xfe: {  	[sflag:s0] =	ssyncset.done $0x0  }
0xff: {  	[sflag:s0] =	ssyncadd.s32 $0xFFFFE000  }
0x100: {  	s1 =	sand.u32 $0xE0000, s7;
	s2 =	rddreg [dreg:$0x5];
	_ =	swait.ge [sflag:s0], $0x2000  }
0x101: {  	s6 =	sand.u32 $0x200, s17;
	s19 =	sor.u32 s2, s1;
	[sflag:s0] =	ssyncset.done $0x0  }
0x102: {  	s1 =	sor.u32 s6, s19;
	[sflag:s0] =	ssyncadd.s32 $0xFFFFE000  }
0x103: {  	s20 =	sshrl.u32 s1, $0x3;
	s24 =	rddreg [dreg:$0x2]  }
0x104: {  	s10 =	rddreg [dreg:$0x8];
	s1 =	sadd.s32 s24, s20  }
0x105: {  	[hbm4b:s1+s15] =	stream.strided.scatter [tilespmem:s8], [sflag:$0x2], $0x1000, s16, s15, $0x38;
	[tilespmem:$0x18100] =	vst v63  }
0x106: {  	s14 =	rddreg [dreg:$0xa];
	s8 =	sadd.s32 s20, s10  }
0x107: {  	[hbm4b:s8+s15] =	stream.strided.scatter [tilespmem:s9], [sflag:$0x2], $0x1000, s16, s15, $0x38;
	[tilespmem:$0x18100] =	vst v63  }
0x108: {  	s21 =	simm.s32 $0x8100;
	s9 =	sadd.s32 s20, s14  }
0x109: {  	[hbm4b:s9+s15] =	stream.strided.scatter [tilespmem:s21], [sflag:$0x2], $0x1000, s16, s15, $0x38;
	[tilespmem:$0x18100] =	vst v63  }
0x10a: {  	s9 =	rddreg [dreg:$0x9]  }
0x10b: {  	s22 =	simm.s32 $0x9100;
	p1 =	seq.s32 s18, $0x0;
	s21 =	sadd.s32 s20, s9  }
0x10c: {  	[hbm4b:s21+s15] =	stream.strided.scatter [tilespmem:s22], [sflag:$0x2], $0x1000, s16, s15, $0x38;
	[tilespmem:$0x18100] =	vst v63  }
0x10d: {  	s21 =	simm.s32 @!p1 $0x2  }
0x10e: {  	_ =	swait.ge @!p1 [sflag:s21], $0x2000  }
0x10f: {  	[sflag:s21] =	ssyncset.done @!p1 $0x0  }
0x110: {  	[sflag:s21] =	ssyncadd.s32 @!p1 $0xFFFFE000  }
0x111: {  	_ =	swait.ge @!p1 [sflag:s21], $0x2000  }
0x112: {  	s1 =	sshra.s32 s18, $0x2;
	[sflag:s21] =	ssyncset.done @!p1 $0x0  }
0x113: {  	s31 =	simm.s32 $0xE100;
	s22 =	sadd.s32 $0x2200, s1;
	[sflag:s21] =	ssyncadd.s32 @!p1 $0xFFFFE000  }
0x114: {  	[tilespmem:s31], [sflag:$0x1] =	stream.indirect.gather [hbm4b:s4+s15], $0x40, s22, s15, $0xb8;
	[tilespmem:$0x18100] =	vst v63  }
0x115: {  	s6 =	simm.s32 $0xF100;
	s25 =	sadd.s32 $0x2240, s1  }
0x116: {  	[tilespmem:s6], [sflag:$0x1] =	stream.indirect.gather [hbm4b:s4+s15], $0x40, s25, s15, $0xb8;
	[tilespmem:$0x18100] =	vst v63  }
0x117: {  	s30 =	sadd.s32 $0x4200, s1  }
0x118: {  	[tilespmem:s11], [sflag:$0x1] =	stream.indirect.gather [hbm4b:s5+s15], $0x40, s30, s15, $0xb8;
	[tilespmem:$0x18100] =	vst v63  }
0x119: {  	s2 =	sadd.s32 $0x4240, s1  }
0x11a: {  	[tilespmem:s12], [sflag:$0x1] =	stream.indirect.gather [hbm4b:s5+s15], $0x40, s2, s15, $0xb8;
	[tilespmem:$0x18100] =	vst v63  }
0x11b: {  	_ =	swait.ge [sflag:s0], $0x2000  }
0x11c: {  	[sflag:s0] =	ssyncset.done $0x0  }
0x11d: {  	[sflag:s0] =	ssyncadd.s32 $0xFFFFE000  }
0x11e: {  	_ =	swait.ge [sflag:s0], $0x2000  }
0x11f: {  	s20 =	sor.u32 $0x10, s20;
	[sflag:s0] =	ssyncset.done $0x0  }
0x120: {  	s8 =	sadd.s32 s24, s20;
	[sflag:s0] =	ssyncadd.s32 $0xFFFFE000  }
0x121: {  	[hbm4b:s8+s15] =	stream.strided.scatter [tilespmem:s23], [sflag:$0x2], $0x1000, s16, s15, $0x38;
	[tilespmem:$0x18100] =	vst v63  }
0x122: {  	s23 =	sadd.s32 s20, s10  }
0x123: {  	[hbm4b:s23+s15] =	stream.strided.scatter [tilespmem:s28], [sflag:$0x2], $0x1000, s16, s15, $0x38;
	[tilespmem:$0x18100] =	vst v63  }
0x124: {  	s25 =	sadd.s32 s20, s14  }
0x125: {  	[hbm4b:s25+s15] =	stream.strided.scatter [tilespmem:s26], [sflag:$0x2], $0x1000, s16, s15, $0x38;
	[tilespmem:$0x18100] =	vst v63  }
0x126: {  	s20 =	sadd.s32 s20, s9  }
0x127: {  	[hbm4b:s20+s15] =	stream.strided.scatter [tilespmem:s29], [sflag:$0x2], $0x1000, s16, s15, $0x38;
	[tilespmem:$0x18100] =	vst v63  }
0x128: {  	_ =	swait.ge @!p1 [sflag:s21], $0x2000  }
0x129: {  	[sflag:s21] =	ssyncset.done @!p1 $0x0  }
0x12a: {  	[sflag:s21] =	ssyncadd.s32 @!p1 $0xFFFFE000  }
0x12b: {  	_ =	swait.ge @!p1 [sflag:s21], $0x2000  }
0x12c: {  	[sflag:s21] =	ssyncset.done @!p1 $0x0  }
0x12d: {  	s30 =	sadd.s32 $0x2280, s1;
	s25 =	simm.s32 $0x12100;
	[sflag:s21] =	ssyncadd.s32 @!p1 $0xFFFFE000  }
0x12e: {  	[tilespmem:s25], [sflag:$0x1] =	stream.indirect.gather [hbm4b:s4+s15], $0x40, s30, s15, $0xb8;
	[tilespmem:$0x18100] =	vst v63  }
0x12f: {  	s2 =	sadd.s32 $0x22C0, s1;
	s30 =	simm.s32 $0x13100  }
0x130: {  	[tilespmem:s30], [sflag:$0x1] =	stream.indirect.gather [hbm4b:s4+s15], $0x40, s2, s15, $0xb8;
	[tilespmem:$0x18100] =	vst v63  }
0x131: {  	s8 =	sadd.s32 $0x4280, s1;
	s2 =	simm.s32 $0x14100  }
0x132: {  	[tilespmem:s2], [sflag:$0x1] =	stream.indirect.gather [hbm4b:s5+s15], $0x40, s8, s15, $0xb8;
	[tilespmem:$0x18100] =	vst v63  }
0x133: {  	s21 =	sadd.s32 $0x42C0, s1;
	s8 =	simm.s32 $0x15100  }
0x134: {  	[tilespmem:s8], [sflag:$0x1] =	stream.indirect.gather [hbm4b:s5+s15], $0x40, s21, s15, $0xb8;
	[tilespmem:$0x18100] =	vst v63  }
0x135: {  	_ =	swait.ge [sflag:s0], $0x2000  }
0x136: {  	s22 =	sadd.s32 $0x100, s17;
	[sflag:s0] =	ssyncset.done $0x0  }
0x137: {  	s20 =	sand.u32 $0x300, s22;
	[sflag:s0] =	ssyncadd.s32 $0xFFFFE000  }
0x138: {  	s20 =	sor.u32 s20, s19;
	_ =	swait.ge [sflag:s0], $0x2000  }
0x139: {  	s20 =	sshrl.u32 s20, $0x3;
	[sflag:s0] =	ssyncset.done $0x0  }
0x13a: {  	s23 =	sadd.s32 s24, s20;
	[sflag:s0] =	ssyncadd.s32 $0xFFFFE000  }
0x13b: {  	[hbm4b:s23+s15] =	stream.strided.scatter [tilespmem:s31], [sflag:$0x2], $0x1000, s16, s15, $0x38;
	[tilespmem:$0x18100] =	vst v63  }
0x13c: {  	s26 =	sadd.s32 s20, s10  }
0x13d: {  	[hbm4b:s26+s15] =	stream.strided.scatter [tilespmem:s6], [sflag:$0x2], $0x1000, s16, s15, $0x38;
	[tilespmem:$0x18100] =	vst v63  }
0x13e: {  	s22 =	sadd.s32 s20, s14  }
0x13f: {  	[hbm4b:s22+s15] =	stream.strided.scatter [tilespmem:s11], [sflag:$0x2], $0x1000, s16, s15, $0x38;
	[tilespmem:$0x18100] =	vst v63  }
0x140: {  	s20 =	sadd.s32 s20, s9;
	s6 =	simm.s32 $0x2  }
0x141: {  	[hbm4b:s20+s15] =	stream.strided.scatter [tilespmem:s12], [sflag:$0x2], $0x1000, s16, s15, $0x38;
	[tilespmem:$0x18100] =	vst v63  }
0x142: {  	_ =	swait.ge [sflag:s6], $0x2000  }
0x143: {  	[sflag:s6] =	ssyncset.done $0x0  }
0x144: {  	[sflag:s6] =	ssyncadd.s32 $0xFFFFE000  }
0x145: {  	p1 =	seq.s32 s18, $0x7800;
	_ =	swait.ge [sflag:s6], $0x2000  }
0x146: {  	s23 =	simm.s32 @!p1 $0x6100;
	s20 =	sshra.s32 @!p1 s18, $0x2;
	[sflag:s6] =	ssyncset.done $0x0  }
0x147: {  	s22 =	simm.s32 @!p1 $0x40;
	s21 =	sadd.s32 @!p1 $0x2300, s20;
	[sflag:s6] =	ssyncadd.s32 $0xFFFFE000  }
0x148: {  	[tilespmem:s23], [sflag:$0x1] =	stream.indirect.gather @!p1 [hbm4b:s4+s22], $0x40, s21, s22, $0xb8;
	[tilespmem:$0x18100] =	vst v63  }
0x149: {  	s21 =	sadd.s32 @!p1 $0x2340, s20;
	s23 =	simm.s32 @!p1 $0x7100  }
0x14a: {  	[tilespmem:s23], [sflag:$0x1] =	stream.indirect.gather @!p1 [hbm4b:s4+s22], $0x40, s21, s22, $0xb8;
	[tilespmem:$0x18100] =	vst v63  }
0x14b: {  	s21 =	sadd.s32 @!p1 $0x4300, s20;
	s23 =	simm.s32 @!p1 $0x8100  }
0x14c: {  	[tilespmem:s23], [sflag:$0x1] =	stream.indirect.gather @!p1 [hbm4b:s5+s22], $0x40, s21, s22, $0xb8;
	[tilespmem:$0x18100] =	vst v63  }
0x14d: {  	s20 =	sadd.s32 @!p1 $0x4340, s20;
	s21 =	simm.s32 @!p1 $0x9100  }
0x14e: {  	[tilespmem:s21], [sflag:$0x1] =	stream.indirect.gather @!p1 [hbm4b:s5+s22], $0x40, s20, s22, $0xb8;
	[tilespmem:$0x18100] =	vst v63  }
0x14f: {  	_ =	swait.ge [sflag:s0], $0x2000  }
0x150: {  	s23 =	sadd.s32 $0x180, s17;
	[sflag:s0] =	ssyncset.done $0x0  }
0x151: {  	s20 =	sand.u32 $0x380, s23;
	[sflag:s0] =	ssyncadd.s32 $0xFFFFE000  }
0x152: {  	s19 =	sor.u32 s20, s19;
	_ =	swait.ge [sflag:s0], $0x2000  }
0x153: {  	s19 =	sshrl.u32 s19, $0x3;
	[sflag:s0] =	ssyncset.done $0x0  }
0x154: {  	s24 =	sadd.s32 s24, s19;
	[sflag:s0] =	ssyncadd.s32 $0xFFFFE000  }
0x155: {  	[hbm4b:s24+s15] =	stream.strided.scatter [tilespmem:s25], [sflag:$0x2], $0x1000, s16, s15, $0x38;
	[tilespmem:$0x18100] =	vst v63  }
0x156: {  	s25 =	sadd.s32 s19, s10  }
0x157: {  	[hbm4b:s25+s15] =	stream.strided.scatter [tilespmem:s30], [sflag:$0x2], $0x1000, s16, s15, $0x38;
	[tilespmem:$0x18100] =	vst v63  }
0x158: {  	s30 =	sadd.s32 s19, s14  }
0x159: {  	[hbm4b:s30+s15] =	stream.strided.scatter [tilespmem:s2], [sflag:$0x2], $0x1000, s16, s15, $0x38;
	[tilespmem:$0x18100] =	vst v63  }
0x15a: {  	s19 =	sadd.s32 s19, s9  }
0x15b: {  	[hbm4b:s19+s15] =	stream.strided.scatter [tilespmem:s8], [sflag:$0x2], $0x1000, s16, s15, $0x38;
	[tilespmem:$0x18100] =	vst v63  }
0x15c: {  	_ =	swait.ge [sflag:s6], $0x2000  }
.Ltmp5:
0x15d: {  	[sflag:s6] =	ssyncset.done $0x0;
	(pc) =	sbr.rel @p1 .LBB2_10-.Ltmp5, $4  }
0x15e: {  	[sflag:s6] =	ssyncadd.s32 $0xFFFFE000  }
0x15f: {  	_ =	swait.ge [sflag:s6], $0x2000  }
0x160: {  	s28 =	simm.s32 $0xA100;
	s29 =	simm.s32 $0xC100;
	[sflag:s6] =	ssyncset.done $0x0  }
0x161: {  	s31 =	simm.s32 $0xD100;
	s26 =	simm.s32 $0xB100;
	[sflag:s6] =	ssyncadd.s32 $0xFFFFE000  }
0x162: {  	s19 =	sadd.s32 $0x2380, s1;
	s25 =	sadd.s32 $0x23C0, s1  }
0x163: {  	[tilespmem:s28], [sflag:$0x1] =	stream.indirect.gather [hbm4b:s4+s15], $0x40, s19, s15, $0xb8;
	[tilespmem:$0x18100] =	vst v63  }
0x164: {  	s30 =	sadd.s32 $0x43C0, s1;
	s18 =	sadd.s32 $0x800, s18;
	s17 =	sadd.s32 $0x200, s17  }
0x165: {  	[tilespmem:s26], [sflag:$0x1] =	stream.indirect.gather [hbm4b:s4+s15], $0x40, s25, s15, $0xb8;
	[tilespmem:$0x18100] =	vst v63  }
.Ltmp6:
0x166: {  	s7 =	sadd.s32 $0x10000, s7;
	s23 =	simm.s32 $0xA100;
	(pc) =	sbr.rel .LBB2_8-.Ltmp6, $4  }
0x167: {  	s8 =	simm.s32 $0x6100;
	s9 =	simm.s32 $0x7100;
	s26 =	sadd.s32 $0x4380, s1  }
0x168: {  	[tilespmem:s29], [sflag:$0x1] =	stream.indirect.gather [hbm4b:s5+s15], $0x40, s26, s15, $0xb8;
	[tilespmem:$0x18100] =	vst v63  }
0x169: {  	s28 =	simm.s32 $0xB100;
	s26 =	simm.s32 $0xC100;
	s29 =	simm.s32 $0xD100  }
0x16a: {  	[tilespmem:s31], [sflag:$0x1] =	stream.indirect.gather [hbm4b:s5+s15], $0x40, s30, s15, $0xb8;
	[tilespmem:$0x18100] =	vst v63  }
.LBB2_11:
0x16b: {  	_ =	sfence.sel $0x180000  }
0x16c: {  	[bflag:$0x0] =	sbarrier.arrive $0xFFFF  }
0x16d: {  	_ =	strace $0x90000047  }
0x16e: {  	s0 =	stileid.u32;
	[bflag:$0x2] =	sbarrier.arrive $0xFFFF  }
0x16f: {  	p0 =	sne.s32 s0, $0x0;
	s0 =	rddreg [dreg:$0x3]  }
0x170: {  	s0 =	sadd.s32 @!p0 $0x100000, s0  }
0x171: {  	[sflag:s0] =	ssyncadd.tile.s32 @!p0 $0x1;
	_ =	shalt  }
.Lfunc_end2:
_tile_overlayer_lowered:
.L_overlay_start_2:
0x172: {  	(tag) =	ssettag $0x2  }
0x173: {  	s0 =	rddreg [dreg:$0x0];
	s2 =	stileid.u32  }
0x174: {  	s1 =	rddreg [dreg:$0x1];
	p0 =	sne.s32 s2, $0x0  }
0x175: {  	s3 =	rddreg [dreg:$0x2];
	[bflag:$0x3] =	sbarrier.arrive $0xFFFF;
	s2 =	simm.s32 @!p0 $0x1C03  }
0x176: {  	[timem:s3], [sflag:s2] =	dma.local @!p0 [hbm:s0], s1  }
0x177: {  	s0 =	simm.s32 @!p0 $0x3  }
0x178: {  	_ =	swait.ge @!p0 [sflag:s0], s1  }
0x179: {  	s1 =	ssub.s32 @!p0 $0x0, s1;
	[sflag:s0] =	ssyncset.done @!p0 $0x0  }
0x17a: {  	[sflag:s0] =	ssyncadd.s32 @!p0 s1  }
0x17b: {  	[bflag:$0x3] =	sbarrier.arrive $0xFFFF  }
0x17c: {  	_ =	shalt  }

</sc_bundles>
